<compile_context>
chip_gen: v7x
topology: tpu7x:2x2x1
jax: 0.10.2.dev20260603
libtpu: 0.0.44.dev20260713+nightly
codegen_flags: <defaults>
</compile_context>

<pallas_src>
import functools

import numpy as np

import jax
import jax.numpy as jnp
from jax import lax
from jax.experimental import pallas as pl
from jax.experimental.pallas import tpu as pltpu
from jax.experimental.pallas import tpu_sc as plsc

N = 10000
E = 320000
D = 128
N_PAD = 10240
N_TILES = 32
CHUNK = 128
CPT = 80
E_PAD = N_TILES * CPT * CHUNK
N_STAGES = 2
CPS = CPT // N_STAGES
DUMMY = N
RPT = N_PAD // 16
DEG_W = 128
BM = 1024
GRID = N_PAD // BM


def _deg_body(dst_hbm, out_hbm, dst_v, ones_v, sem_s, acc):
    c = lax.axis_index("c")
    s = lax.axis_index("s")
    wid = c * 16 + s
    r0 = s * RPT

    def fill0(i, carry):
        ones_v[i] = jnp.zeros((DEG_W,), jnp.float32)
        return carry

    lax.fori_loop(0, CHUNK, fill0, 0)
    for t in range(RPT // CHUNK):
        pltpu.sync_copy(ones_v, acc.at[pl.ds(r0 + t * CHUNK, CHUNK)])

    def fill1(i, carry):
        ones_v[i] = jnp.full((DEG_W,), 1.0, jnp.float32)
        return carry

    lax.fori_loop(0, CHUNK, fill1, 0)
    plsc.subcore_barrier()

    for st in range(N_STAGES):
        pltpu.sync_copy(dst_hbm.at[wid, st], dst_v)

        def body(j, carry):
            pltpu.async_copy(ones_v, acc.at[dst_v.at[j]], sem_s, add=True)
            return carry

        lax.fori_loop(0, CPS, body, 0)

        def drain(j, carry):
            pltpu.make_async_copy(ones_v, acc.at[dst_v.at[0]], sem_s).wait()
            return carry

        lax.fori_loop(0, CPS, drain, 0)
    plsc.subcore_barrier()
    pltpu.sync_copy(acc.at[pl.ds(r0, RPT)], out_hbm.at[c, pl.ds(r0, RPT)])


@functools.cache
def _deg_call():
    return pl.kernel(
        _deg_body,
        out_type=jax.ShapeDtypeStruct((2, N_PAD, DEG_W), jnp.float32),
        scratch_types=[
            pltpu.VMEM((CPS, CHUNK), jnp.int32),
            pltpu.VMEM((CHUNK, DEG_W), jnp.float32),
            pltpu.SemaphoreType.DMA,
            pltpu.VMEM_SHARED((N_PAD, DEG_W), jnp.float32),
        ],
        mesh=plsc.VectorSubcoreMesh(core_axis_name="c", subcore_axis_name="s"),
    )



def _agg_body(g_hbm, src_hbm, dst_hbm, out_hbm,
              src_v, dst_v, rows_a, rows_b, sem_ga, sem_gb, acc):
    c = lax.axis_index("c")
    s = lax.axis_index("s")
    wid = c * 16 + s
    r0 = s * RPT

    def fill0(i, carry):
        rows_a[i] = jnp.zeros((D,), jnp.float32)
        return carry

    lax.fori_loop(0, CHUNK, fill0, 0)
    for t in range(RPT // CHUNK):
        pltpu.sync_copy(rows_a, acc.at[pl.ds(r0 + t * CHUNK, CHUNK)])
    plsc.subcore_barrier()

    npairs = CPS // 2

    for st in range(N_STAGES):
        pltpu.sync_copy(src_hbm.at[wid, st], src_v)
        pltpu.sync_copy(dst_hbm.at[wid, st], dst_v)
        pltpu.async_copy(g_hbm.at[src_v.at[0]], rows_a, sem_ga)
        pltpu.async_copy(g_hbm.at[src_v.at[1]], rows_b, sem_gb)

        def body(gidx, carry):
            ja = 2 * gidx
            jb = ja + 1
            pltpu.make_async_copy(g_hbm.at[src_v.at[ja]], rows_a, sem_ga).wait()
            pltpu.sync_copy(rows_a, acc.at[dst_v.at[ja]], add=True)

            @pl.when(gidx + 1 < npairs)
            def _start_a():
                pltpu.async_copy(g_hbm.at[src_v.at[ja + 2]], rows_a, sem_ga)

            pltpu.make_async_copy(g_hbm.at[src_v.at[jb]], rows_b, sem_gb).wait()
            pltpu.sync_copy(rows_b, acc.at[dst_v.at[jb]], add=True)

            @pl.when(gidx + 1 < npairs)
            def _start_b():
                pltpu.async_copy(g_hbm.at[src_v.at[jb + 2]], rows_b, sem_gb)

            return carry

        lax.fori_loop(0, npairs, body, 0)
    plsc.subcore_barrier()
    pltpu.sync_copy(acc.at[pl.ds(r0, RPT)], out_hbm.at[c, pl.ds(r0, RPT)])


@functools.cache
def _agg_call():
    return pl.kernel(
        _agg_body,
        out_type=jax.ShapeDtypeStruct((2, N_PAD, D), jnp.float32),
        scratch_types=[
            pltpu.VMEM((CPS, CHUNK), jnp.int32),
            pltpu.VMEM((CPS, CHUNK), jnp.int32),
            pltpu.VMEM((CHUNK, D), jnp.float32),
            pltpu.VMEM((CHUNK, D), jnp.float32),
            pltpu.SemaphoreType.DMA,
            pltpu.SemaphoreType.DMA,
            pltpu.VMEM_SHARED((N_PAD, D), jnp.float32),
        ],
        mesh=plsc.VectorSubcoreMesh(core_axis_name="c", subcore_axis_name="s"),
    )



def _mm1_body(x_ref, w_ref, o_ref):
    o_ref[...] = jnp.dot(
        x_ref[...], w_ref[...], preferred_element_type=jnp.float32)


_mm1_call = pl.pallas_call(
    _mm1_body,
    grid=(GRID,),
    in_specs=[
        pl.BlockSpec((BM, D), lambda i: (i, 0)),
        pl.BlockSpec((D, D), lambda i: (0, 0)),
    ],
    out_specs=pl.BlockSpec((BM, D), lambda i: (i, 0)),
    out_shape=jax.ShapeDtypeStruct((N_PAD, D), jnp.float32),
)


def _scale1_body(deg_ref, h1_ref, dinv_ref, g1_ref):
    dinv = lax.rsqrt(deg_ref[0] + deg_ref[1] + 1.0)
    dinv_ref[...] = dinv
    g1_ref[...] = dinv * h1_ref[...]


_scale1_call = pl.pallas_call(
    _scale1_body,
    grid=(GRID,),
    in_specs=[
        pl.BlockSpec((2, BM, DEG_W), lambda i: (0, i, 0)),
        pl.BlockSpec((BM, D), lambda i: (i, 0)),
    ],
    out_specs=[
        pl.BlockSpec((BM, D), lambda i: (i, 0)),
        pl.BlockSpec((BM, D), lambda i: (i, 0)),
    ],
    out_shape=[
        jax.ShapeDtypeStruct((N_PAD, D), jnp.float32),
        jax.ShapeDtypeStruct((N_PAD, D), jnp.float32),
    ],
)


def _mid_body(agg_ref, g1_ref, dinv_ref, b1_ref, w2_ref, o_ref):
    t = (dinv_ref[...] * (agg_ref[0] + agg_ref[1] + g1_ref[...])
         + b1_ref[...])
    t = jnp.maximum(t, 0.0)
    o_ref[...] = dinv_ref[...] * jnp.dot(
        t, w2_ref[...], preferred_element_type=jnp.float32)


_mid_call = pl.pallas_call(
    _mid_body,
    grid=(GRID,),
    in_specs=[
        pl.BlockSpec((2, BM, D), lambda i: (0, i, 0)),
        pl.BlockSpec((BM, D), lambda i: (i, 0)),
        pl.BlockSpec((BM, D), lambda i: (i, 0)),
        pl.BlockSpec((1, D), lambda i: (0, 0)),
        pl.BlockSpec((D, D), lambda i: (0, 0)),
    ],
    out_specs=pl.BlockSpec((BM, D), lambda i: (i, 0)),
    out_shape=jax.ShapeDtypeStruct((N_PAD, D), jnp.float32),
)

BMF = 1000


def _fin_body(agg_ref, g2_ref, dinv_ref, b2_ref, o_ref):
    o_ref[...] = (dinv_ref[...] * (agg_ref[0] + agg_ref[1] + g2_ref[...])
                  + b2_ref[...])


_fin_call = pl.pallas_call(
    _fin_body,
    grid=(N // BMF,),
    in_specs=[
        pl.BlockSpec((2, BMF, D), lambda i: (0, i, 0)),
        pl.BlockSpec((BMF, D), lambda i: (i, 0)),
        pl.BlockSpec((BMF, D), lambda i: (i, 0)),
        pl.BlockSpec((1, D), lambda i: (0, 0)),
    ],
    out_specs=pl.BlockSpec((BMF, D), lambda i: (i, 0)),
    out_shape=jax.ShapeDtypeStruct((N, D), jnp.float32),
)



def kernel(x, edge_index, W1, b1, W2, b2):
    ei = edge_index.astype(jnp.int32)
    pad_e = E_PAD - E
    it = np.arange(pad_e, dtype=np.int32)
    src_p = jnp.concatenate(
        [ei[0], jnp.asarray(it % N)]
    ).reshape(N_TILES, N_STAGES, CPS, CHUNK)
    dst_p = jnp.concatenate(
        [ei[1], jnp.asarray(DUMMY + it % (N_PAD - N))]
    ).reshape(N_TILES, N_STAGES, CPS, CHUNK)
    x_p = jnp.pad(x, ((0, N_PAD - N), (0, 0)))

    deg = _deg_call()(dst_p)
    h1 = _mm1_call(x_p, W1)
    dinv, g1 = _scale1_call(deg, h1)
    agg1 = _agg_call()(g1, src_p, dst_p)
    g2 = _mid_call(agg1, g1, dinv, b1.reshape(1, D), W2)
    agg2 = _agg_call()(g2, src_p, dst_p)
    return _fin_call(agg2, g2, dinv, b2.reshape(1, D))

# --- scband reference (transcript-rebuilt; emitter-appended) ---
"""Pipeline reference for scband-gcn-4432406250067 (READ-ONLY COPY).

The authoritative reference and input builder live on the scoring server;
editing this copy changes nothing except your own understanding.
"""

import jax, jax.numpy as jnp
import numpy as np

N_NODES = 10000
N_EDGES = 320000
D_IN = 128
D_HID = 128
D_OUT = 128


def setup_inputs(seed: int = 0) -> dict:
    key = jax.random.key(seed)
    k1, k2, k3, k4, k5, k6 = jax.random.split(key, 6)
    x = jax.random.normal(k1, (N_NODES, D_IN), dtype=jnp.float32)
    edge_index = jax.random.randint(k2, (2, N_EDGES), 0, N_NODES, dtype=jnp.int64)
    # Glorot-style init for GCN linear layers
    s1 = (6.0 / (D_IN + D_HID)) ** 0.5
    s2 = (6.0 / (D_HID + D_OUT)) ** 0.5
    W1 = jax.random.uniform(k3, (D_IN, D_HID), dtype=jnp.float32, minval=-s1, maxval=s1)
    b1 = jnp.zeros((D_HID,), dtype=jnp.float32)
    W2 = jax.random.uniform(k4, (D_HID, D_OUT), dtype=jnp.float32, minval=-s2, maxval=s2)
    b2 = jnp.zeros((D_OUT,), dtype=jnp.float32)
    return {"x": x, "edge_index": edge_index, "W1": W1, "b1": b1, "W2": W2, "b2": b2}


def _gcn_conv(x, src, dst, norm, W, b, n_nodes):
    # GCNConv: x' = D^-1/2 (A + I) D^-1/2 (x W) + b
    h = x @ W
    msg = h[src] * norm[:, None]
    out = jax.ops.segment_sum(msg, dst, num_segments=n_nodes)
    return out + b


def _build_norm(edge_index, n_nodes):
    src = edge_index[0]
    dst = edge_index[1]
    loop = jnp.arange(n_nodes, dtype=edge_index.dtype)
    src = jnp.concatenate([src, loop])
    dst = jnp.concatenate([dst, loop])
    deg = jnp.zeros((n_nodes,), dtype=jnp.float32).at[dst].add(1.0)
    deg_inv_sqrt = jnp.where(deg > 0, 1.0 / jnp.sqrt(deg), 0.0)
    norm = deg_inv_sqrt[src] * deg_inv_sqrt[dst]
    return src, dst, norm


def reference(x, edge_index, W1, b1, W2, b2):
    n_nodes = x.shape[0]
    src, dst, norm = _build_norm(edge_index, n_nodes)
    h = _gcn_conv(x, src, dst, norm, W1, b1, n_nodes)
    h = jax.nn.relu(h)
    out = _gcn_conv(h, src, dst, norm, W2, b2, n_nodes)
    return out

if __name__ == "__main__":
    import jax
    _d = setup_inputs()
    print(jax.jit(kernel)(*tuple(_d.values())))

</pallas_src>

<mosaic_0001>
#map = affine_map<(d0, d1) -> (0, 0)>
#map1 = affine_map<(d0, d1) -> (0, 0, 0, 0)>
#map2 = affine_map<(d0, d1) -> (0, 0, 0)>
module attributes {stable_mosaic.version = 14 : i64} {
  func.func @_agg_body(%arg0: i32, %arg1: i32, %arg2: memref<10240x128xf32, #tpu.memory_space<hbm>>, %arg3: memref<32x2x40x128xi32, #tpu.memory_space<hbm>>, %arg4: memref<32x2x40x128xi32, #tpu.memory_space<hbm>>, %arg5: memref<2x10240x128xf32, #tpu.memory_space<hbm>>, %arg6: memref<40x128xi32, #tpu.memory_space<vmem>>, %arg7: memref<40x128xi32, #tpu.memory_space<vmem>>, %arg8: memref<128x128xf32, #tpu.memory_space<vmem>>, %arg9: memref<128x128xf32, #tpu.memory_space<vmem>>, %arg10: memref<!tpu.dma_semaphore, #tpu.memory_space<semaphore_mem>>, %arg11: memref<!tpu.dma_semaphore, #tpu.memory_space<semaphore_mem>>, %arg12: memref<10240x128xf32, #tpu.memory_space<vmem_shared>>) attributes {dimension_semantics = [#tpu.dimension_semantics<core_parallel>, #tpu.dimension_semantics<subcore_parallel>], iteration_bounds = array<i64: 2, 16>, scalar_prefetch = 0 : i64, scratch_operands = 7 : i64, tpu.core_type = #tpu.core_type<sc_vector_subcore>, window_params = [{transform_indices = #map}, {transform_indices = #map1}, {transform_indices = #map1}, {transform_indices = #map2}]} {
    %mul3A = arith.constant 16 : i32
    %mul3A_0 = arith.muli %arg0, %mul3A : i32
    %add3A = arith.addi %mul3A_0, %arg1 : i32
    %mul3A_1 = arith.constant 640 : i32
    %mul3A_2 = arith.muli %arg1, %mul3A_1 : i32
    %scan3A = arith.constant 0 : i32
    %scan3A_3 = arith.constant 0 : i32
    %scan3A_4 = arith.constant 128 : i32
    %scan3A_5 = arith.addi %scan3A_3, %scan3A_4 : i32
    %scan3A_6 = arith.constant 1 : i32
    scf.for %scan3A_61 = %scan3A_3 to %scan3A_5 step %scan3A_6  : i32 {
      %broadcast_in_dim3A = arith.constant 0.000000e+00 : f32
      %broadcast_in_dim3A_62 = vector.broadcast %broadcast_in_dim3A : f32 to vector<128xf32>
      %swap3A = arith.index_cast %scan3A_61 : i32 to index
      %swap3A_63 = arith.constant 0 : index
      %swap3A_64 = tpu.vector_load %arg8[%swap3A, %swap3A_63] {strides = array<i32>} : memref<128x128xf32, #tpu.memory_space<vmem>>, vector<1x128xf32>,
      %swap3A_65 = vector.shape_cast %swap3A_64 : vector<1x128xf32> to vector<128xf32>
      %swap3A_66 = vector.shape_cast %broadcast_in_dim3A_62 : vector<128xf32> to vector<1x128xf32>
      tpu.vector_store %arg8[%swap3A, %swap3A_63], %swap3A_66 {strides = array<i32>} : memref<128x128xf32, #tpu.memory_space<vmem>>, vector<1x128xf32>,
    }
    %scan3A_7 = arith.constant 128 : i32
    %add3A_8 = arith.constant 0 : i32
    %add3A_9 = arith.addi %mul3A_2, %add3A_8 : i32
    "tpu.region"() ({
      %run_scoped3A_61 = tpu.sem_alloc : memref<!tpu.dma_semaphore, #tpu.memory_space<semaphore_mem>>
      %dma_start3A_62 = arith.constant 0 : i32
      %dma_start3A_63 = tpu.memref_slice %arg12[%add3A_9, %dma_start3A_62] : memref<10240x128xf32, #tpu.memory_space<vmem_shared>> -> memref<128x128xf32, #tpu.memory_space<vmem_shared>>
      %dma_start3A_64 = arith.constant 0 : i32
      %dma_start3A_65 = tpu.memref_slice %arg12[%add3A_9, %dma_start3A_64] : memref<10240x128xf32, #tpu.memory_space<vmem_shared>> -> memref<128x128xf32, #tpu.memory_space<vmem_shared>>
      tpu.enqueue_dma source(%arg8 : memref<128x128xf32, #tpu.memory_space<vmem>>) target(%dma_start3A_65 : memref<128x128xf32, #tpu.memory_space<vmem_shared>>) target_semaphore(%run_scoped3A_61 : memref<!tpu.dma_semaphore, #tpu.memory_space<semaphore_mem>>)
      %dma_wait3A = arith.constant 0 : i32
      %dma_wait3A_66 = tpu.memref_slice %arg12[%add3A_9, %dma_wait3A] : memref<10240x128xf32, #tpu.memory_space<vmem_shared>> -> memref<128x128xf32, #tpu.memory_space<vmem_shared>>
      %dma_wait3A_67 = arith.constant 0 : i32
      %dma_wait3A_68 = tpu.memref_slice %arg12[%add3A_9, %dma_wait3A_67] : memref<10240x128xf32, #tpu.memory_space<vmem_shared>> -> memref<128x128xf32, #tpu.memory_space<vmem_shared>>
      tpu.wait_dma2 semaphore(%run_scoped3A_61 : memref<!tpu.dma_semaphore, #tpu.memory_space<semaphore_mem>>) src(%arg8 : memref<128x128xf32, #tpu.memory_space<vmem>>) dst(%dma_wait3A_68 : memref<128x128xf32, #tpu.memory_space<vmem_shared>>)
      tpu.yield
    }) : () -> ()
    %add3A_10 = arith.constant 128 : i32
    %add3A_11 = arith.addi %mul3A_2, %add3A_10 : i32
    "tpu.region"() ({
      %run_scoped3A_61 = tpu.sem_alloc : memref<!tpu.dma_semaphore, #tpu.memory_space<semaphore_mem>>
      %dma_start3A_62 = arith.constant 0 : i32
      %dma_start3A_63 = tpu.memref_slice %arg12[%add3A_11, %dma_start3A_62] : memref<10240x128xf32, #tpu.memory_space<vmem_shared>> -> memref<128x128xf32, #tpu.memory_space<vmem_shared>>
      %dma_start3A_64 = arith.constant 0 : i32
      %dma_start3A_65 = tpu.memref_slice %arg12[%add3A_11, %dma_start3A_64] : memref<10240x128xf32, #tpu.memory_space<vmem_shared>> -> memref<128x128xf32, #tpu.memory_space<vmem_shared>>
      tpu.enqueue_dma source(%arg8 : memref<128x128xf32, #tpu.memory_space<vmem>>) target(%dma_start3A_65 : memref<128x128xf32, #tpu.memory_space<vmem_shared>>) target_semaphore(%run_scoped3A_61 : memref<!tpu.dma_semaphore, #tpu.memory_space<semaphore_mem>>)
      %dma_wait3A = arith.constant 0 : i32
      %dma_wait3A_66 = tpu.memref_slice %arg12[%add3A_11, %dma_wait3A] : memref<10240x128xf32, #tpu.memory_space<vmem_shared>> -> memref<128x128xf32, #tpu.memory_space<vmem_shared>>
      %dma_wait3A_67 = arith.constant 0 : i32
      %dma_wait3A_68 = tpu.memref_slice %arg12[%add3A_11, %dma_wait3A_67] : memref<10240x128xf32, #tpu.memory_space<vmem_shared>> -> memref<128x128xf32, #tpu.memory_space<vmem_shared>>
      tpu.wait_dma2 semaphore(%run_scoped3A_61 : memref<!tpu.dma_semaphore, #tpu.memory_space<semaphore_mem>>) src(%arg8 : memref<128x128xf32, #tpu.memory_space<vmem>>) dst(%dma_wait3A_68 : memref<128x128xf32, #tpu.memory_space<vmem_shared>>)
      tpu.yield
    }) : () -> ()
    %add3A_12 = arith.constant 256 : i32
    %add3A_13 = arith.addi %mul3A_2, %add3A_12 : i32
    "tpu.region"() ({
      %run_scoped3A_61 = tpu.sem_alloc : memref<!tpu.dma_semaphore, #tpu.memory_space<semaphore_mem>>
      %dma_start3A_62 = arith.constant 0 : i32
      %dma_start3A_63 = tpu.memref_slice %arg12[%add3A_13, %dma_start3A_62] : memref<10240x128xf32, #tpu.memory_space<vmem_shared>> -> memref<128x128xf32, #tpu.memory_space<vmem_shared>>
      %dma_start3A_64 = arith.constant 0 : i32
      %dma_start3A_65 = tpu.memref_slice %arg12[%add3A_13, %dma_start3A_64] : memref<10240x128xf32, #tpu.memory_space<vmem_shared>> -> memref<128x128xf32, #tpu.memory_space<vmem_shared>>
      tpu.enqueue_dma source(%arg8 : memref<128x128xf32, #tpu.memory_space<vmem>>) target(%dma_start3A_65 : memref<128x128xf32, #tpu.memory_space<vmem_shared>>) target_semaphore(%run_scoped3A_61 : memref<!tpu.dma_semaphore, #tpu.memory_space<semaphore_mem>>)
      %dma_wait3A = arith.constant 0 : i32
      %dma_wait3A_66 = tpu.memref_slice %arg12[%add3A_13, %dma_wait3A] : memref<10240x128xf32, #tpu.memory_space<vmem_shared>> -> memref<128x128xf32, #tpu.memory_space<vmem_shared>>
      %dma_wait3A_67 = arith.constant 0 : i32
      %dma_wait3A_68 = tpu.memref_slice %arg12[%add3A_13, %dma_wait3A_67] : memref<10240x128xf32, #tpu.memory_space<vmem_shared>> -> memref<128x128xf32, #tpu.memory_space<vmem_shared>>
      tpu.wait_dma2 semaphore(%run_scoped3A_61 : memref<!tpu.dma_semaphore, #tpu.memory_space<semaphore_mem>>) src(%arg8 : memref<128x128xf32, #tpu.memory_space<vmem>>) dst(%dma_wait3A_68 : memref<128x128xf32, #tpu.memory_space<vmem_shared>>)
      tpu.yield
    }) : () -> ()
    %add3A_14 = arith.constant 384 : i32
    %add3A_15 = arith.addi %mul3A_2, %add3A_14 : i32
    "tpu.region"() ({
      %run_scoped3A_61 = tpu.sem_alloc : memref<!tpu.dma_semaphore, #tpu.memory_space<semaphore_mem>>
      %dma_start3A_62 = arith.constant 0 : i32
      %dma_start3A_63 = tpu.memref_slice %arg12[%add3A_15, %dma_start3A_62] : memref<10240x128xf32, #tpu.memory_space<vmem_shared>> -> memref<128x128xf32, #tpu.memory_space<vmem_shared>>
      %dma_start3A_64 = arith.constant 0 : i32
      %dma_start3A_65 = tpu.memref_slice %arg12[%add3A_15, %dma_start3A_64] : memref<10240x128xf32, #tpu.memory_space<vmem_shared>> -> memref<128x128xf32, #tpu.memory_space<vmem_shared>>
      tpu.enqueue_dma source(%arg8 : memref<128x128xf32, #tpu.memory_space<vmem>>) target(%dma_start3A_65 : memref<128x128xf32, #tpu.memory_space<vmem_shared>>) target_semaphore(%run_scoped3A_61 : memref<!tpu.dma_semaphore, #tpu.memory_space<semaphore_mem>>)
      %dma_wait3A = arith.constant 0 : i32
      %dma_wait3A_66 = tpu.memref_slice %arg12[%add3A_15, %dma_wait3A] : memref<10240x128xf32, #tpu.memory_space<vmem_shared>> -> memref<128x128xf32, #tpu.memory_space<vmem_shared>>
      %dma_wait3A_67 = arith.constant 0 : i32
      %dma_wait3A_68 = tpu.memref_slice %arg12[%add3A_15, %dma_wait3A_67] : memref<10240x128xf32, #tpu.memory_space<vmem_shared>> -> memref<128x128xf32, #tpu.memory_space<vmem_shared>>
      tpu.wait_dma2 semaphore(%run_scoped3A_61 : memref<!tpu.dma_semaphore, #tpu.memory_space<semaphore_mem>>) src(%arg8 : memref<128x128xf32, #tpu.memory_space<vmem>>) dst(%dma_wait3A_68 : memref<128x128xf32, #tpu.memory_space<vmem_shared>>)
      tpu.yield
    }) : () -> ()
    %add3A_16 = arith.constant 512 : i32
    %add3A_17 = arith.addi %mul3A_2, %add3A_16 : i32
    "tpu.region"() ({
      %run_scoped3A_61 = tpu.sem_alloc : memref<!tpu.dma_semaphore, #tpu.memory_space<semaphore_mem>>
      %dma_start3A_62 = arith.constant 0 : i32
      %dma_start3A_63 = tpu.memref_slice %arg12[%add3A_17, %dma_start3A_62] : memref<10240x128xf32, #tpu.memory_space<vmem_shared>> -> memref<128x128xf32, #tpu.memory_space<vmem_shared>>
      %dma_start3A_64 = arith.constant 0 : i32
      %dma_start3A_65 = tpu.memref_slice %arg12[%add3A_17, %dma_start3A_64] : memref<10240x128xf32, #tpu.memory_space<vmem_shared>> -> memref<128x128xf32, #tpu.memory_space<vmem_shared>>
      tpu.enqueue_dma source(%arg8 : memref<128x128xf32, #tpu.memory_space<vmem>>) target(%dma_start3A_65 : memref<128x128xf32, #tpu.memory_space<vmem_shared>>) target_semaphore(%run_scoped3A_61 : memref<!tpu.dma_semaphore, #tpu.memory_space<semaphore_mem>>)
      %dma_wait3A = arith.constant 0 : i32
      %dma_wait3A_66 = tpu.memref_slice %arg12[%add3A_17, %dma_wait3A] : memref<10240x128xf32, #tpu.memory_space<vmem_shared>> -> memref<128x128xf32, #tpu.memory_space<vmem_shared>>
      %dma_wait3A_67 = arith.constant 0 : i32
      %dma_wait3A_68 = tpu.memref_slice %arg12[%add3A_17, %dma_wait3A_67] : memref<10240x128xf32, #tpu.memory_space<vmem_shared>> -> memref<128x128xf32, #tpu.memory_space<vmem_shared>>
      tpu.wait_dma2 semaphore(%run_scoped3A_61 : memref<!tpu.dma_semaphore, #tpu.memory_space<semaphore_mem>>) src(%arg8 : memref<128x128xf32, #tpu.memory_space<vmem>>) dst(%dma_wait3A_68 : memref<128x128xf32, #tpu.memory_space<vmem_shared>>)
      tpu.yield
    }) : () -> ()
    %barrier3A = arith.constant 0 : index
    tpu.barrier barrier_id(%barrier3A)
    %run_scoped3A = arith.constant 0 : i32
    "tpu.region"() ({
      %run_scoped3A_61 = tpu.sem_alloc : memref<!tpu.dma_semaphore, #tpu.memory_space<semaphore_mem>>
      %dma_start3A_62 = arith.constant 0 : i32
      %dma_start3A_63 = arith.constant 0 : i32
      %dma_start3A_64 = tpu.memref_slice %arg3[%add3A, %run_scoped3A, %dma_start3A_62, %dma_start3A_63] : memref<32x2x40x128xi32, #tpu.memory_space<hbm>> -> memref<1x1x40x128xi32, #tpu.memory_space<hbm>>
      %dma_start3A_65 = tpu.memref_squeeze %dma_start3A_64 : memref<1x1x40x128xi32, #tpu.memory_space<hbm>> -> memref<40x128xi32, #tpu.memory_space<hbm>>
      %dma_start3A_66 = arith.constant 0 : i32
      %dma_start3A_67 = arith.constant 0 : i32
      %dma_start3A_68 = tpu.memref_slice %arg3[%add3A, %run_scoped3A, %dma_start3A_66, %dma_start3A_67] : memref<32x2x40x128xi32, #tpu.memory_space<hbm>> -> memref<1x1x40x128xi32, #tpu.memory_space<hbm>>
      %dma_start3A_69 = tpu.memref_squeeze %dma_start3A_68 : memref<1x1x40x128xi32, #tpu.memory_space<hbm>> -> memref<40x128xi32, #tpu.memory_space<hbm>>
      tpu.enqueue_dma source(%dma_start3A_69 : memref<40x128xi32, #tpu.memory_space<hbm>>) target(%arg6 : memref<40x128xi32, #tpu.memory_space<vmem>>) target_semaphore(%run_scoped3A_61 : memref<!tpu.dma_semaphore, #tpu.memory_space<semaphore_mem>>)
      %dma_wait3A = arith.constant 0 : i32
      %dma_wait3A_70 = arith.constant 0 : i32
      %dma_wait3A_71 = tpu.memref_slice %arg3[%add3A, %run_scoped3A, %dma_wait3A, %dma_wait3A_70] : memref<32x2x40x128xi32, #tpu.memory_space<hbm>> -> memref<1x1x40x128xi32, #tpu.memory_space<hbm>>
      %dma_wait3A_72 = tpu.memref_squeeze %dma_wait3A_71 : memref<1x1x40x128xi32, #tpu.memory_space<hbm>> -> memref<40x128xi32, #tpu.memory_space<hbm>>
      %dma_wait3A_73 = arith.constant 0 : i32
      %dma_wait3A_74 = arith.constant 0 : i32
      %dma_wait3A_75 = tpu.memref_slice %arg3[%add3A, %run_scoped3A, %dma_wait3A_73, %dma_wait3A_74] : memref<32x2x40x128xi32, #tpu.memory_space<hbm>> -> memref<1x1x40x128xi32, #tpu.memory_space<hbm>>
      %dma_wait3A_76 = tpu.memref_squeeze %dma_wait3A_75 : memref<1x1x40x128xi32, #tpu.memory_space<hbm>> -> memref<40x128xi32, #tpu.memory_space<hbm>>
      tpu.wait_dma2 semaphore(%run_scoped3A_61 : memref<!tpu.dma_semaphore, #tpu.memory_space<semaphore_mem>>) src(%dma_wait3A_76 : memref<40x128xi32, #tpu.memory_space<hbm>>) dst(%arg6 : memref<40x128xi32, #tpu.memory_space<vmem>>)
      tpu.yield
    }) : () -> ()
    %run_scoped3A_18 = arith.constant 0 : i32
    "tpu.region"() ({
      %run_scoped3A_61 = tpu.sem_alloc : memref<!tpu.dma_semaphore, #tpu.memory_space<semaphore_mem>>
      %dma_start3A_62 = arith.constant 0 : i32
      %dma_start3A_63 = arith.constant 0 : i32
      %dma_start3A_64 = tpu.memref_slice %arg4[%add3A, %run_scoped3A_18, %dma_start3A_62, %dma_start3A_63] : memref<32x2x40x128xi32, #tpu.memory_space<hbm>> -> memref<1x1x40x128xi32, #tpu.memory_space<hbm>>
      %dma_start3A_65 = tpu.memref_squeeze %dma_start3A_64 : memref<1x1x40x128xi32, #tpu.memory_space<hbm>> -> memref<40x128xi32, #tpu.memory_space<hbm>>
      %dma_start3A_66 = arith.constant 0 : i32
      %dma_start3A_67 = arith.constant 0 : i32
      %dma_start3A_68 = tpu.memref_slice %arg4[%add3A, %run_scoped3A_18, %dma_start3A_66, %dma_start3A_67] : memref<32x2x40x128xi32, #tpu.memory_space<hbm>> -> memref<1x1x40x128xi32, #tpu.memory_space<hbm>>
      %dma_start3A_69 = tpu.memref_squeeze %dma_start3A_68 : memref<1x1x40x128xi32, #tpu.memory_space<hbm>> -> memref<40x128xi32, #tpu.memory_space<hbm>>
      tpu.enqueue_dma source(%dma_start3A_69 : memref<40x128xi32, #tpu.memory_space<hbm>>) target(%arg7 : memref<40x128xi32, #tpu.memory_space<vmem>>) target_semaphore(%run_scoped3A_61 : memref<!tpu.dma_semaphore, #tpu.memory_space<semaphore_mem>>)
      %dma_wait3A = arith.constant 0 : i32
      %dma_wait3A_70 = arith.constant 0 : i32
      %dma_wait3A_71 = tpu.memref_slice %arg4[%add3A, %run_scoped3A_18, %dma_wait3A, %dma_wait3A_70] : memref<32x2x40x128xi32, #tpu.memory_space<hbm>> -> memref<1x1x40x128xi32, #tpu.memory_space<hbm>>
      %dma_wait3A_72 = tpu.memref_squeeze %dma_wait3A_71 : memref<1x1x40x128xi32, #tpu.memory_space<hbm>> -> memref<40x128xi32, #tpu.memory_space<hbm>>
      %dma_wait3A_73 = arith.constant 0 : i32
      %dma_wait3A_74 = arith.constant 0 : i32
      %dma_wait3A_75 = tpu.memref_slice %arg4[%add3A, %run_scoped3A_18, %dma_wait3A_73, %dma_wait3A_74] : memref<32x2x40x128xi32, #tpu.memory_space<hbm>> -> memref<1x1x40x128xi32, #tpu.memory_space<hbm>>
      %dma_wait3A_76 = tpu.memref_squeeze %dma_wait3A_75 : memref<1x1x40x128xi32, #tpu.memory_space<hbm>> -> memref<40x128xi32, #tpu.memory_space<hbm>>
      tpu.wait_dma2 semaphore(%run_scoped3A_61 : memref<!tpu.dma_semaphore, #tpu.memory_space<semaphore_mem>>) src(%dma_wait3A_76 : memref<40x128xi32, #tpu.memory_space<hbm>>) dst(%arg7 : memref<40x128xi32, #tpu.memory_space<vmem>>)
      tpu.yield
    }) : () -> ()
    %dma_start3A = arith.constant 0 : i32
    %dma_start3A_19 = arith.constant 0 : i32
    %dma_start3A_20 = tpu.memref_slice %arg6[%dma_start3A, %dma_start3A_19] : memref<40x128xi32, #tpu.memory_space<vmem>> -> memref<1x128xi32, #tpu.memory_space<vmem>>
    %dma_start3A_21 = tpu.memref_squeeze %dma_start3A_20 : memref<1x128xi32, #tpu.memory_space<vmem>> -> memref<128xi32, #tpu.memory_space<vmem>>
    %dma_start3A_22 = arith.constant 0 : i32
    %dma_start3A_23 = arith.constant 0 : i32
    %dma_start3A_24 = tpu.memref_slice %arg2[%dma_start3A_22, %dma_start3A_23] : memref<10240x128xf32, #tpu.memory_space<hbm>> -> memref<10240x128xf32, #tpu.memory_space<hbm>>
    tpu.enqueue_indirect_dma source(%dma_start3A_24 : memref<10240x128xf32, #tpu.memory_space<hbm>>) target(%arg8 : memref<128x128xf32, #tpu.memory_space<vmem>>) offsets(%dma_start3A_21 : memref<128xi32, #tpu.memory_space<vmem>>) semaphore(%arg10 : memref<!tpu.dma_semaphore, #tpu.memory_space<semaphore_mem>>)
    %dma_start3A_25 = arith.constant 1 : i32
    %dma_start3A_26 = arith.constant 0 : i32
    %dma_start3A_27 = tpu.memref_slice %arg6[%dma_start3A_25, %dma_start3A_26] : memref<40x128xi32, #tpu.memory_space<vmem>> -> memref<1x128xi32, #tpu.memory_space<vmem>>
    %dma_start3A_28 = tpu.memref_squeeze %dma_start3A_27 : memref<1x128xi32, #tpu.memory_space<vmem>> -> memref<128xi32, #tpu.memory_space<vmem>>
    %dma_start3A_29 = arith.constant 0 : i32
    %dma_start3A_30 = arith.constant 0 : i32
    %dma_start3A_31 = tpu.memref_slice %arg2[%dma_start3A_29, %dma_start3A_30] : memref<10240x128xf32, #tpu.memory_space<hbm>> -> memref<10240x128xf32, #tpu.memory_space<hbm>>
    tpu.enqueue_indirect_dma source(%dma_start3A_31 : memref<10240x128xf32, #tpu.memory_space<hbm>>) target(%arg9 : memref<128x128xf32, #tpu.memory_space<vmem>>) offsets(%dma_start3A_28 : memref<128xi32, #tpu.memory_space<vmem>>) semaphore(%arg11 : memref<!tpu.dma_semaphore, #tpu.memory_space<semaphore_mem>>)
    %scan3A_32 = arith.constant 0 : i32
    %scan3A_33 = arith.constant 0 : i32
    %scan3A_34 = arith.constant 20 : i32
    %scan3A_35 = arith.addi %scan3A_33, %scan3A_34 : i32
    %scan3A_36 = arith.constant 1 : i32
    scf.for %scan3A_61 = %scan3A_33 to %scan3A_35 step %scan3A_36  : i32 {
      %mul3A_62 = arith.constant 2 : i32
      %mul3A_63 = arith.muli %mul3A_62, %scan3A_61 : i32
      %add3A_64 = arith.constant 1 : i32
      %add3A_65 = arith.addi %mul3A_63, %add3A_64 : i32
      %dma_wait3A = arith.constant 0 : i32
      %dma_wait3A_66 = tpu.memref_slice %arg6[%mul3A_63, %dma_wait3A] : memref<40x128xi32, #tpu.memory_space<vmem>> -> memref<1x128xi32, #tpu.memory_space<vmem>>
      %dma_wait3A_67 = tpu.memref_squeeze %dma_wait3A_66 : memref<1x128xi32, #tpu.memory_space<vmem>> -> memref<128xi32, #tpu.memory_space<vmem>>
      %dma_wait3A_68 = arith.constant 0 : i32
      %dma_wait3A_69 = arith.constant 0 : i32
      %dma_wait3A_70 = tpu.memref_slice %arg2[%dma_wait3A_68, %dma_wait3A_69] : memref<10240x128xf32, #tpu.memory_space<hbm>> -> memref<10240x128xf32, #tpu.memory_space<hbm>>
      tpu.wait_indirect_dma semaphore(%arg10 : memref<!tpu.dma_semaphore, #tpu.memory_space<semaphore_mem>>) src(%dma_wait3A_70 : memref<10240x128xf32, #tpu.memory_space<hbm>>) dst(%arg8 : memref<128x128xf32, #tpu.memory_space<vmem>>)
      "tpu.region"() ({
        %run_scoped3A_88 = tpu.sem_alloc : memref<!tpu.dma_semaphore, #tpu.memory_space<semaphore_mem>>
        %dma_start3A_89 = arith.constant 0 : i32
        %dma_start3A_90 = tpu.memref_slice %arg7[%mul3A_63, %dma_start3A_89] : memref<40x128xi32, #tpu.memory_space<vmem>> -> memref<1x128xi32, #tpu.memory_space<vmem>>
        %dma_start3A_91 = tpu.memref_squeeze %dma_start3A_90 : memref<1x128xi32, #tpu.memory_space<vmem>> -> memref<128xi32, #tpu.memory_space<vmem>>
        %dma_start3A_92 = arith.constant 0 : i32
        %dma_start3A_93 = arith.constant 0 : i32
        %dma_start3A_94 = tpu.memref_slice %arg12[%dma_start3A_92, %dma_start3A_93] : memref<10240x128xf32, #tpu.memory_space<vmem_shared>> -> memref<10240x128xf32, #tpu.memory_space<vmem_shared>>
        tpu.enqueue_indirect_dma source(%arg8 : memref<128x128xf32, #tpu.memory_space<vmem>>) target(%dma_start3A_94 : memref<10240x128xf32, #tpu.memory_space<vmem_shared>>) offsets(%dma_start3A_91 : memref<128xi32, #tpu.memory_space<vmem>>) semaphore(%run_scoped3A_88 : memref<!tpu.dma_semaphore, #tpu.memory_space<semaphore_mem>>) {add = true}
        %dma_wait3A_95 = arith.constant 0 : i32
        %dma_wait3A_96 = tpu.memref_slice %arg7[%mul3A_63, %dma_wait3A_95] : memref<40x128xi32, #tpu.memory_space<vmem>> -> memref<1x128xi32, #tpu.memory_space<vmem>>
        %dma_wait3A_97 = tpu.memref_squeeze %dma_wait3A_96 : memref<1x128xi32, #tpu.memory_space<vmem>> -> memref<128xi32, #tpu.memory_space<vmem>>
        %dma_wait3A_98 = arith.constant 0 : i32
        %dma_wait3A_99 = arith.constant 0 : i32
        %dma_wait3A_100 = tpu.memref_slice %arg12[%dma_wait3A_98, %dma_wait3A_99] : memref<10240x128xf32, #tpu.memory_space<vmem_shared>> -> memref<10240x128xf32, #tpu.memory_space<vmem_shared>>
        tpu.wait_indirect_dma semaphore(%run_scoped3A_88 : memref<!tpu.dma_semaphore, #tpu.memory_space<semaphore_mem>>) src(%arg8 : memref<128x128xf32, #tpu.memory_space<vmem>>) dst(%dma_wait3A_100 : memref<10240x128xf32, #tpu.memory_space<vmem_shared>>)
        tpu.yield
      }) : () -> ()
      %add3A_71 = arith.constant 1 : i32
      %add3A_72 = arith.addi %scan3A_61, %add3A_71 : i32
      %lt3A = arith.constant 20 : i32
      %lt3A_73 = arith.cmpi slt, %add3A_72, %lt3A : i32
      %convert_element_type3A = arith.extui %lt3A_73 : i1 to i32
      %cond3A = arith.constant 0 : i32
      %cond3A_74 = arith.cmpi ne, %convert_element_type3A, %cond3A : i32
      scf.if %cond3A_74 {
        %add3A_88 = arith.constant 2 : i32
        %add3A_89 = arith.addi %mul3A_63, %add3A_88 : i32
        %dma_start3A_90 = arith.constant 0 : i32
        %dma_start3A_91 = tpu.memref_slice %arg6[%add3A_89, %dma_start3A_90] : memref<40x128xi32, #tpu.memory_space<vmem>> -> memref<1x128xi32, #tpu.memory_space<vmem>>
        %dma_start3A_92 = tpu.memref_squeeze %dma_start3A_91 : memref<1x128xi32, #tpu.memory_space<vmem>> -> memref<128xi32, #tpu.memory_space<vmem>>
        %dma_start3A_93 = arith.constant 0 : i32
        %dma_start3A_94 = arith.constant 0 : i32
        %dma_start3A_95 = tpu.memref_slice %arg2[%dma_start3A_93, %dma_start3A_94] : memref<10240x128xf32, #tpu.memory_space<hbm>> -> memref<10240x128xf32, #tpu.memory_space<hbm>>
        tpu.enqueue_indirect_dma source(%dma_start3A_95 : memref<10240x128xf32, #tpu.memory_space<hbm>>) target(%arg8 : memref<128x128xf32, #tpu.memory_space<vmem>>) offsets(%dma_start3A_92 : memref<128xi32, #tpu.memory_space<vmem>>) semaphore(%arg10 : memref<!tpu.dma_semaphore, #tpu.memory_space<semaphore_mem>>)
      } else {
      }
      %dma_wait3A_75 = arith.constant 0 : i32
      %dma_wait3A_76 = tpu.memref_slice %arg6[%add3A_65, %dma_wait3A_75] : memref<40x128xi32, #tpu.memory_space<vmem>> -> memref<1x128xi32, #tpu.memory_space<vmem>>
      %dma_wait3A_77 = tpu.memref_squeeze %dma_wait3A_76 : memref<1x128xi32, #tpu.memory_space<vmem>> -> memref<128xi32, #tpu.memory_space<vmem>>
      %dma_wait3A_78 = arith.constant 0 : i32
      %dma_wait3A_79 = arith.constant 0 : i32
      %dma_wait3A_80 = tpu.memref_slice %arg2[%dma_wait3A_78, %dma_wait3A_79] : memref<10240x128xf32, #tpu.memory_space<hbm>> -> memref<10240x128xf32, #tpu.memory_space<hbm>>
      tpu.wait_indirect_dma semaphore(%arg11 : memref<!tpu.dma_semaphore, #tpu.memory_space<semaphore_mem>>) src(%dma_wait3A_80 : memref<10240x128xf32, #tpu.memory_space<hbm>>) dst(%arg9 : memref<128x128xf32, #tpu.memory_space<vmem>>)
      "tpu.region"() ({
        %run_scoped3A_88 = tpu.sem_alloc : memref<!tpu.dma_semaphore, #tpu.memory_space<semaphore_mem>>
        %dma_start3A_89 = arith.constant 0 : i32
        %dma_start3A_90 = tpu.memref_slice %arg7[%add3A_65, %dma_start3A_89] : memref<40x128xi32, #tpu.memory_space<vmem>> -> memref<1x128xi32, #tpu.memory_space<vmem>>
        %dma_start3A_91 = tpu.memref_squeeze %dma_start3A_90 : memref<1x128xi32, #tpu.memory_space<vmem>> -> memref<128xi32, #tpu.memory_space<vmem>>
        %dma_start3A_92 = arith.constant 0 : i32
        %dma_start3A_93 = arith.constant 0 : i32
        %dma_start3A_94 = tpu.memref_slice %arg12[%dma_start3A_92, %dma_start3A_93] : memref<10240x128xf32, #tpu.memory_space<vmem_shared>> -> memref<10240x128xf32, #tpu.memory_space<vmem_shared>>
        tpu.enqueue_indirect_dma source(%arg9 : memref<128x128xf32, #tpu.memory_space<vmem>>) target(%dma_start3A_94 : memref<10240x128xf32, #tpu.memory_space<vmem_shared>>) offsets(%dma_start3A_91 : memref<128xi32, #tpu.memory_space<vmem>>) semaphore(%run_scoped3A_88 : memref<!tpu.dma_semaphore, #tpu.memory_space<semaphore_mem>>) {add = true}
        %dma_wait3A_95 = arith.constant 0 : i32
        %dma_wait3A_96 = tpu.memref_slice %arg7[%add3A_65, %dma_wait3A_95] : memref<40x128xi32, #tpu.memory_space<vmem>> -> memref<1x128xi32, #tpu.memory_space<vmem>>
        %dma_wait3A_97 = tpu.memref_squeeze %dma_wait3A_96 : memref<1x128xi32, #tpu.memory_space<vmem>> -> memref<128xi32, #tpu.memory_space<vmem>>
        %dma_wait3A_98 = arith.constant 0 : i32
        %dma_wait3A_99 = arith.constant 0 : i32
        %dma_wait3A_100 = tpu.memref_slice %arg12[%dma_wait3A_98, %dma_wait3A_99] : memref<10240x128xf32, #tpu.memory_space<vmem_shared>> -> memref<10240x128xf32, #tpu.memory_space<vmem_shared>>
        tpu.wait_indirect_dma semaphore(%run_scoped3A_88 : memref<!tpu.dma_semaphore, #tpu.memory_space<semaphore_mem>>) src(%arg9 : memref<128x128xf32, #tpu.memory_space<vmem>>) dst(%dma_wait3A_100 : memref<10240x128xf32, #tpu.memory_space<vmem_shared>>)
        tpu.yield
      }) : () -> ()
      %add3A_81 = arith.constant 1 : i32
      %add3A_82 = arith.addi %scan3A_61, %add3A_81 : i32
      %lt3A_83 = arith.constant 20 : i32
      %lt3A_84 = arith.cmpi slt, %add3A_82, %lt3A_83 : i32
      %convert_element_type3A_85 = arith.extui %lt3A_84 : i1 to i32
      %cond3A_86 = arith.constant 0 : i32
      %cond3A_87 = arith.cmpi ne, %convert_element_type3A_85, %cond3A_86 : i32
      scf.if %cond3A_87 {
        %add3A_88 = arith.constant 2 : i32
        %add3A_89 = arith.addi %add3A_65, %add3A_88 : i32
        %dma_start3A_90 = arith.constant 0 : i32
        %dma_start3A_91 = tpu.memref_slice %arg6[%add3A_89, %dma_start3A_90] : memref<40x128xi32, #tpu.memory_space<vmem>> -> memref<1x128xi32, #tpu.memory_space<vmem>>
        %dma_start3A_92 = tpu.memref_squeeze %dma_start3A_91 : memref<1x128xi32, #tpu.memory_space<vmem>> -> memref<128xi32, #tpu.memory_space<vmem>>
        %dma_start3A_93 = arith.constant 0 : i32
        %dma_start3A_94 = arith.constant 0 : i32
        %dma_start3A_95 = tpu.memref_slice %arg2[%dma_start3A_93, %dma_start3A_94] : memref<10240x128xf32, #tpu.memory_space<hbm>> -> memref<10240x128xf32, #tpu.memory_space<hbm>>
        tpu.enqueue_indirect_dma source(%dma_start3A_95 : memref<10240x128xf32, #tpu.memory_space<hbm>>) target(%arg9 : memref<128x128xf32, #tpu.memory_space<vmem>>) offsets(%dma_start3A_92 : memref<128xi32, #tpu.memory_space<vmem>>) semaphore(%arg11 : memref<!tpu.dma_semaphore, #tpu.memory_space<semaphore_mem>>)
      } else {
      }
    }
    %scan3A_37 = arith.constant 20 : i32
    %run_scoped3A_38 = arith.constant 1 : i32
    "tpu.region"() ({
      %run_scoped3A_61 = tpu.sem_alloc : memref<!tpu.dma_semaphore, #tpu.memory_space<semaphore_mem>>
      %dma_start3A_62 = arith.constant 0 : i32
      %dma_start3A_63 = arith.constant 0 : i32
      %dma_start3A_64 = tpu.memref_slice %arg3[%add3A, %run_scoped3A_38, %dma_start3A_62, %dma_start3A_63] : memref<32x2x40x128xi32, #tpu.memory_space<hbm>> -> memref<1x1x40x128xi32, #tpu.memory_space<hbm>>
      %dma_start3A_65 = tpu.memref_squeeze %dma_start3A_64 : memref<1x1x40x128xi32, #tpu.memory_space<hbm>> -> memref<40x128xi32, #tpu.memory_space<hbm>>
      %dma_start3A_66 = arith.constant 0 : i32
      %dma_start3A_67 = arith.constant 0 : i32
      %dma_start3A_68 = tpu.memref_slice %arg3[%add3A, %run_scoped3A_38, %dma_start3A_66, %dma_start3A_67] : memref<32x2x40x128xi32, #tpu.memory_space<hbm>> -> memref<1x1x40x128xi32, #tpu.memory_space<hbm>>
      %dma_start3A_69 = tpu.memref_squeeze %dma_start3A_68 : memref<1x1x40x128xi32, #tpu.memory_space<hbm>> -> memref<40x128xi32, #tpu.memory_space<hbm>>
      tpu.enqueue_dma source(%dma_start3A_69 : memref<40x128xi32, #tpu.memory_space<hbm>>) target(%arg6 : memref<40x128xi32, #tpu.memory_space<vmem>>) target_semaphore(%run_scoped3A_61 : memref<!tpu.dma_semaphore, #tpu.memory_space<semaphore_mem>>)
      %dma_wait3A = arith.constant 0 : i32
      %dma_wait3A_70 = arith.constant 0 : i32
      %dma_wait3A_71 = tpu.memref_slice %arg3[%add3A, %run_scoped3A_38, %dma_wait3A, %dma_wait3A_70] : memref<32x2x40x128xi32, #tpu.memory_space<hbm>> -> memref<1x1x40x128xi32, #tpu.memory_space<hbm>>
      %dma_wait3A_72 = tpu.memref_squeeze %dma_wait3A_71 : memref<1x1x40x128xi32, #tpu.memory_space<hbm>> -> memref<40x128xi32, #tpu.memory_space<hbm>>
      %dma_wait3A_73 = arith.constant 0 : i32
      %dma_wait3A_74 = arith.constant 0 : i32
      %dma_wait3A_75 = tpu.memref_slice %arg3[%add3A, %run_scoped3A_38, %dma_wait3A_73, %dma_wait3A_74] : memref<32x2x40x128xi32, #tpu.memory_space<hbm>> -> memref<1x1x40x128xi32, #tpu.memory_space<hbm>>
      %dma_wait3A_76 = tpu.memref_squeeze %dma_wait3A_75 : memref<1x1x40x128xi32, #tpu.memory_space<hbm>> -> memref<40x128xi32, #tpu.memory_space<hbm>>
      tpu.wait_dma2 semaphore(%run_scoped3A_61 : memref<!tpu.dma_semaphore, #tpu.memory_space<semaphore_mem>>) src(%dma_wait3A_76 : memref<40x128xi32, #tpu.memory_space<hbm>>) dst(%arg6 : memref<40x128xi32, #tpu.memory_space<vmem>>)
      tpu.yield
    }) : () -> ()
    %run_scoped3A_39 = arith.constant 1 : i32
    "tpu.region"() ({
      %run_scoped3A_61 = tpu.sem_alloc : memref<!tpu.dma_semaphore, #tpu.memory_space<semaphore_mem>>
      %dma_start3A_62 = arith.constant 0 : i32
      %dma_start3A_63 = arith.constant 0 : i32
      %dma_start3A_64 = tpu.memref_slice %arg4[%add3A, %run_scoped3A_39, %dma_start3A_62, %dma_start3A_63] : memref<32x2x40x128xi32, #tpu.memory_space<hbm>> -> memref<1x1x40x128xi32, #tpu.memory_space<hbm>>
      %dma_start3A_65 = tpu.memref_squeeze %dma_start3A_64 : memref<1x1x40x128xi32, #tpu.memory_space<hbm>> -> memref<40x128xi32, #tpu.memory_space<hbm>>
      %dma_start3A_66 = arith.constant 0 : i32
      %dma_start3A_67 = arith.constant 0 : i32
      %dma_start3A_68 = tpu.memref_slice %arg4[%add3A, %run_scoped3A_39, %dma_start3A_66, %dma_start3A_67] : memref<32x2x40x128xi32, #tpu.memory_space<hbm>> -> memref<1x1x40x128xi32, #tpu.memory_space<hbm>>
      %dma_start3A_69 = tpu.memref_squeeze %dma_start3A_68 : memref<1x1x40x128xi32, #tpu.memory_space<hbm>> -> memref<40x128xi32, #tpu.memory_space<hbm>>
      tpu.enqueue_dma source(%dma_start3A_69 : memref<40x128xi32, #tpu.memory_space<hbm>>) target(%arg7 : memref<40x128xi32, #tpu.memory_space<vmem>>) target_semaphore(%run_scoped3A_61 : memref<!tpu.dma_semaphore, #tpu.memory_space<semaphore_mem>>)
      %dma_wait3A = arith.constant 0 : i32
      %dma_wait3A_70 = arith.constant 0 : i32
      %dma_wait3A_71 = tpu.memref_slice %arg4[%add3A, %run_scoped3A_39, %dma_wait3A, %dma_wait3A_70] : memref<32x2x40x128xi32, #tpu.memory_space<hbm>> -> memref<1x1x40x128xi32, #tpu.memory_space<hbm>>
      %dma_wait3A_72 = tpu.memref_squeeze %dma_wait3A_71 : memref<1x1x40x128xi32, #tpu.memory_space<hbm>> -> memref<40x128xi32, #tpu.memory_space<hbm>>
      %dma_wait3A_73 = arith.constant 0 : i32
      %dma_wait3A_74 = arith.constant 0 : i32
      %dma_wait3A_75 = tpu.memref_slice %arg4[%add3A, %run_scoped3A_39, %dma_wait3A_73, %dma_wait3A_74] : memref<32x2x40x128xi32, #tpu.memory_space<hbm>> -> memref<1x1x40x128xi32, #tpu.memory_space<hbm>>
      %dma_wait3A_76 = tpu.memref_squeeze %dma_wait3A_75 : memref<1x1x40x128xi32, #tpu.memory_space<hbm>> -> memref<40x128xi32, #tpu.memory_space<hbm>>
      tpu.wait_dma2 semaphore(%run_scoped3A_61 : memref<!tpu.dma_semaphore, #tpu.memory_space<semaphore_mem>>) src(%dma_wait3A_76 : memref<40x128xi32, #tpu.memory_space<hbm>>) dst(%arg7 : memref<40x128xi32, #tpu.memory_space<vmem>>)
      tpu.yield
    }) : () -> ()
    %dma_start3A_40 = arith.constant 0 : i32
    %dma_start3A_41 = arith.constant 0 : i32
    %dma_start3A_42 = tpu.memref_slice %arg6[%dma_start3A_40, %dma_start3A_41] : memref<40x128xi32, #tpu.memory_space<vmem>> -> memref<1x128xi32, #tpu.memory_space<vmem>>
    %dma_start3A_43 = tpu.memref_squeeze %dma_start3A_42 : memref<1x128xi32, #tpu.memory_space<vmem>> -> memref<128xi32, #tpu.memory_space<vmem>>
    %dma_start3A_44 = arith.constant 0 : i32
    %dma_start3A_45 = arith.constant 0 : i32
    %dma_start3A_46 = tpu.memref_slice %arg2[%dma_start3A_44, %dma_start3A_45] : memref<10240x128xf32, #tpu.memory_space<hbm>> -> memref<10240x128xf32, #tpu.memory_space<hbm>>
    tpu.enqueue_indirect_dma source(%dma_start3A_46 : memref<10240x128xf32, #tpu.memory_space<hbm>>) target(%arg8 : memref<128x128xf32, #tpu.memory_space<vmem>>) offsets(%dma_start3A_43 : memref<128xi32, #tpu.memory_space<vmem>>) semaphore(%arg10 : memref<!tpu.dma_semaphore, #tpu.memory_space<semaphore_mem>>)
    %dma_start3A_47 = arith.constant 1 : i32
    %dma_start3A_48 = arith.constant 0 : i32
    %dma_start3A_49 = tpu.memref_slice %arg6[%dma_start3A_47, %dma_start3A_48] : memref<40x128xi32, #tpu.memory_space<vmem>> -> memref<1x128xi32, #tpu.memory_space<vmem>>
    %dma_start3A_50 = tpu.memref_squeeze %dma_start3A_49 : memref<1x128xi32, #tpu.memory_space<vmem>> -> memref<128xi32, #tpu.memory_space<vmem>>
    %dma_start3A_51 = arith.constant 0 : i32
    %dma_start3A_52 = arith.constant 0 : i32
    %dma_start3A_53 = tpu.memref_slice %arg2[%dma_start3A_51, %dma_start3A_52] : memref<10240x128xf32, #tpu.memory_space<hbm>> -> memref<10240x128xf32, #tpu.memory_space<hbm>>
    tpu.enqueue_indirect_dma source(%dma_start3A_53 : memref<10240x128xf32, #tpu.memory_space<hbm>>) target(%arg9 : memref<128x128xf32, #tpu.memory_space<vmem>>) offsets(%dma_start3A_50 : memref<128xi32, #tpu.memory_space<vmem>>) semaphore(%arg11 : memref<!tpu.dma_semaphore, #tpu.memory_space<semaphore_mem>>)
    %scan3A_54 = arith.constant 0 : i32
    %scan3A_55 = arith.constant 0 : i32
    %scan3A_56 = arith.constant 20 : i32
    %scan3A_57 = arith.addi %scan3A_55, %scan3A_56 : i32
    %scan3A_58 = arith.constant 1 : i32
    scf.for %scan3A_61 = %scan3A_55 to %scan3A_57 step %scan3A_58  : i32 {
      %mul3A_62 = arith.constant 2 : i32
      %mul3A_63 = arith.muli %mul3A_62, %scan3A_61 : i32
      %add3A_64 = arith.constant 1 : i32
      %add3A_65 = arith.addi %mul3A_63, %add3A_64 : i32
      %dma_wait3A = arith.constant 0 : i32
      %dma_wait3A_66 = tpu.memref_slice %arg6[%mul3A_63, %dma_wait3A] : memref<40x128xi32, #tpu.memory_space<vmem>> -> memref<1x128xi32, #tpu.memory_space<vmem>>
      %dma_wait3A_67 = tpu.memref_squeeze %dma_wait3A_66 : memref<1x128xi32, #tpu.memory_space<vmem>> -> memref<128xi32, #tpu.memory_space<vmem>>
      %dma_wait3A_68 = arith.constant 0 : i32
      %dma_wait3A_69 = arith.constant 0 : i32
      %dma_wait3A_70 = tpu.memref_slice %arg2[%dma_wait3A_68, %dma_wait3A_69] : memref<10240x128xf32, #tpu.memory_space<hbm>> -> memref<10240x128xf32, #tpu.memory_space<hbm>>
      tpu.wait_indirect_dma semaphore(%arg10 : memref<!tpu.dma_semaphore, #tpu.memory_space<semaphore_mem>>) src(%dma_wait3A_70 : memref<10240x128xf32, #tpu.memory_space<hbm>>) dst(%arg8 : memref<128x128xf32, #tpu.memory_space<vmem>>)
      "tpu.region"() ({
        %run_scoped3A_88 = tpu.sem_alloc : memref<!tpu.dma_semaphore, #tpu.memory_space<semaphore_mem>>
        %dma_start3A_89 = arith.constant 0 : i32
        %dma_start3A_90 = tpu.memref_slice %arg7[%mul3A_63, %dma_start3A_89] : memref<40x128xi32, #tpu.memory_space<vmem>> -> memref<1x128xi32, #tpu.memory_space<vmem>>
        %dma_start3A_91 = tpu.memref_squeeze %dma_start3A_90 : memref<1x128xi32, #tpu.memory_space<vmem>> -> memref<128xi32, #tpu.memory_space<vmem>>
        %dma_start3A_92 = arith.constant 0 : i32
        %dma_start3A_93 = arith.constant 0 : i32
        %dma_start3A_94 = tpu.memref_slice %arg12[%dma_start3A_92, %dma_start3A_93] : memref<10240x128xf32, #tpu.memory_space<vmem_shared>> -> memref<10240x128xf32, #tpu.memory_space<vmem_shared>>
        tpu.enqueue_indirect_dma source(%arg8 : memref<128x128xf32, #tpu.memory_space<vmem>>) target(%dma_start3A_94 : memref<10240x128xf32, #tpu.memory_space<vmem_shared>>) offsets(%dma_start3A_91 : memref<128xi32, #tpu.memory_space<vmem>>) semaphore(%run_scoped3A_88 : memref<!tpu.dma_semaphore, #tpu.memory_space<semaphore_mem>>) {add = true}
        %dma_wait3A_95 = arith.constant 0 : i32
        %dma_wait3A_96 = tpu.memref_slice %arg7[%mul3A_63, %dma_wait3A_95] : memref<40x128xi32, #tpu.memory_space<vmem>> -> memref<1x128xi32, #tpu.memory_space<vmem>>
        %dma_wait3A_97 = tpu.memref_squeeze %dma_wait3A_96 : memref<1x128xi32, #tpu.memory_space<vmem>> -> memref<128xi32, #tpu.memory_space<vmem>>
        %dma_wait3A_98 = arith.constant 0 : i32
        %dma_wait3A_99 = arith.constant 0 : i32
        %dma_wait3A_100 = tpu.memref_slice %arg12[%dma_wait3A_98, %dma_wait3A_99] : memref<10240x128xf32, #tpu.memory_space<vmem_shared>> -> memref<10240x128xf32, #tpu.memory_space<vmem_shared>>
        tpu.wait_indirect_dma semaphore(%run_scoped3A_88 : memref<!tpu.dma_semaphore, #tpu.memory_space<semaphore_mem>>) src(%arg8 : memref<128x128xf32, #tpu.memory_space<vmem>>) dst(%dma_wait3A_100 : memref<10240x128xf32, #tpu.memory_space<vmem_shared>>)
        tpu.yield
      }) : () -> ()
      %add3A_71 = arith.constant 1 : i32
      %add3A_72 = arith.addi %scan3A_61, %add3A_71 : i32
      %lt3A = arith.constant 20 : i32
      %lt3A_73 = arith.cmpi slt, %add3A_72, %lt3A : i32
      %convert_element_type3A = arith.extui %lt3A_73 : i1 to i32
      %cond3A = arith.constant 0 : i32
      %cond3A_74 = arith.cmpi ne, %convert_element_type3A, %cond3A : i32
      scf.if %cond3A_74 {
        %add3A_88 = arith.constant 2 : i32
        %add3A_89 = arith.addi %mul3A_63, %add3A_88 : i32
        %dma_start3A_90 = arith.constant 0 : i32
        %dma_start3A_91 = tpu.memref_slice %arg6[%add3A_89, %dma_start3A_90] : memref<40x128xi32, #tpu.memory_space<vmem>> -> memref<1x128xi32, #tpu.memory_space<vmem>>
        %dma_start3A_92 = tpu.memref_squeeze %dma_start3A_91 : memref<1x128xi32, #tpu.memory_space<vmem>> -> memref<128xi32, #tpu.memory_space<vmem>>
        %dma_start3A_93 = arith.constant 0 : i32
        %dma_start3A_94 = arith.constant 0 : i32
        %dma_start3A_95 = tpu.memref_slice %arg2[%dma_start3A_93, %dma_start3A_94] : memref<10240x128xf32, #tpu.memory_space<hbm>> -> memref<10240x128xf32, #tpu.memory_space<hbm>>
        tpu.enqueue_indirect_dma source(%dma_start3A_95 : memref<10240x128xf32, #tpu.memory_space<hbm>>) target(%arg8 : memref<128x128xf32, #tpu.memory_space<vmem>>) offsets(%dma_start3A_92 : memref<128xi32, #tpu.memory_space<vmem>>) semaphore(%arg10 : memref<!tpu.dma_semaphore, #tpu.memory_space<semaphore_mem>>)
      } else {
      }
      %dma_wait3A_75 = arith.constant 0 : i32
      %dma_wait3A_76 = tpu.memref_slice %arg6[%add3A_65, %dma_wait3A_75] : memref<40x128xi32, #tpu.memory_space<vmem>> -> memref<1x128xi32, #tpu.memory_space<vmem>>
      %dma_wait3A_77 = tpu.memref_squeeze %dma_wait3A_76 : memref<1x128xi32, #tpu.memory_space<vmem>> -> memref<128xi32, #tpu.memory_space<vmem>>
      %dma_wait3A_78 = arith.constant 0 : i32
      %dma_wait3A_79 = arith.constant 0 : i32
      %dma_wait3A_80 = tpu.memref_slice %arg2[%dma_wait3A_78, %dma_wait3A_79] : memref<10240x128xf32, #tpu.memory_space<hbm>> -> memref<10240x128xf32, #tpu.memory_space<hbm>>
      tpu.wait_indirect_dma semaphore(%arg11 : memref<!tpu.dma_semaphore, #tpu.memory_space<semaphore_mem>>) src(%dma_wait3A_80 : memref<10240x128xf32, #tpu.memory_space<hbm>>) dst(%arg9 : memref<128x128xf32, #tpu.memory_space<vmem>>)
      "tpu.region"() ({
        %run_scoped3A_88 = tpu.sem_alloc : memref<!tpu.dma_semaphore, #tpu.memory_space<semaphore_mem>>
        %dma_start3A_89 = arith.constant 0 : i32
        %dma_start3A_90 = tpu.memref_slice %arg7[%add3A_65, %dma_start3A_89] : memref<40x128xi32, #tpu.memory_space<vmem>> -> memref<1x128xi32, #tpu.memory_space<vmem>>
        %dma_start3A_91 = tpu.memref_squeeze %dma_start3A_90 : memref<1x128xi32, #tpu.memory_space<vmem>> -> memref<128xi32, #tpu.memory_space<vmem>>
        %dma_start3A_92 = arith.constant 0 : i32
        %dma_start3A_93 = arith.constant 0 : i32
        %dma_start3A_94 = tpu.memref_slice %arg12[%dma_start3A_92, %dma_start3A_93] : memref<10240x128xf32, #tpu.memory_space<vmem_shared>> -> memref<10240x128xf32, #tpu.memory_space<vmem_shared>>
        tpu.enqueue_indirect_dma source(%arg9 : memref<128x128xf32, #tpu.memory_space<vmem>>) target(%dma_start3A_94 : memref<10240x128xf32, #tpu.memory_space<vmem_shared>>) offsets(%dma_start3A_91 : memref<128xi32, #tpu.memory_space<vmem>>) semaphore(%run_scoped3A_88 : memref<!tpu.dma_semaphore, #tpu.memory_space<semaphore_mem>>) {add = true}
        %dma_wait3A_95 = arith.constant 0 : i32
        %dma_wait3A_96 = tpu.memref_slice %arg7[%add3A_65, %dma_wait3A_95] : memref<40x128xi32, #tpu.memory_space<vmem>> -> memref<1x128xi32, #tpu.memory_space<vmem>>
        %dma_wait3A_97 = tpu.memref_squeeze %dma_wait3A_96 : memref<1x128xi32, #tpu.memory_space<vmem>> -> memref<128xi32, #tpu.memory_space<vmem>>
        %dma_wait3A_98 = arith.constant 0 : i32
        %dma_wait3A_99 = arith.constant 0 : i32
        %dma_wait3A_100 = tpu.memref_slice %arg12[%dma_wait3A_98, %dma_wait3A_99] : memref<10240x128xf32, #tpu.memory_space<vmem_shared>> -> memref<10240x128xf32, #tpu.memory_space<vmem_shared>>
        tpu.wait_indirect_dma semaphore(%run_scoped3A_88 : memref<!tpu.dma_semaphore, #tpu.memory_space<semaphore_mem>>) src(%arg9 : memref<128x128xf32, #tpu.memory_space<vmem>>) dst(%dma_wait3A_100 : memref<10240x128xf32, #tpu.memory_space<vmem_shared>>)
        tpu.yield
      }) : () -> ()
      %add3A_81 = arith.constant 1 : i32
      %add3A_82 = arith.addi %scan3A_61, %add3A_81 : i32
      %lt3A_83 = arith.constant 20 : i32
      %lt3A_84 = arith.cmpi slt, %add3A_82, %lt3A_83 : i32
      %convert_element_type3A_85 = arith.extui %lt3A_84 : i1 to i32
      %cond3A_86 = arith.constant 0 : i32
      %cond3A_87 = arith.cmpi ne, %convert_element_type3A_85, %cond3A_86 : i32
      scf.if %cond3A_87 {
        %add3A_88 = arith.constant 2 : i32
        %add3A_89 = arith.addi %add3A_65, %add3A_88 : i32
        %dma_start3A_90 = arith.constant 0 : i32
        %dma_start3A_91 = tpu.memref_slice %arg6[%add3A_89, %dma_start3A_90] : memref<40x128xi32, #tpu.memory_space<vmem>> -> memref<1x128xi32, #tpu.memory_space<vmem>>
        %dma_start3A_92 = tpu.memref_squeeze %dma_start3A_91 : memref<1x128xi32, #tpu.memory_space<vmem>> -> memref<128xi32, #tpu.memory_space<vmem>>
        %dma_start3A_93 = arith.constant 0 : i32
        %dma_start3A_94 = arith.constant 0 : i32
        %dma_start3A_95 = tpu.memref_slice %arg2[%dma_start3A_93, %dma_start3A_94] : memref<10240x128xf32, #tpu.memory_space<hbm>> -> memref<10240x128xf32, #tpu.memory_space<hbm>>
        tpu.enqueue_indirect_dma source(%dma_start3A_95 : memref<10240x128xf32, #tpu.memory_space<hbm>>) target(%arg9 : memref<128x128xf32, #tpu.memory_space<vmem>>) offsets(%dma_start3A_92 : memref<128xi32, #tpu.memory_space<vmem>>) semaphore(%arg11 : memref<!tpu.dma_semaphore, #tpu.memory_space<semaphore_mem>>)
      } else {
      }
    }
    %scan3A_59 = arith.constant 20 : i32
    %barrier3A_60 = arith.constant 0 : index
    tpu.barrier barrier_id(%barrier3A_60)
    "tpu.region"() ({
      %run_scoped3A_61 = tpu.sem_alloc : memref<!tpu.dma_semaphore, #tpu.memory_space<semaphore_mem>>
      %dma_start3A_62 = arith.constant 0 : i32
      %dma_start3A_63 = tpu.memref_slice %arg5[%arg0, %mul3A_2, %dma_start3A_62] : memref<2x10240x128xf32, #tpu.memory_space<hbm>> -> memref<1x640x128xf32, #tpu.memory_space<hbm>>
      %dma_start3A_64 = tpu.memref_squeeze %dma_start3A_63 : memref<1x640x128xf32, #tpu.memory_space<hbm>> -> memref<640x128xf32, #tpu.memory_space<hbm>>
      %dma_start3A_65 = arith.constant 0 : i32
      %dma_start3A_66 = tpu.memref_slice %arg12[%mul3A_2, %dma_start3A_65] : memref<10240x128xf32, #tpu.memory_space<vmem_shared>> -> memref<640x128xf32, #tpu.memory_space<vmem_shared>>
      tpu.enqueue_dma source(%dma_start3A_66 : memref<640x128xf32, #tpu.memory_space<vmem_shared>>) target(%dma_start3A_64 : memref<640x128xf32, #tpu.memory_space<hbm>>) target_semaphore(%run_scoped3A_61 : memref<!tpu.dma_semaphore, #tpu.memory_space<semaphore_mem>>)
      %dma_wait3A = arith.constant 0 : i32
      %dma_wait3A_67 = tpu.memref_slice %arg5[%arg0, %mul3A_2, %dma_wait3A] : memref<2x10240x128xf32, #tpu.memory_space<hbm>> -> memref<1x640x128xf32, #tpu.memory_space<hbm>>
      %dma_wait3A_68 = tpu.memref_squeeze %dma_wait3A_67 : memref<1x640x128xf32, #tpu.memory_space<hbm>> -> memref<640x128xf32, #tpu.memory_space<hbm>>
      %dma_wait3A_69 = arith.constant 0 : i32
      %dma_wait3A_70 = tpu.memref_slice %arg12[%mul3A_2, %dma_wait3A_69] : memref<10240x128xf32, #tpu.memory_space<vmem_shared>> -> memref<640x128xf32, #tpu.memory_space<vmem_shared>>
      tpu.wait_dma2 semaphore(%run_scoped3A_61 : memref<!tpu.dma_semaphore, #tpu.memory_space<semaphore_mem>>) src(%dma_wait3A_70 : memref<640x128xf32, #tpu.memory_space<vmem_shared>>) dst(%dma_wait3A_68 : memref<640x128xf32, #tpu.memory_space<hbm>>)
      tpu.yield
    }) : () -> ()
    return
  }
}

#map = affine_map<(d0, d1) -> (0, 0, 0, 0)>
#map1 = affine_map<(d0, d1) -> (0, 0, 0)>
module attributes {stable_mosaic.version = 14 : i64} {
  func.func @_deg_body(%arg0: i32, %arg1: i32, %arg2: memref<32x2x40x128xi32, #tpu.memory_space<hbm>>, %arg3: memref<2x10240x128xf32, #tpu.memory_space<hbm>>, %arg4: memref<40x128xi32, #tpu.memory_space<vmem>>, %arg5: memref<128x128xf32, #tpu.memory_space<vmem>>, %arg6: memref<!tpu.dma_semaphore, #tpu.memory_space<semaphore_mem>>, %arg7: memref<10240x128xf32, #tpu.memory_space<vmem_shared>>) attributes {dimension_semantics = [#tpu.dimension_semantics<core_parallel>, #tpu.dimension_semantics<subcore_parallel>], iteration_bounds = array<i64: 2, 16>, scalar_prefetch = 0 : i64, scratch_operands = 4 : i64, tpu.core_type = #tpu.core_type<sc_vector_subcore>, window_params = [{transform_indices = #map}, {transform_indices = #map1}]} {
    %mul3A = arith.constant 16 : i32
    %mul3A_0 = arith.muli %arg0, %mul3A : i32
    %add3A = arith.addi %mul3A_0, %arg1 : i32
    %mul3A_1 = arith.constant 640 : i32
    %mul3A_2 = arith.muli %arg1, %mul3A_1 : i32
    %scan3A = arith.constant 0 : i32
    %scan3A_3 = arith.constant 0 : i32
    %scan3A_4 = arith.constant 128 : i32
    %scan3A_5 = arith.addi %scan3A_3, %scan3A_4 : i32
    %scan3A_6 = arith.constant 1 : i32
    scf.for %scan3A_50 = %scan3A_3 to %scan3A_5 step %scan3A_6  : i32 {
      %broadcast_in_dim3A = arith.constant 0.000000e+00 : f32
      %broadcast_in_dim3A_51 = vector.broadcast %broadcast_in_dim3A : f32 to vector<128xf32>
      %swap3A = arith.index_cast %scan3A_50 : i32 to index
      %swap3A_52 = arith.constant 0 : index
      %swap3A_53 = tpu.vector_load %arg5[%swap3A, %swap3A_52] {strides = array<i32>} : memref<128x128xf32, #tpu.memory_space<vmem>>, vector<1x128xf32>,
      %swap3A_54 = vector.shape_cast %swap3A_53 : vector<1x128xf32> to vector<128xf32>
      %swap3A_55 = vector.shape_cast %broadcast_in_dim3A_51 : vector<128xf32> to vector<1x128xf32>
      tpu.vector_store %arg5[%swap3A, %swap3A_52], %swap3A_55 {strides = array<i32>} : memref<128x128xf32, #tpu.memory_space<vmem>>, vector<1x128xf32>,
    }
    %scan3A_7 = arith.constant 128 : i32
    %add3A_8 = arith.constant 0 : i32
    %add3A_9 = arith.addi %mul3A_2, %add3A_8 : i32
    "tpu.region"() ({
      %run_scoped3A_50 = tpu.sem_alloc : memref<!tpu.dma_semaphore, #tpu.memory_space<semaphore_mem>>
      %dma_start3A = arith.constant 0 : i32
      %dma_start3A_51 = tpu.memref_slice %arg7[%add3A_9, %dma_start3A] : memref<10240x128xf32, #tpu.memory_space<vmem_shared>> -> memref<128x128xf32, #tpu.memory_space<vmem_shared>>
      %dma_start3A_52 = arith.constant 0 : i32
      %dma_start3A_53 = tpu.memref_slice %arg7[%add3A_9, %dma_start3A_52] : memref<10240x128xf32, #tpu.memory_space<vmem_shared>> -> memref<128x128xf32, #tpu.memory_space<vmem_shared>>
      tpu.enqueue_dma source(%arg5 : memref<128x128xf32, #tpu.memory_space<vmem>>) target(%dma_start3A_53 : memref<128x128xf32, #tpu.memory_space<vmem_shared>>) target_semaphore(%run_scoped3A_50 : memref<!tpu.dma_semaphore, #tpu.memory_space<semaphore_mem>>)
      %dma_wait3A = arith.constant 0 : i32
      %dma_wait3A_54 = tpu.memref_slice %arg7[%add3A_9, %dma_wait3A] : memref<10240x128xf32, #tpu.memory_space<vmem_shared>> -> memref<128x128xf32, #tpu.memory_space<vmem_shared>>
      %dma_wait3A_55 = arith.constant 0 : i32
      %dma_wait3A_56 = tpu.memref_slice %arg7[%add3A_9, %dma_wait3A_55] : memref<10240x128xf32, #tpu.memory_space<vmem_shared>> -> memref<128x128xf32, #tpu.memory_space<vmem_shared>>
      tpu.wait_dma2 semaphore(%run_scoped3A_50 : memref<!tpu.dma_semaphore, #tpu.memory_space<semaphore_mem>>) src(%arg5 : memref<128x128xf32, #tpu.memory_space<vmem>>) dst(%dma_wait3A_56 : memref<128x128xf32, #tpu.memory_space<vmem_shared>>)
      tpu.yield
    }) : () -> ()
    %add3A_10 = arith.constant 128 : i32
    %add3A_11 = arith.addi %mul3A_2, %add3A_10 : i32
    "tpu.region"() ({
      %run_scoped3A_50 = tpu.sem_alloc : memref<!tpu.dma_semaphore, #tpu.memory_space<semaphore_mem>>
      %dma_start3A = arith.constant 0 : i32
      %dma_start3A_51 = tpu.memref_slice %arg7[%add3A_11, %dma_start3A] : memref<10240x128xf32, #tpu.memory_space<vmem_shared>> -> memref<128x128xf32, #tpu.memory_space<vmem_shared>>
      %dma_start3A_52 = arith.constant 0 : i32
      %dma_start3A_53 = tpu.memref_slice %arg7[%add3A_11, %dma_start3A_52] : memref<10240x128xf32, #tpu.memory_space<vmem_shared>> -> memref<128x128xf32, #tpu.memory_space<vmem_shared>>
      tpu.enqueue_dma source(%arg5 : memref<128x128xf32, #tpu.memory_space<vmem>>) target(%dma_start3A_53 : memref<128x128xf32, #tpu.memory_space<vmem_shared>>) target_semaphore(%run_scoped3A_50 : memref<!tpu.dma_semaphore, #tpu.memory_space<semaphore_mem>>)
      %dma_wait3A = arith.constant 0 : i32
      %dma_wait3A_54 = tpu.memref_slice %arg7[%add3A_11, %dma_wait3A] : memref<10240x128xf32, #tpu.memory_space<vmem_shared>> -> memref<128x128xf32, #tpu.memory_space<vmem_shared>>
      %dma_wait3A_55 = arith.constant 0 : i32
      %dma_wait3A_56 = tpu.memref_slice %arg7[%add3A_11, %dma_wait3A_55] : memref<10240x128xf32, #tpu.memory_space<vmem_shared>> -> memref<128x128xf32, #tpu.memory_space<vmem_shared>>
      tpu.wait_dma2 semaphore(%run_scoped3A_50 : memref<!tpu.dma_semaphore, #tpu.memory_space<semaphore_mem>>) src(%arg5 : memref<128x128xf32, #tpu.memory_space<vmem>>) dst(%dma_wait3A_56 : memref<128x128xf32, #tpu.memory_space<vmem_shared>>)
      tpu.yield
    }) : () -> ()
    %add3A_12 = arith.constant 256 : i32
    %add3A_13 = arith.addi %mul3A_2, %add3A_12 : i32
    "tpu.region"() ({
      %run_scoped3A_50 = tpu.sem_alloc : memref<!tpu.dma_semaphore, #tpu.memory_space<semaphore_mem>>
      %dma_start3A = arith.constant 0 : i32
      %dma_start3A_51 = tpu.memref_slice %arg7[%add3A_13, %dma_start3A] : memref<10240x128xf32, #tpu.memory_space<vmem_shared>> -> memref<128x128xf32, #tpu.memory_space<vmem_shared>>
      %dma_start3A_52 = arith.constant 0 : i32
      %dma_start3A_53 = tpu.memref_slice %arg7[%add3A_13, %dma_start3A_52] : memref<10240x128xf32, #tpu.memory_space<vmem_shared>> -> memref<128x128xf32, #tpu.memory_space<vmem_shared>>
      tpu.enqueue_dma source(%arg5 : memref<128x128xf32, #tpu.memory_space<vmem>>) target(%dma_start3A_53 : memref<128x128xf32, #tpu.memory_space<vmem_shared>>) target_semaphore(%run_scoped3A_50 : memref<!tpu.dma_semaphore, #tpu.memory_space<semaphore_mem>>)
      %dma_wait3A = arith.constant 0 : i32
      %dma_wait3A_54 = tpu.memref_slice %arg7[%add3A_13, %dma_wait3A] : memref<10240x128xf32, #tpu.memory_space<vmem_shared>> -> memref<128x128xf32, #tpu.memory_space<vmem_shared>>
      %dma_wait3A_55 = arith.constant 0 : i32
      %dma_wait3A_56 = tpu.memref_slice %arg7[%add3A_13, %dma_wait3A_55] : memref<10240x128xf32, #tpu.memory_space<vmem_shared>> -> memref<128x128xf32, #tpu.memory_space<vmem_shared>>
      tpu.wait_dma2 semaphore(%run_scoped3A_50 : memref<!tpu.dma_semaphore, #tpu.memory_space<semaphore_mem>>) src(%arg5 : memref<128x128xf32, #tpu.memory_space<vmem>>) dst(%dma_wait3A_56 : memref<128x128xf32, #tpu.memory_space<vmem_shared>>)
      tpu.yield
    }) : () -> ()
    %add3A_14 = arith.constant 384 : i32
    %add3A_15 = arith.addi %mul3A_2, %add3A_14 : i32
    "tpu.region"() ({
      %run_scoped3A_50 = tpu.sem_alloc : memref<!tpu.dma_semaphore, #tpu.memory_space<semaphore_mem>>
      %dma_start3A = arith.constant 0 : i32
      %dma_start3A_51 = tpu.memref_slice %arg7[%add3A_15, %dma_start3A] : memref<10240x128xf32, #tpu.memory_space<vmem_shared>> -> memref<128x128xf32, #tpu.memory_space<vmem_shared>>
      %dma_start3A_52 = arith.constant 0 : i32
      %dma_start3A_53 = tpu.memref_slice %arg7[%add3A_15, %dma_start3A_52] : memref<10240x128xf32, #tpu.memory_space<vmem_shared>> -> memref<128x128xf32, #tpu.memory_space<vmem_shared>>
      tpu.enqueue_dma source(%arg5 : memref<128x128xf32, #tpu.memory_space<vmem>>) target(%dma_start3A_53 : memref<128x128xf32, #tpu.memory_space<vmem_shared>>) target_semaphore(%run_scoped3A_50 : memref<!tpu.dma_semaphore, #tpu.memory_space<semaphore_mem>>)
      %dma_wait3A = arith.constant 0 : i32
      %dma_wait3A_54 = tpu.memref_slice %arg7[%add3A_15, %dma_wait3A] : memref<10240x128xf32, #tpu.memory_space<vmem_shared>> -> memref<128x128xf32, #tpu.memory_space<vmem_shared>>
      %dma_wait3A_55 = arith.constant 0 : i32
      %dma_wait3A_56 = tpu.memref_slice %arg7[%add3A_15, %dma_wait3A_55] : memref<10240x128xf32, #tpu.memory_space<vmem_shared>> -> memref<128x128xf32, #tpu.memory_space<vmem_shared>>
      tpu.wait_dma2 semaphore(%run_scoped3A_50 : memref<!tpu.dma_semaphore, #tpu.memory_space<semaphore_mem>>) src(%arg5 : memref<128x128xf32, #tpu.memory_space<vmem>>) dst(%dma_wait3A_56 : memref<128x128xf32, #tpu.memory_space<vmem_shared>>)
      tpu.yield
    }) : () -> ()
    %add3A_16 = arith.constant 512 : i32
    %add3A_17 = arith.addi %mul3A_2, %add3A_16 : i32
    "tpu.region"() ({
      %run_scoped3A_50 = tpu.sem_alloc : memref<!tpu.dma_semaphore, #tpu.memory_space<semaphore_mem>>
      %dma_start3A = arith.constant 0 : i32
      %dma_start3A_51 = tpu.memref_slice %arg7[%add3A_17, %dma_start3A] : memref<10240x128xf32, #tpu.memory_space<vmem_shared>> -> memref<128x128xf32, #tpu.memory_space<vmem_shared>>
      %dma_start3A_52 = arith.constant 0 : i32
      %dma_start3A_53 = tpu.memref_slice %arg7[%add3A_17, %dma_start3A_52] : memref<10240x128xf32, #tpu.memory_space<vmem_shared>> -> memref<128x128xf32, #tpu.memory_space<vmem_shared>>
      tpu.enqueue_dma source(%arg5 : memref<128x128xf32, #tpu.memory_space<vmem>>) target(%dma_start3A_53 : memref<128x128xf32, #tpu.memory_space<vmem_shared>>) target_semaphore(%run_scoped3A_50 : memref<!tpu.dma_semaphore, #tpu.memory_space<semaphore_mem>>)
      %dma_wait3A = arith.constant 0 : i32
      %dma_wait3A_54 = tpu.memref_slice %arg7[%add3A_17, %dma_wait3A] : memref<10240x128xf32, #tpu.memory_space<vmem_shared>> -> memref<128x128xf32, #tpu.memory_space<vmem_shared>>
      %dma_wait3A_55 = arith.constant 0 : i32
      %dma_wait3A_56 = tpu.memref_slice %arg7[%add3A_17, %dma_wait3A_55] : memref<10240x128xf32, #tpu.memory_space<vmem_shared>> -> memref<128x128xf32, #tpu.memory_space<vmem_shared>>
      tpu.wait_dma2 semaphore(%run_scoped3A_50 : memref<!tpu.dma_semaphore, #tpu.memory_space<semaphore_mem>>) src(%arg5 : memref<128x128xf32, #tpu.memory_space<vmem>>) dst(%dma_wait3A_56 : memref<128x128xf32, #tpu.memory_space<vmem_shared>>)
      tpu.yield
    }) : () -> ()
    %scan3A_18 = arith.constant 0 : i32
    %scan3A_19 = arith.constant 0 : i32
    %scan3A_20 = arith.constant 128 : i32
    %scan3A_21 = arith.addi %scan3A_19, %scan3A_20 : i32
    %scan3A_22 = arith.constant 1 : i32
    scf.for %scan3A_50 = %scan3A_19 to %scan3A_21 step %scan3A_22  : i32 {
      %broadcast_in_dim3A = arith.constant 1.000000e+00 : f32
      %broadcast_in_dim3A_51 = vector.broadcast %broadcast_in_dim3A : f32 to vector<128xf32>
      %swap3A = arith.index_cast %scan3A_50 : i32 to index
      %swap3A_52 = arith.constant 0 : index
      %swap3A_53 = tpu.vector_load %arg5[%swap3A, %swap3A_52] {strides = array<i32>} : memref<128x128xf32, #tpu.memory_space<vmem>>, vector<1x128xf32>,
      %swap3A_54 = vector.shape_cast %swap3A_53 : vector<1x128xf32> to vector<128xf32>
      %swap3A_55 = vector.shape_cast %broadcast_in_dim3A_51 : vector<128xf32> to vector<1x128xf32>
      tpu.vector_store %arg5[%swap3A, %swap3A_52], %swap3A_55 {strides = array<i32>} : memref<128x128xf32, #tpu.memory_space<vmem>>, vector<1x128xf32>,
    }
    %scan3A_23 = arith.constant 128 : i32
    %barrier3A = arith.constant 0 : index
    tpu.barrier barrier_id(%barrier3A)
    %run_scoped3A = arith.constant 0 : i32
    "tpu.region"() ({
      %run_scoped3A_50 = tpu.sem_alloc : memref<!tpu.dma_semaphore, #tpu.memory_space<semaphore_mem>>
      %dma_start3A = arith.constant 0 : i32
      %dma_start3A_51 = arith.constant 0 : i32
      %dma_start3A_52 = tpu.memref_slice %arg2[%add3A, %run_scoped3A, %dma_start3A, %dma_start3A_51] : memref<32x2x40x128xi32, #tpu.memory_space<hbm>> -> memref<1x1x40x128xi32, #tpu.memory_space<hbm>>
      %dma_start3A_53 = tpu.memref_squeeze %dma_start3A_52 : memref<1x1x40x128xi32, #tpu.memory_space<hbm>> -> memref<40x128xi32, #tpu.memory_space<hbm>>
      %dma_start3A_54 = arith.constant 0 : i32
      %dma_start3A_55 = arith.constant 0 : i32
      %dma_start3A_56 = tpu.memref_slice %arg2[%add3A, %run_scoped3A, %dma_start3A_54, %dma_start3A_55] : memref<32x2x40x128xi32, #tpu.memory_space<hbm>> -> memref<1x1x40x128xi32, #tpu.memory_space<hbm>>
      %dma_start3A_57 = tpu.memref_squeeze %dma_start3A_56 : memref<1x1x40x128xi32, #tpu.memory_space<hbm>> -> memref<40x128xi32, #tpu.memory_space<hbm>>
      tpu.enqueue_dma source(%dma_start3A_57 : memref<40x128xi32, #tpu.memory_space<hbm>>) target(%arg4 : memref<40x128xi32, #tpu.memory_space<vmem>>) target_semaphore(%run_scoped3A_50 : memref<!tpu.dma_semaphore, #tpu.memory_space<semaphore_mem>>)
      %dma_wait3A = arith.constant 0 : i32
      %dma_wait3A_58 = arith.constant 0 : i32
      %dma_wait3A_59 = tpu.memref_slice %arg2[%add3A, %run_scoped3A, %dma_wait3A, %dma_wait3A_58] : memref<32x2x40x128xi32, #tpu.memory_space<hbm>> -> memref<1x1x40x128xi32, #tpu.memory_space<hbm>>
      %dma_wait3A_60 = tpu.memref_squeeze %dma_wait3A_59 : memref<1x1x40x128xi32, #tpu.memory_space<hbm>> -> memref<40x128xi32, #tpu.memory_space<hbm>>
      %dma_wait3A_61 = arith.constant 0 : i32
      %dma_wait3A_62 = arith.constant 0 : i32
      %dma_wait3A_63 = tpu.memref_slice %arg2[%add3A, %run_scoped3A, %dma_wait3A_61, %dma_wait3A_62] : memref<32x2x40x128xi32, #tpu.memory_space<hbm>> -> memref<1x1x40x128xi32, #tpu.memory_space<hbm>>
      %dma_wait3A_64 = tpu.memref_squeeze %dma_wait3A_63 : memref<1x1x40x128xi32, #tpu.memory_space<hbm>> -> memref<40x128xi32, #tpu.memory_space<hbm>>
      tpu.wait_dma2 semaphore(%run_scoped3A_50 : memref<!tpu.dma_semaphore, #tpu.memory_space<semaphore_mem>>) src(%dma_wait3A_64 : memref<40x128xi32, #tpu.memory_space<hbm>>) dst(%arg4 : memref<40x128xi32, #tpu.memory_space<vmem>>)
      tpu.yield
    }) : () -> ()
    %scan3A_24 = arith.constant 0 : i32
    %scan3A_25 = arith.constant 0 : i32
    %scan3A_26 = arith.constant 40 : i32
    %scan3A_27 = arith.addi %scan3A_25, %scan3A_26 : i32
    %scan3A_28 = arith.constant 1 : i32
    scf.for %scan3A_50 = %scan3A_25 to %scan3A_27 step %scan3A_28  : i32 {
      %dma_start3A = arith.constant 0 : i32
      %dma_start3A_51 = tpu.memref_slice %arg4[%scan3A_50, %dma_start3A] : memref<40x128xi32, #tpu.memory_space<vmem>> -> memref<1x128xi32, #tpu.memory_space<vmem>>
      %dma_start3A_52 = tpu.memref_squeeze %dma_start3A_51 : memref<1x128xi32, #tpu.memory_space<vmem>> -> memref<128xi32, #tpu.memory_space<vmem>>
      %dma_start3A_53 = arith.constant 0 : i32
      %dma_start3A_54 = arith.constant 0 : i32
      %dma_start3A_55 = tpu.memref_slice %arg7[%dma_start3A_53, %dma_start3A_54] : memref<10240x128xf32, #tpu.memory_space<vmem_shared>> -> memref<10240x128xf32, #tpu.memory_space<vmem_shared>>
      tpu.enqueue_indirect_dma source(%arg5 : memref<128x128xf32, #tpu.memory_space<vmem>>) target(%dma_start3A_55 : memref<10240x128xf32, #tpu.memory_space<vmem_shared>>) offsets(%dma_start3A_52 : memref<128xi32, #tpu.memory_space<vmem>>) semaphore(%arg6 : memref<!tpu.dma_semaphore, #tpu.memory_space<semaphore_mem>>) {add = true}
    }
    %scan3A_29 = arith.constant 40 : i32
    %scan3A_30 = arith.constant 0 : i32
    %scan3A_31 = arith.constant 0 : i32
    %scan3A_32 = arith.constant 40 : i32
    %scan3A_33 = arith.addi %scan3A_31, %scan3A_32 : i32
    %scan3A_34 = arith.constant 1 : i32
    scf.for %scan3A_50 = %scan3A_31 to %scan3A_33 step %scan3A_34  : i32 {
      %dma_wait3A = arith.constant 0 : i32
      %dma_wait3A_51 = arith.constant 0 : i32
      %dma_wait3A_52 = tpu.memref_slice %arg4[%dma_wait3A, %dma_wait3A_51] : memref<40x128xi32, #tpu.memory_space<vmem>> -> memref<1x128xi32, #tpu.memory_space<vmem>>
      %dma_wait3A_53 = tpu.memref_squeeze %dma_wait3A_52 : memref<1x128xi32, #tpu.memory_space<vmem>> -> memref<128xi32, #tpu.memory_space<vmem>>
      %dma_wait3A_54 = arith.constant 0 : i32
      %dma_wait3A_55 = arith.constant 0 : i32
      %dma_wait3A_56 = tpu.memref_slice %arg7[%dma_wait3A_54, %dma_wait3A_55] : memref<10240x128xf32, #tpu.memory_space<vmem_shared>> -> memref<10240x128xf32, #tpu.memory_space<vmem_shared>>
      tpu.wait_indirect_dma semaphore(%arg6 : memref<!tpu.dma_semaphore, #tpu.memory_space<semaphore_mem>>) src(%arg5 : memref<128x128xf32, #tpu.memory_space<vmem>>) dst(%dma_wait3A_56 : memref<10240x128xf32, #tpu.memory_space<vmem_shared>>)
    }
    %scan3A_35 = arith.constant 40 : i32
    %run_scoped3A_36 = arith.constant 1 : i32
    "tpu.region"() ({
      %run_scoped3A_50 = tpu.sem_alloc : memref<!tpu.dma_semaphore, #tpu.memory_space<semaphore_mem>>
      %dma_start3A = arith.constant 0 : i32
      %dma_start3A_51 = arith.constant 0 : i32
      %dma_start3A_52 = tpu.memref_slice %arg2[%add3A, %run_scoped3A_36, %dma_start3A, %dma_start3A_51] : memref<32x2x40x128xi32, #tpu.memory_space<hbm>> -> memref<1x1x40x128xi32, #tpu.memory_space<hbm>>
      %dma_start3A_53 = tpu.memref_squeeze %dma_start3A_52 : memref<1x1x40x128xi32, #tpu.memory_space<hbm>> -> memref<40x128xi32, #tpu.memory_space<hbm>>
      %dma_start3A_54 = arith.constant 0 : i32
      %dma_start3A_55 = arith.constant 0 : i32
      %dma_start3A_56 = tpu.memref_slice %arg2[%add3A, %run_scoped3A_36, %dma_start3A_54, %dma_start3A_55] : memref<32x2x40x128xi32, #tpu.memory_space<hbm>> -> memref<1x1x40x128xi32, #tpu.memory_space<hbm>>
      %dma_start3A_57 = tpu.memref_squeeze %dma_start3A_56 : memref<1x1x40x128xi32, #tpu.memory_space<hbm>> -> memref<40x128xi32, #tpu.memory_space<hbm>>
      tpu.enqueue_dma source(%dma_start3A_57 : memref<40x128xi32, #tpu.memory_space<hbm>>) target(%arg4 : memref<40x128xi32, #tpu.memory_space<vmem>>) target_semaphore(%run_scoped3A_50 : memref<!tpu.dma_semaphore, #tpu.memory_space<semaphore_mem>>)
      %dma_wait3A = arith.constant 0 : i32
      %dma_wait3A_58 = arith.constant 0 : i32
      %dma_wait3A_59 = tpu.memref_slice %arg2[%add3A, %run_scoped3A_36, %dma_wait3A, %dma_wait3A_58] : memref<32x2x40x128xi32, #tpu.memory_space<hbm>> -> memref<1x1x40x128xi32, #tpu.memory_space<hbm>>
      %dma_wait3A_60 = tpu.memref_squeeze %dma_wait3A_59 : memref<1x1x40x128xi32, #tpu.memory_space<hbm>> -> memref<40x128xi32, #tpu.memory_space<hbm>>
      %dma_wait3A_61 = arith.constant 0 : i32
      %dma_wait3A_62 = arith.constant 0 : i32
      %dma_wait3A_63 = tpu.memref_slice %arg2[%add3A, %run_scoped3A_36, %dma_wait3A_61, %dma_wait3A_62] : memref<32x2x40x128xi32, #tpu.memory_space<hbm>> -> memref<1x1x40x128xi32, #tpu.memory_space<hbm>>
      %dma_wait3A_64 = tpu.memref_squeeze %dma_wait3A_63 : memref<1x1x40x128xi32, #tpu.memory_space<hbm>> -> memref<40x128xi32, #tpu.memory_space<hbm>>
      tpu.wait_dma2 semaphore(%run_scoped3A_50 : memref<!tpu.dma_semaphore, #tpu.memory_space<semaphore_mem>>) src(%dma_wait3A_64 : memref<40x128xi32, #tpu.memory_space<hbm>>) dst(%arg4 : memref<40x128xi32, #tpu.memory_space<vmem>>)
      tpu.yield
    }) : () -> ()
    %scan3A_37 = arith.constant 0 : i32
    %scan3A_38 = arith.constant 0 : i32
    %scan3A_39 = arith.constant 40 : i32
    %scan3A_40 = arith.addi %scan3A_38, %scan3A_39 : i32
    %scan3A_41 = arith.constant 1 : i32
    scf.for %scan3A_50 = %scan3A_38 to %scan3A_40 step %scan3A_41  : i32 {
      %dma_start3A = arith.constant 0 : i32
      %dma_start3A_51 = tpu.memref_slice %arg4[%scan3A_50, %dma_start3A] : memref<40x128xi32, #tpu.memory_space<vmem>> -> memref<1x128xi32, #tpu.memory_space<vmem>>
      %dma_start3A_52 = tpu.memref_squeeze %dma_start3A_51 : memref<1x128xi32, #tpu.memory_space<vmem>> -> memref<128xi32, #tpu.memory_space<vmem>>
      %dma_start3A_53 = arith.constant 0 : i32
      %dma_start3A_54 = arith.constant 0 : i32
      %dma_start3A_55 = tpu.memref_slice %arg7[%dma_start3A_53, %dma_start3A_54] : memref<10240x128xf32, #tpu.memory_space<vmem_shared>> -> memref<10240x128xf32, #tpu.memory_space<vmem_shared>>
      tpu.enqueue_indirect_dma source(%arg5 : memref<128x128xf32, #tpu.memory_space<vmem>>) target(%dma_start3A_55 : memref<10240x128xf32, #tpu.memory_space<vmem_shared>>) offsets(%dma_start3A_52 : memref<128xi32, #tpu.memory_space<vmem>>) semaphore(%arg6 : memref<!tpu.dma_semaphore, #tpu.memory_space<semaphore_mem>>) {add = true}
    }
    %scan3A_42 = arith.constant 40 : i32
    %scan3A_43 = arith.constant 0 : i32
    %scan3A_44 = arith.constant 0 : i32
    %scan3A_45 = arith.constant 40 : i32
    %scan3A_46 = arith.addi %scan3A_44, %scan3A_45 : i32
    %scan3A_47 = arith.constant 1 : i32
    scf.for %scan3A_50 = %scan3A_44 to %scan3A_46 step %scan3A_47  : i32 {
      %dma_wait3A = arith.constant 0 : i32
      %dma_wait3A_51 = arith.constant 0 : i32
      %dma_wait3A_52 = tpu.memref_slice %arg4[%dma_wait3A, %dma_wait3A_51] : memref<40x128xi32, #tpu.memory_space<vmem>> -> memref<1x128xi32, #tpu.memory_space<vmem>>
      %dma_wait3A_53 = tpu.memref_squeeze %dma_wait3A_52 : memref<1x128xi32, #tpu.memory_space<vmem>> -> memref<128xi32, #tpu.memory_space<vmem>>
      %dma_wait3A_54 = arith.constant 0 : i32
      %dma_wait3A_55 = arith.constant 0 : i32
      %dma_wait3A_56 = tpu.memref_slice %arg7[%dma_wait3A_54, %dma_wait3A_55] : memref<10240x128xf32, #tpu.memory_space<vmem_shared>> -> memref<10240x128xf32, #tpu.memory_space<vmem_shared>>
      tpu.wait_indirect_dma semaphore(%arg6 : memref<!tpu.dma_semaphore, #tpu.memory_space<semaphore_mem>>) src(%arg5 : memref<128x128xf32, #tpu.memory_space<vmem>>) dst(%dma_wait3A_56 : memref<10240x128xf32, #tpu.memory_space<vmem_shared>>)
    }
    %scan3A_48 = arith.constant 40 : i32
    %barrier3A_49 = arith.constant 0 : index
    tpu.barrier barrier_id(%barrier3A_49)
    "tpu.region"() ({
      %run_scoped3A_50 = tpu.sem_alloc : memref<!tpu.dma_semaphore, #tpu.memory_space<semaphore_mem>>
      %dma_start3A = arith.constant 0 : i32
      %dma_start3A_51 = tpu.memref_slice %arg3[%arg0, %mul3A_2, %dma_start3A] : memref<2x10240x128xf32, #tpu.memory_space<hbm>> -> memref<1x640x128xf32, #tpu.memory_space<hbm>>
      %dma_start3A_52 = tpu.memref_squeeze %dma_start3A_51 : memref<1x640x128xf32, #tpu.memory_space<hbm>> -> memref<640x128xf32, #tpu.memory_space<hbm>>
      %dma_start3A_53 = arith.constant 0 : i32
      %dma_start3A_54 = tpu.memref_slice %arg7[%mul3A_2, %dma_start3A_53] : memref<10240x128xf32, #tpu.memory_space<vmem_shared>> -> memref<640x128xf32, #tpu.memory_space<vmem_shared>>
      tpu.enqueue_dma source(%dma_start3A_54 : memref<640x128xf32, #tpu.memory_space<vmem_shared>>) target(%dma_start3A_52 : memref<640x128xf32, #tpu.memory_space<hbm>>) target_semaphore(%run_scoped3A_50 : memref<!tpu.dma_semaphore, #tpu.memory_space<semaphore_mem>>)
      %dma_wait3A = arith.constant 0 : i32
      %dma_wait3A_55 = tpu.memref_slice %arg3[%arg0, %mul3A_2, %dma_wait3A] : memref<2x10240x128xf32, #tpu.memory_space<hbm>> -> memref<1x640x128xf32, #tpu.memory_space<hbm>>
      %dma_wait3A_56 = tpu.memref_squeeze %dma_wait3A_55 : memref<1x640x128xf32, #tpu.memory_space<hbm>> -> memref<640x128xf32, #tpu.memory_space<hbm>>
      %dma_wait3A_57 = arith.constant 0 : i32
      %dma_wait3A_58 = tpu.memref_slice %arg7[%mul3A_2, %dma_wait3A_57] : memref<10240x128xf32, #tpu.memory_space<vmem_shared>> -> memref<640x128xf32, #tpu.memory_space<vmem_shared>>
      tpu.wait_dma2 semaphore(%run_scoped3A_50 : memref<!tpu.dma_semaphore, #tpu.memory_space<semaphore_mem>>) src(%dma_wait3A_58 : memref<640x128xf32, #tpu.memory_space<vmem_shared>>) dst(%dma_wait3A_56 : memref<640x128xf32, #tpu.memory_space<hbm>>)
      tpu.yield
    }) : () -> ()
    return
  }
}

#map = affine_map<(d0, d1) -> (0, 0)>
#map1 = affine_map<(d0, d1) -> (0, 0, 0, 0)>
#map2 = affine_map<(d0, d1) -> (0, 0, 0)>
module attributes {stable_mosaic.version = 14 : i64} {
  func.func @_agg_body(%arg0: i32, %arg1: i32, %arg2: memref<10240x128xf32, #tpu.memory_space<hbm>>, %arg3: memref<32x2x40x128xi32, #tpu.memory_space<hbm>>, %arg4: memref<32x2x40x128xi32, #tpu.memory_space<hbm>>, %arg5: memref<2x10240x128xf32, #tpu.memory_space<hbm>>, %arg6: memref<40x128xi32, #tpu.memory_space<vmem>>, %arg7: memref<40x128xi32, #tpu.memory_space<vmem>>, %arg8: memref<128x128xf32, #tpu.memory_space<vmem>>, %arg9: memref<128x128xf32, #tpu.memory_space<vmem>>, %arg10: memref<!tpu.dma_semaphore, #tpu.memory_space<semaphore_mem>>, %arg11: memref<!tpu.dma_semaphore, #tpu.memory_space<semaphore_mem>>, %arg12: memref<10240x128xf32, #tpu.memory_space<vmem_shared>>) attributes {dimension_semantics = [#tpu.dimension_semantics<core_parallel>, #tpu.dimension_semantics<subcore_parallel>], iteration_bounds = array<i64: 2, 16>, scalar_prefetch = 0 : i64, scratch_operands = 7 : i64, tpu.core_type = #tpu.core_type<sc_vector_subcore>, window_params = [{transform_indices = #map}, {transform_indices = #map1}, {transform_indices = #map1}, {transform_indices = #map2}]} {
    %mul3A = arith.constant 16 : i32
    %mul3A_0 = arith.muli %arg0, %mul3A : i32
    %add3A = arith.addi %mul3A_0, %arg1 : i32
    %mul3A_1 = arith.constant 640 : i32
    %mul3A_2 = arith.muli %arg1, %mul3A_1 : i32
    %scan3A = arith.constant 0 : i32
    %scan3A_3 = arith.constant 0 : i32
    %scan3A_4 = arith.constant 128 : i32
    %scan3A_5 = arith.addi %scan3A_3, %scan3A_4 : i32
    %scan3A_6 = arith.constant 1 : i32
    scf.for %scan3A_61 = %scan3A_3 to %scan3A_5 step %scan3A_6  : i32 {
      %broadcast_in_dim3A = arith.constant 0.000000e+00 : f32
      %broadcast_in_dim3A_62 = vector.broadcast %broadcast_in_dim3A : f32 to vector<128xf32>
      %swap3A = arith.index_cast %scan3A_61 : i32 to index
      %swap3A_63 = arith.constant 0 : index
      %swap3A_64 = tpu.vector_load %arg8[%swap3A, %swap3A_63] {strides = array<i32>} : memref<128x128xf32, #tpu.memory_space<vmem>>, vector<1x128xf32>,
      %swap3A_65 = vector.shape_cast %swap3A_64 : vector<1x128xf32> to vector<128xf32>
      %swap3A_66 = vector.shape_cast %broadcast_in_dim3A_62 : vector<128xf32> to vector<1x128xf32>
      tpu.vector_store %arg8[%swap3A, %swap3A_63], %swap3A_66 {strides = array<i32>} : memref<128x128xf32, #tpu.memory_space<vmem>>, vector<1x128xf32>,
    }
    %scan3A_7 = arith.constant 128 : i32
    %add3A_8 = arith.constant 0 : i32
    %add3A_9 = arith.addi %mul3A_2, %add3A_8 : i32
    "tpu.region"() ({
      %run_scoped3A_61 = tpu.sem_alloc : memref<!tpu.dma_semaphore, #tpu.memory_space<semaphore_mem>>
      %dma_start3A_62 = arith.constant 0 : i32
      %dma_start3A_63 = tpu.memref_slice %arg12[%add3A_9, %dma_start3A_62] : memref<10240x128xf32, #tpu.memory_space<vmem_shared>> -> memref<128x128xf32, #tpu.memory_space<vmem_shared>>
      %dma_start3A_64 = arith.constant 0 : i32
      %dma_start3A_65 = tpu.memref_slice %arg12[%add3A_9, %dma_start3A_64] : memref<10240x128xf32, #tpu.memory_space<vmem_shared>> -> memref<128x128xf32, #tpu.memory_space<vmem_shared>>
      tpu.enqueue_dma source(%arg8 : memref<128x128xf32, #tpu.memory_space<vmem>>) target(%dma_start3A_65 : memref<128x128xf32, #tpu.memory_space<vmem_shared>>) target_semaphore(%run_scoped3A_61 : memref<!tpu.dma_semaphore, #tpu.memory_space<semaphore_mem>>)
      %dma_wait3A = arith.constant 0 : i32
      %dma_wait3A_66 = tpu.memref_slice %arg12[%add3A_9, %dma_wait3A] : memref<10240x128xf32, #tpu.memory_space<vmem_shared>> -> memref<128x128xf32, #tpu.memory_space<vmem_shared>>
      %dma_wait3A_67 = arith.constant 0 : i32
      %dma_wait3A_68 = tpu.memref_slice %arg12[%add3A_9, %dma_wait3A_67] : memref<10240x128xf32, #tpu.memory_space<vmem_shared>> -> memref<128x128xf32, #tpu.memory_space<vmem_shared>>
      tpu.wait_dma2 semaphore(%run_scoped3A_61 : memref<!tpu.dma_semaphore, #tpu.memory_space<semaphore_mem>>) src(%arg8 : memref<128x128xf32, #tpu.memory_space<vmem>>) dst(%dma_wait3A_68 : memref<128x128xf32, #tpu.memory_space<vmem_shared>>)
      tpu.yield
    }) : () -> ()
    %add3A_10 = arith.constant 128 : i32
    %add3A_11 = arith.addi %mul3A_2, %add3A_10 : i32
    "tpu.region"() ({
      %run_scoped3A_61 = tpu.sem_alloc : memref<!tpu.dma_semaphore, #tpu.memory_space<semaphore_mem>>
      %dma_start3A_62 = arith.constant 0 : i32
      %dma_start3A_63 = tpu.memref_slice %arg12[%add3A_11, %dma_start3A_62] : memref<10240x128xf32, #tpu.memory_space<vmem_shared>> -> memref<128x128xf32, #tpu.memory_space<vmem_shared>>
      %dma_start3A_64 = arith.constant 0 : i32
      %dma_start3A_65 = tpu.memref_slice %arg12[%add3A_11, %dma_start3A_64] : memref<10240x128xf32, #tpu.memory_space<vmem_shared>> -> memref<128x128xf32, #tpu.memory_space<vmem_shared>>
      tpu.enqueue_dma source(%arg8 : memref<128x128xf32, #tpu.memory_space<vmem>>) target(%dma_start3A_65 : memref<128x128xf32, #tpu.memory_space<vmem_shared>>) target_semaphore(%run_scoped3A_61 : memref<!tpu.dma_semaphore, #tpu.memory_space<semaphore_mem>>)
      %dma_wait3A = arith.constant 0 : i32
      %dma_wait3A_66 = tpu.memref_slice %arg12[%add3A_11, %dma_wait3A] : memref<10240x128xf32, #tpu.memory_space<vmem_shared>> -> memref<128x128xf32, #tpu.memory_space<vmem_shared>>
      %dma_wait3A_67 = arith.constant 0 : i32
      %dma_wait3A_68 = tpu.memref_slice %arg12[%add3A_11, %dma_wait3A_67] : memref<10240x128xf32, #tpu.memory_space<vmem_shared>> -> memref<128x128xf32, #tpu.memory_space<vmem_shared>>
      tpu.wait_dma2 semaphore(%run_scoped3A_61 : memref<!tpu.dma_semaphore, #tpu.memory_space<semaphore_mem>>) src(%arg8 : memref<128x128xf32, #tpu.memory_space<vmem>>) dst(%dma_wait3A_68 : memref<128x128xf32, #tpu.memory_space<vmem_shared>>)
      tpu.yield
    }) : () -> ()
    %add3A_12 = arith.constant 256 : i32
    %add3A_13 = arith.addi %mul3A_2, %add3A_12 : i32
    "tpu.region"() ({
      %run_scoped3A_61 = tpu.sem_alloc : memref<!tpu.dma_semaphore, #tpu.memory_space<semaphore_mem>>
      %dma_start3A_62 = arith.constant 0 : i32
      %dma_start3A_63 = tpu.memref_slice %arg12[%add3A_13, %dma_start3A_62] : memref<10240x128xf32, #tpu.memory_space<vmem_shared>> -> memref<128x128xf32, #tpu.memory_space<vmem_shared>>
      %dma_start3A_64 = arith.constant 0 : i32
      %dma_start3A_65 = tpu.memref_slice %arg12[%add3A_13, %dma_start3A_64] : memref<10240x128xf32, #tpu.memory_space<vmem_shared>> -> memref<128x128xf32, #tpu.memory_space<vmem_shared>>
      tpu.enqueue_dma source(%arg8 : memref<128x128xf32, #tpu.memory_space<vmem>>) target(%dma_start3A_65 : memref<128x128xf32, #tpu.memory_space<vmem_shared>>) target_semaphore(%run_scoped3A_61 : memref<!tpu.dma_semaphore, #tpu.memory_space<semaphore_mem>>)
      %dma_wait3A = arith.constant 0 : i32
      %dma_wait3A_66 = tpu.memref_slice %arg12[%add3A_13, %dma_wait3A] : memref<10240x128xf32, #tpu.memory_space<vmem_shared>> -> memref<128x128xf32, #tpu.memory_space<vmem_shared>>
      %dma_wait3A_67 = arith.constant 0 : i32
      %dma_wait3A_68 = tpu.memref_slice %arg12[%add3A_13, %dma_wait3A_67] : memref<10240x128xf32, #tpu.memory_space<vmem_shared>> -> memref<128x128xf32, #tpu.memory_space<vmem_shared>>
      tpu.wait_dma2 semaphore(%run_scoped3A_61 : memref<!tpu.dma_semaphore, #tpu.memory_space<semaphore_mem>>) src(%arg8 : memref<128x128xf32, #tpu.memory_space<vmem>>) dst(%dma_wait3A_68 : memref<128x128xf32, #tpu.memory_space<vmem_shared>>)
      tpu.yield
    }) : () -> ()
    %add3A_14 = arith.constant 384 : i32
    %add3A_15 = arith.addi %mul3A_2, %add3A_14 : i32
    "tpu.region"() ({
      %run_scoped3A_61 = tpu.sem_alloc : memref<!tpu.dma_semaphore, #tpu.memory_space<semaphore_mem>>
      %dma_start3A_62 = arith.constant 0 : i32
      %dma_start3A_63 = tpu.memref_slice %arg12[%add3A_15, %dma_start3A_62] : memref<10240x128xf32, #tpu.memory_space<vmem_shared>> -> memref<128x128xf32, #tpu.memory_space<vmem_shared>>
      %dma_start3A_64 = arith.constant 0 : i32
      %dma_start3A_65 = tpu.memref_slice %arg12[%add3A_15, %dma_start3A_64] : memref<10240x128xf32, #tpu.memory_space<vmem_shared>> -> memref<128x128xf32, #tpu.memory_space<vmem_shared>>
      tpu.enqueue_dma source(%arg8 : memref<128x128xf32, #tpu.memory_space<vmem>>) target(%dma_start3A_65 : memref<128x128xf32, #tpu.memory_space<vmem_shared>>) target_semaphore(%run_scoped3A_61 : memref<!tpu.dma_semaphore, #tpu.memory_space<semaphore_mem>>)
      %dma_wait3A = arith.constant 0 : i32
      %dma_wait3A_66 = tpu.memref_slice %arg12[%add3A_15, %dma_wait3A] : memref<10240x128xf32, #tpu.memory_space<vmem_shared>> -> memref<128x128xf32, #tpu.memory_space<vmem_shared>>
      %dma_wait3A_67 = arith.constant 0 : i32
      %dma_wait3A_68 = tpu.memref_slice %arg12[%add3A_15, %dma_wait3A_67] : memref<10240x128xf32, #tpu.memory_space<vmem_shared>> -> memref<128x128xf32, #tpu.memory_space<vmem_shared>>
      tpu.wait_dma2 semaphore(%run_scoped3A_61 : memref<!tpu.dma_semaphore, #tpu.memory_space<semaphore_mem>>) src(%arg8 : memref<128x128xf32, #tpu.memory_space<vmem>>) dst(%dma_wait3A_68 : memref<128x128xf32, #tpu.memory_space<vmem_shared>>)
      tpu.yield
    }) : () -> ()
    %add3A_16 = arith.constant 512 : i32
    %add3A_17 = arith.addi %mul3A_2, %add3A_16 : i32
    "tpu.region"() ({
      %run_scoped3A_61 = tpu.sem_alloc : memref<!tpu.dma_semaphore, #tpu.memory_space<semaphore_mem>>
      %dma_start3A_62 = arith.constant 0 : i32
      %dma_start3A_63 = tpu.memref_slice %arg12[%add3A_17, %dma_start3A_62] : memref<10240x128xf32, #tpu.memory_space<vmem_shared>> -> memref<128x128xf32, #tpu.memory_space<vmem_shared>>
      %dma_start3A_64 = arith.constant 0 : i32
      %dma_start3A_65 = tpu.memref_slice %arg12[%add3A_17, %dma_start3A_64] : memref<10240x128xf32, #tpu.memory_space<vmem_shared>> -> memref<128x128xf32, #tpu.memory_space<vmem_shared>>
      tpu.enqueue_dma source(%arg8 : memref<128x128xf32, #tpu.memory_space<vmem>>) target(%dma_start3A_65 : memref<128x128xf32, #tpu.memory_space<vmem_shared>>) target_semaphore(%run_scoped3A_61 : memref<!tpu.dma_semaphore, #tpu.memory_space<semaphore_mem>>)
      %dma_wait3A = arith.constant 0 : i32
      %dma_wait3A_66 = tpu.memref_slice %arg12[%add3A_17, %dma_wait3A] : memref<10240x128xf32, #tpu.memory_space<vmem_shared>> -> memref<128x128xf32, #tpu.memory_space<vmem_shared>>
      %dma_wait3A_67 = arith.constant 0 : i32
      %dma_wait3A_68 = tpu.memref_slice %arg12[%add3A_17, %dma_wait3A_67] : memref<10240x128xf32, #tpu.memory_space<vmem_shared>> -> memref<128x128xf32, #tpu.memory_space<vmem_shared>>
      tpu.wait_dma2 semaphore(%run_scoped3A_61 : memref<!tpu.dma_semaphore, #tpu.memory_space<semaphore_mem>>) src(%arg8 : memref<128x128xf32, #tpu.memory_space<vmem>>) dst(%dma_wait3A_68 : memref<128x128xf32, #tpu.memory_space<vmem_shared>>)
      tpu.yield
    }) : () -> ()
    %barrier3A = arith.constant 0 : index
    tpu.barrier barrier_id(%barrier3A)
    %run_scoped3A = arith.constant 0 : i32
    "tpu.region"() ({
      %run_scoped3A_61 = tpu.sem_alloc : memref<!tpu.dma_semaphore, #tpu.memory_space<semaphore_mem>>
      %dma_start3A_62 = arith.constant 0 : i32
      %dma_start3A_63 = arith.constant 0 : i32
      %dma_start3A_64 = tpu.memref_slice %arg3[%add3A, %run_scoped3A, %dma_start3A_62, %dma_start3A_63] : memref<32x2x40x128xi32, #tpu.memory_space<hbm>> -> memref<1x1x40x128xi32, #tpu.memory_space<hbm>>
      %dma_start3A_65 = tpu.memref_squeeze %dma_start3A_64 : memref<1x1x40x128xi32, #tpu.memory_space<hbm>> -> memref<40x128xi32, #tpu.memory_space<hbm>>
      %dma_start3A_66 = arith.constant 0 : i32
      %dma_start3A_67 = arith.constant 0 : i32
      %dma_start3A_68 = tpu.memref_slice %arg3[%add3A, %run_scoped3A, %dma_start3A_66, %dma_start3A_67] : memref<32x2x40x128xi32, #tpu.memory_space<hbm>> -> memref<1x1x40x128xi32, #tpu.memory_space<hbm>>
      %dma_start3A_69 = tpu.memref_squeeze %dma_start3A_68 : memref<1x1x40x128xi32, #tpu.memory_space<hbm>> -> memref<40x128xi32, #tpu.memory_space<hbm>>
      tpu.enqueue_dma source(%dma_start3A_69 : memref<40x128xi32, #tpu.memory_space<hbm>>) target(%arg6 : memref<40x128xi32, #tpu.memory_space<vmem>>) target_semaphore(%run_scoped3A_61 : memref<!tpu.dma_semaphore, #tpu.memory_space<semaphore_mem>>)
      %dma_wait3A = arith.constant 0 : i32
      %dma_wait3A_70 = arith.constant 0 : i32
      %dma_wait3A_71 = tpu.memref_slice %arg3[%add3A, %run_scoped3A, %dma_wait3A, %dma_wait3A_70] : memref<32x2x40x128xi32, #tpu.memory_space<hbm>> -> memref<1x1x40x128xi32, #tpu.memory_space<hbm>>
      %dma_wait3A_72 = tpu.memref_squeeze %dma_wait3A_71 : memref<1x1x40x128xi32, #tpu.memory_space<hbm>> -> memref<40x128xi32, #tpu.memory_space<hbm>>
      %dma_wait3A_73 = arith.constant 0 : i32
      %dma_wait3A_74 = arith.constant 0 : i32
      %dma_wait3A_75 = tpu.memref_slice %arg3[%add3A, %run_scoped3A, %dma_wait3A_73, %dma_wait3A_74] : memref<32x2x40x128xi32, #tpu.memory_space<hbm>> -> memref<1x1x40x128xi32, #tpu.memory_space<hbm>>
      %dma_wait3A_76 = tpu.memref_squeeze %dma_wait3A_75 : memref<1x1x40x128xi32, #tpu.memory_space<hbm>> -> memref<40x128xi32, #tpu.memory_space<hbm>>
      tpu.wait_dma2 semaphore(%run_scoped3A_61 : memref<!tpu.dma_semaphore, #tpu.memory_space<semaphore_mem>>) src(%dma_wait3A_76 : memref<40x128xi32, #tpu.memory_space<hbm>>) dst(%arg6 : memref<40x128xi32, #tpu.memory_space<vmem>>)
      tpu.yield
    }) : () -> ()
    %run_scoped3A_18 = arith.constant 0 : i32
    "tpu.region"() ({
      %run_scoped3A_61 = tpu.sem_alloc : memref<!tpu.dma_semaphore, #tpu.memory_space<semaphore_mem>>
      %dma_start3A_62 = arith.constant 0 : i32
      %dma_start3A_63 = arith.constant 0 : i32
      %dma_start3A_64 = tpu.memref_slice %arg4[%add3A, %run_scoped3A_18, %dma_start3A_62, %dma_start3A_63] : memref<32x2x40x128xi32, #tpu.memory_space<hbm>> -> memref<1x1x40x128xi32, #tpu.memory_space<hbm>>
      %dma_start3A_65 = tpu.memref_squeeze %dma_start3A_64 : memref<1x1x40x128xi32, #tpu.memory_space<hbm>> -> memref<40x128xi32, #tpu.memory_space<hbm>>
      %dma_start3A_66 = arith.constant 0 : i32
      %dma_start3A_67 = arith.constant 0 : i32
      %dma_start3A_68 = tpu.memref_slice %arg4[%add3A, %run_scoped3A_18, %dma_start3A_66, %dma_start3A_67] : memref<32x2x40x128xi32, #tpu.memory_space<hbm>> -> memref<1x1x40x128xi32, #tpu.memory_space<hbm>>
      %dma_start3A_69 = tpu.memref_squeeze %dma_start3A_68 : memref<1x1x40x128xi32, #tpu.memory_space<hbm>> -> memref<40x128xi32, #tpu.memory_space<hbm>>
      tpu.enqueue_dma source(%dma_start3A_69 : memref<40x128xi32, #tpu.memory_space<hbm>>) target(%arg7 : memref<40x128xi32, #tpu.memory_space<vmem>>) target_semaphore(%run_scoped3A_61 : memref<!tpu.dma_semaphore, #tpu.memory_space<semaphore_mem>>)
      %dma_wait3A = arith.constant 0 : i32
      %dma_wait3A_70 = arith.constant 0 : i32
      %dma_wait3A_71 = tpu.memref_slice %arg4[%add3A, %run_scoped3A_18, %dma_wait3A, %dma_wait3A_70] : memref<32x2x40x128xi32, #tpu.memory_space<hbm>> -> memref<1x1x40x128xi32, #tpu.memory_space<hbm>>
      %dma_wait3A_72 = tpu.memref_squeeze %dma_wait3A_71 : memref<1x1x40x128xi32, #tpu.memory_space<hbm>> -> memref<40x128xi32, #tpu.memory_space<hbm>>
      %dma_wait3A_73 = arith.constant 0 : i32
      %dma_wait3A_74 = arith.constant 0 : i32
      %dma_wait3A_75 = tpu.memref_slice %arg4[%add3A, %run_scoped3A_18, %dma_wait3A_73, %dma_wait3A_74] : memref<32x2x40x128xi32, #tpu.memory_space<hbm>> -> memref<1x1x40x128xi32, #tpu.memory_space<hbm>>
      %dma_wait3A_76 = tpu.memref_squeeze %dma_wait3A_75 : memref<1x1x40x128xi32, #tpu.memory_space<hbm>> -> memref<40x128xi32, #tpu.memory_space<hbm>>
      tpu.wait_dma2 semaphore(%run_scoped3A_61 : memref<!tpu.dma_semaphore, #tpu.memory_space<semaphore_mem>>) src(%dma_wait3A_76 : memref<40x128xi32, #tpu.memory_space<hbm>>) dst(%arg7 : memref<40x128xi32, #tpu.memory_space<vmem>>)
      tpu.yield
    }) : () -> ()
    %dma_start3A = arith.constant 0 : i32
    %dma_start3A_19 = arith.constant 0 : i32
    %dma_start3A_20 = tpu.memref_slice %arg6[%dma_start3A, %dma_start3A_19] : memref<40x128xi32, #tpu.memory_space<vmem>> -> memref<1x128xi32, #tpu.memory_space<vmem>>
    %dma_start3A_21 = tpu.memref_squeeze %dma_start3A_20 : memref<1x128xi32, #tpu.memory_space<vmem>> -> memref<128xi32, #tpu.memory_space<vmem>>
    %dma_start3A_22 = arith.constant 0 : i32
    %dma_start3A_23 = arith.constant 0 : i32
    %dma_start3A_24 = tpu.memref_slice %arg2[%dma_start3A_22, %dma_start3A_23] : memref<10240x128xf32, #tpu.memory_space<hbm>> -> memref<10240x128xf32, #tpu.memory_space<hbm>>
    tpu.enqueue_indirect_dma source(%dma_start3A_24 : memref<10240x128xf32, #tpu.memory_space<hbm>>) target(%arg8 : memref<128x128xf32, #tpu.memory_space<vmem>>) offsets(%dma_start3A_21 : memref<128xi32, #tpu.memory_space<vmem>>) semaphore(%arg10 : memref<!tpu.dma_semaphore, #tpu.memory_space<semaphore_mem>>)
    %dma_start3A_25 = arith.constant 1 : i32
    %dma_start3A_26 = arith.constant 0 : i32
    %dma_start3A_27 = tpu.memref_slice %arg6[%dma_start3A_25, %dma_start3A_26] : memref<40x128xi32, #tpu.memory_space<vmem>> -> memref<1x128xi32, #tpu.memory_space<vmem>>
    %dma_start3A_28 = tpu.memref_squeeze %dma_start3A_27 : memref<1x128xi32, #tpu.memory_space<vmem>> -> memref<128xi32, #tpu.memory_space<vmem>>
    %dma_start3A_29 = arith.constant 0 : i32
    %dma_start3A_30 = arith.constant 0 : i32
    %dma_start3A_31 = tpu.memref_slice %arg2[%dma_start3A_29, %dma_start3A_30] : memref<10240x128xf32, #tpu.memory_space<hbm>> -> memref<10240x128xf32, #tpu.memory_space<hbm>>
    tpu.enqueue_indirect_dma source(%dma_start3A_31 : memref<10240x128xf32, #tpu.memory_space<hbm>>) target(%arg9 : memref<128x128xf32, #tpu.memory_space<vmem>>) offsets(%dma_start3A_28 : memref<128xi32, #tpu.memory_space<vmem>>) semaphore(%arg11 : memref<!tpu.dma_semaphore, #tpu.memory_space<semaphore_mem>>)
    %scan3A_32 = arith.constant 0 : i32
    %scan3A_33 = arith.constant 0 : i32
    %scan3A_34 = arith.constant 20 : i32
    %scan3A_35 = arith.addi %scan3A_33, %scan3A_34 : i32
    %scan3A_36 = arith.constant 1 : i32
    scf.for %scan3A_61 = %scan3A_33 to %scan3A_35 step %scan3A_36  : i32 {
      %mul3A_62 = arith.constant 2 : i32
      %mul3A_63 = arith.muli %mul3A_62, %scan3A_61 : i32
      %add3A_64 = arith.constant 1 : i32
      %add3A_65 = arith.addi %mul3A_63, %add3A_64 : i32
      %dma_wait3A = arith.constant 0 : i32
      %dma_wait3A_66 = tpu.memref_slice %arg6[%mul3A_63, %dma_wait3A] : memref<40x128xi32, #tpu.memory_space<vmem>> -> memref<1x128xi32, #tpu.memory_space<vmem>>
      %dma_wait3A_67 = tpu.memref_squeeze %dma_wait3A_66 : memref<1x128xi32, #tpu.memory_space<vmem>> -> memref<128xi32, #tpu.memory_space<vmem>>
      %dma_wait3A_68 = arith.constant 0 : i32
      %dma_wait3A_69 = arith.constant 0 : i32
      %dma_wait3A_70 = tpu.memref_slice %arg2[%dma_wait3A_68, %dma_wait3A_69] : memref<10240x128xf32, #tpu.memory_space<hbm>> -> memref<10240x128xf32, #tpu.memory_space<hbm>>
      tpu.wait_indirect_dma semaphore(%arg10 : memref<!tpu.dma_semaphore, #tpu.memory_space<semaphore_mem>>) src(%dma_wait3A_70 : memref<10240x128xf32, #tpu.memory_space<hbm>>) dst(%arg8 : memref<128x128xf32, #tpu.memory_space<vmem>>)
      "tpu.region"() ({
        %run_scoped3A_88 = tpu.sem_alloc : memref<!tpu.dma_semaphore, #tpu.memory_space<semaphore_mem>>
        %dma_start3A_89 = arith.constant 0 : i32
        %dma_start3A_90 = tpu.memref_slice %arg7[%mul3A_63, %dma_start3A_89] : memref<40x128xi32, #tpu.memory_space<vmem>> -> memref<1x128xi32, #tpu.memory_space<vmem>>
        %dma_start3A_91 = tpu.memref_squeeze %dma_start3A_90 : memref<1x128xi32, #tpu.memory_space<vmem>> -> memref<128xi32, #tpu.memory_space<vmem>>
        %dma_start3A_92 = arith.constant 0 : i32
        %dma_start3A_93 = arith.constant 0 : i32
        %dma_start3A_94 = tpu.memref_slice %arg12[%dma_start3A_92, %dma_start3A_93] : memref<10240x128xf32, #tpu.memory_space<vmem_shared>> -> memref<10240x128xf32, #tpu.memory_space<vmem_shared>>
        tpu.enqueue_indirect_dma source(%arg8 : memref<128x128xf32, #tpu.memory_space<vmem>>) target(%dma_start3A_94 : memref<10240x128xf32, #tpu.memory_space<vmem_shared>>) offsets(%dma_start3A_91 : memref<128xi32, #tpu.memory_space<vmem>>) semaphore(%run_scoped3A_88 : memref<!tpu.dma_semaphore, #tpu.memory_space<semaphore_mem>>) {add = true}
        %dma_wait3A_95 = arith.constant 0 : i32
        %dma_wait3A_96 = tpu.memref_slice %arg7[%mul3A_63, %dma_wait3A_95] : memref<40x128xi32, #tpu.memory_space<vmem>> -> memref<1x128xi32, #tpu.memory_space<vmem>>
        %dma_wait3A_97 = tpu.memref_squeeze %dma_wait3A_96 : memref<1x128xi32, #tpu.memory_space<vmem>> -> memref<128xi32, #tpu.memory_space<vmem>>
        %dma_wait3A_98 = arith.constant 0 : i32
        %dma_wait3A_99 = arith.constant 0 : i32
        %dma_wait3A_100 = tpu.memref_slice %arg12[%dma_wait3A_98, %dma_wait3A_99] : memref<10240x128xf32, #tpu.memory_space<vmem_shared>> -> memref<10240x128xf32, #tpu.memory_space<vmem_shared>>
        tpu.wait_indirect_dma semaphore(%run_scoped3A_88 : memref<!tpu.dma_semaphore, #tpu.memory_space<semaphore_mem>>) src(%arg8 : memref<128x128xf32, #tpu.memory_space<vmem>>) dst(%dma_wait3A_100 : memref<10240x128xf32, #tpu.memory_space<vmem_shared>>)
        tpu.yield
      }) : () -> ()
      %add3A_71 = arith.constant 1 : i32
      %add3A_72 = arith.addi %scan3A_61, %add3A_71 : i32
      %lt3A = arith.constant 20 : i32
      %lt3A_73 = arith.cmpi slt, %add3A_72, %lt3A : i32
      %convert_element_type3A = arith.extui %lt3A_73 : i1 to i32
      %cond3A = arith.constant 0 : i32
      %cond3A_74 = arith.cmpi ne, %convert_element_type3A, %cond3A : i32
      scf.if %cond3A_74 {
        %add3A_88 = arith.constant 2 : i32
        %add3A_89 = arith.addi %mul3A_63, %add3A_88 : i32
        %dma_start3A_90 = arith.constant 0 : i32
        %dma_start3A_91 = tpu.memref_slice %arg6[%add3A_89, %dma_start3A_90] : memref<40x128xi32, #tpu.memory_space<vmem>> -> memref<1x128xi32, #tpu.memory_space<vmem>>
        %dma_start3A_92 = tpu.memref_squeeze %dma_start3A_91 : memref<1x128xi32, #tpu.memory_space<vmem>> -> memref<128xi32, #tpu.memory_space<vmem>>
        %dma_start3A_93 = arith.constant 0 : i32
        %dma_start3A_94 = arith.constant 0 : i32
        %dma_start3A_95 = tpu.memref_slice %arg2[%dma_start3A_93, %dma_start3A_94] : memref<10240x128xf32, #tpu.memory_space<hbm>> -> memref<10240x128xf32, #tpu.memory_space<hbm>>
        tpu.enqueue_indirect_dma source(%dma_start3A_95 : memref<10240x128xf32, #tpu.memory_space<hbm>>) target(%arg8 : memref<128x128xf32, #tpu.memory_space<vmem>>) offsets(%dma_start3A_92 : memref<128xi32, #tpu.memory_space<vmem>>) semaphore(%arg10 : memref<!tpu.dma_semaphore, #tpu.memory_space<semaphore_mem>>)
      } else {
      }
      %dma_wait3A_75 = arith.constant 0 : i32
      %dma_wait3A_76 = tpu.memref_slice %arg6[%add3A_65, %dma_wait3A_75] : memref<40x128xi32, #tpu.memory_space<vmem>> -> memref<1x128xi32, #tpu.memory_space<vmem>>
      %dma_wait3A_77 = tpu.memref_squeeze %dma_wait3A_76 : memref<1x128xi32, #tpu.memory_space<vmem>> -> memref<128xi32, #tpu.memory_space<vmem>>
      %dma_wait3A_78 = arith.constant 0 : i32
      %dma_wait3A_79 = arith.constant 0 : i32
      %dma_wait3A_80 = tpu.memref_slice %arg2[%dma_wait3A_78, %dma_wait3A_79] : memref<10240x128xf32, #tpu.memory_space<hbm>> -> memref<10240x128xf32, #tpu.memory_space<hbm>>
      tpu.wait_indirect_dma semaphore(%arg11 : memref<!tpu.dma_semaphore, #tpu.memory_space<semaphore_mem>>) src(%dma_wait3A_80 : memref<10240x128xf32, #tpu.memory_space<hbm>>) dst(%arg9 : memref<128x128xf32, #tpu.memory_space<vmem>>)
      "tpu.region"() ({
        %run_scoped3A_88 = tpu.sem_alloc : memref<!tpu.dma_semaphore, #tpu.memory_space<semaphore_mem>>
        %dma_start3A_89 = arith.constant 0 : i32
        %dma_start3A_90 = tpu.memref_slice %arg7[%add3A_65, %dma_start3A_89] : memref<40x128xi32, #tpu.memory_space<vmem>> -> memref<1x128xi32, #tpu.memory_space<vmem>>
        %dma_start3A_91 = tpu.memref_squeeze %dma_start3A_90 : memref<1x128xi32, #tpu.memory_space<vmem>> -> memref<128xi32, #tpu.memory_space<vmem>>
        %dma_start3A_92 = arith.constant 0 : i32
        %dma_start3A_93 = arith.constant 0 : i32
        %dma_start3A_94 = tpu.memref_slice %arg12[%dma_start3A_92, %dma_start3A_93] : memref<10240x128xf32, #tpu.memory_space<vmem_shared>> -> memref<10240x128xf32, #tpu.memory_space<vmem_shared>>
        tpu.enqueue_indirect_dma source(%arg9 : memref<128x128xf32, #tpu.memory_space<vmem>>) target(%dma_start3A_94 : memref<10240x128xf32, #tpu.memory_space<vmem_shared>>) offsets(%dma_start3A_91 : memref<128xi32, #tpu.memory_space<vmem>>) semaphore(%run_scoped3A_88 : memref<!tpu.dma_semaphore, #tpu.memory_space<semaphore_mem>>) {add = true}
        %dma_wait3A_95 = arith.constant 0 : i32
        %dma_wait3A_96 = tpu.memref_slice %arg7[%add3A_65, %dma_wait3A_95] : memref<40x128xi32, #tpu.memory_space<vmem>> -> memref<1x128xi32, #tpu.memory_space<vmem>>
        %dma_wait3A_97 = tpu.memref_squeeze %dma_wait3A_96 : memref<1x128xi32, #tpu.memory_space<vmem>> -> memref<128xi32, #tpu.memory_space<vmem>>
        %dma_wait3A_98 = arith.constant 0 : i32
        %dma_wait3A_99 = arith.constant 0 : i32
        %dma_wait3A_100 = tpu.memref_slice %arg12[%dma_wait3A_98, %dma_wait3A_99] : memref<10240x128xf32, #tpu.memory_space<vmem_shared>> -> memref<10240x128xf32, #tpu.memory_space<vmem_shared>>
        tpu.wait_indirect_dma semaphore(%run_scoped3A_88 : memref<!tpu.dma_semaphore, #tpu.memory_space<semaphore_mem>>) src(%arg9 : memref<128x128xf32, #tpu.memory_space<vmem>>) dst(%dma_wait3A_100 : memref<10240x128xf32, #tpu.memory_space<vmem_shared>>)
        tpu.yield
      }) : () -> ()
      %add3A_81 = arith.constant 1 : i32
      %add3A_82 = arith.addi %scan3A_61, %add3A_81 : i32
      %lt3A_83 = arith.constant 20 : i32
      %lt3A_84 = arith.cmpi slt, %add3A_82, %lt3A_83 : i32
      %convert_element_type3A_85 = arith.extui %lt3A_84 : i1 to i32
      %cond3A_86 = arith.constant 0 : i32
      %cond3A_87 = arith.cmpi ne, %convert_element_type3A_85, %cond3A_86 : i32
      scf.if %cond3A_87 {
        %add3A_88 = arith.constant 2 : i32
        %add3A_89 = arith.addi %add3A_65, %add3A_88 : i32
        %dma_start3A_90 = arith.constant 0 : i32
        %dma_start3A_91 = tpu.memref_slice %arg6[%add3A_89, %dma_start3A_90] : memref<40x128xi32, #tpu.memory_space<vmem>> -> memref<1x128xi32, #tpu.memory_space<vmem>>
        %dma_start3A_92 = tpu.memref_squeeze %dma_start3A_91 : memref<1x128xi32, #tpu.memory_space<vmem>> -> memref<128xi32, #tpu.memory_space<vmem>>
        %dma_start3A_93 = arith.constant 0 : i32
        %dma_start3A_94 = arith.constant 0 : i32
        %dma_start3A_95 = tpu.memref_slice %arg2[%dma_start3A_93, %dma_start3A_94] : memref<10240x128xf32, #tpu.memory_space<hbm>> -> memref<10240x128xf32, #tpu.memory_space<hbm>>
        tpu.enqueue_indirect_dma source(%dma_start3A_95 : memref<10240x128xf32, #tpu.memory_space<hbm>>) target(%arg9 : memref<128x128xf32, #tpu.memory_space<vmem>>) offsets(%dma_start3A_92 : memref<128xi32, #tpu.memory_space<vmem>>) semaphore(%arg11 : memref<!tpu.dma_semaphore, #tpu.memory_space<semaphore_mem>>)
      } else {
      }
    }
    %scan3A_37 = arith.constant 20 : i32
    %run_scoped3A_38 = arith.constant 1 : i32
    "tpu.region"() ({
      %run_scoped3A_61 = tpu.sem_alloc : memref<!tpu.dma_semaphore, #tpu.memory_space<semaphore_mem>>
      %dma_start3A_62 = arith.constant 0 : i32
      %dma_start3A_63 = arith.constant 0 : i32
      %dma_start3A_64 = tpu.memref_slice %arg3[%add3A, %run_scoped3A_38, %dma_start3A_62, %dma_start3A_63] : memref<32x2x40x128xi32, #tpu.memory_space<hbm>> -> memref<1x1x40x128xi32, #tpu.memory_space<hbm>>
      %dma_start3A_65 = tpu.memref_squeeze %dma_start3A_64 : memref<1x1x40x128xi32, #tpu.memory_space<hbm>> -> memref<40x128xi32, #tpu.memory_space<hbm>>
      %dma_start3A_66 = arith.constant 0 : i32
      %dma_start3A_67 = arith.constant 0 : i32
      %dma_start3A_68 = tpu.memref_slice %arg3[%add3A, %run_scoped3A_38, %dma_start3A_66, %dma_start3A_67] : memref<32x2x40x128xi32, #tpu.memory_space<hbm>> -> memref<1x1x40x128xi32, #tpu.memory_space<hbm>>
      %dma_start3A_69 = tpu.memref_squeeze %dma_start3A_68 : memref<1x1x40x128xi32, #tpu.memory_space<hbm>> -> memref<40x128xi32, #tpu.memory_space<hbm>>
      tpu.enqueue_dma source(%dma_start3A_69 : memref<40x128xi32, #tpu.memory_space<hbm>>) target(%arg6 : memref<40x128xi32, #tpu.memory_space<vmem>>) target_semaphore(%run_scoped3A_61 : memref<!tpu.dma_semaphore, #tpu.memory_space<semaphore_mem>>)
      %dma_wait3A = arith.constant 0 : i32
      %dma_wait3A_70 = arith.constant 0 : i32
      %dma_wait3A_71 = tpu.memref_slice %arg3[%add3A, %run_scoped3A_38, %dma_wait3A, %dma_wait3A_70] : memref<32x2x40x128xi32, #tpu.memory_space<hbm>> -> memref<1x1x40x128xi32, #tpu.memory_space<hbm>>
      %dma_wait3A_72 = tpu.memref_squeeze %dma_wait3A_71 : memref<1x1x40x128xi32, #tpu.memory_space<hbm>> -> memref<40x128xi32, #tpu.memory_space<hbm>>
      %dma_wait3A_73 = arith.constant 0 : i32
      %dma_wait3A_74 = arith.constant 0 : i32
      %dma_wait3A_75 = tpu.memref_slice %arg3[%add3A, %run_scoped3A_38, %dma_wait3A_73, %dma_wait3A_74] : memref<32x2x40x128xi32, #tpu.memory_space<hbm>> -> memref<1x1x40x128xi32, #tpu.memory_space<hbm>>
      %dma_wait3A_76 = tpu.memref_squeeze %dma_wait3A_75 : memref<1x1x40x128xi32, #tpu.memory_space<hbm>> -> memref<40x128xi32, #tpu.memory_space<hbm>>
      tpu.wait_dma2 semaphore(%run_scoped3A_61 : memref<!tpu.dma_semaphore, #tpu.memory_space<semaphore_mem>>) src(%dma_wait3A_76 : memref<40x128xi32, #tpu.memory_space<hbm>>) dst(%arg6 : memref<40x128xi32, #tpu.memory_space<vmem>>)
      tpu.yield
    }) : () -> ()
    %run_scoped3A_39 = arith.constant 1 : i32
    "tpu.region"() ({
      %run_scoped3A_61 = tpu.sem_alloc : memref<!tpu.dma_semaphore, #tpu.memory_space<semaphore_mem>>
      %dma_start3A_62 = arith.constant 0 : i32
      %dma_start3A_63 = arith.constant 0 : i32
      %dma_start3A_64 = tpu.memref_slice %arg4[%add3A, %run_scoped3A_39, %dma_start3A_62, %dma_start3A_63] : memref<32x2x40x128xi32, #tpu.memory_space<hbm>> -> memref<1x1x40x128xi32, #tpu.memory_space<hbm>>
      %dma_start3A_65 = tpu.memref_squeeze %dma_start3A_64 : memref<1x1x40x128xi32, #tpu.memory_space<hbm>> -> memref<40x128xi32, #tpu.memory_space<hbm>>
      %dma_start3A_66 = arith.constant 0 : i32
      %dma_start3A_67 = arith.constant 0 : i32
      %dma_start3A_68 = tpu.memref_slice %arg4[%add3A, %run_scoped3A_39, %dma_start3A_66, %dma_start3A_67] : memref<32x2x40x128xi32, #tpu.memory_space<hbm>> -> memref<1x1x40x128xi32, #tpu.memory_space<hbm>>
      %dma_start3A_69 = tpu.memref_squeeze %dma_start3A_68 : memref<1x1x40x128xi32, #tpu.memory_space<hbm>> -> memref<40x128xi32, #tpu.memory_space<hbm>>
      tpu.enqueue_dma source(%dma_start3A_69 : memref<40x128xi32, #tpu.memory_space<hbm>>) target(%arg7 : memref<40x128xi32, #tpu.memory_space<vmem>>) target_semaphore(%run_scoped3A_61 : memref<!tpu.dma_semaphore, #tpu.memory_space<semaphore_mem>>)
      %dma_wait3A = arith.constant 0 : i32
      %dma_wait3A_70 = arith.constant 0 : i32
      %dma_wait3A_71 = tpu.memref_slice %arg4[%add3A, %run_scoped3A_39, %dma_wait3A, %dma_wait3A_70] : memref<32x2x40x128xi32, #tpu.memory_space<hbm>> -> memref<1x1x40x128xi32, #tpu.memory_space<hbm>>
      %dma_wait3A_72 = tpu.memref_squeeze %dma_wait3A_71 : memref<1x1x40x128xi32, #tpu.memory_space<hbm>> -> memref<40x128xi32, #tpu.memory_space<hbm>>
      %dma_wait3A_73 = arith.constant 0 : i32
      %dma_wait3A_74 = arith.constant 0 : i32
      %dma_wait3A_75 = tpu.memref_slice %arg4[%add3A, %run_scoped3A_39, %dma_wait3A_73, %dma_wait3A_74] : memref<32x2x40x128xi32, #tpu.memory_space<hbm>> -> memref<1x1x40x128xi32, #tpu.memory_space<hbm>>
      %dma_wait3A_76 = tpu.memref_squeeze %dma_wait3A_75 : memref<1x1x40x128xi32, #tpu.memory_space<hbm>> -> memref<40x128xi32, #tpu.memory_space<hbm>>
      tpu.wait_dma2 semaphore(%run_scoped3A_61 : memref<!tpu.dma_semaphore, #tpu.memory_space<semaphore_mem>>) src(%dma_wait3A_76 : memref<40x128xi32, #tpu.memory_space<hbm>>) dst(%arg7 : memref<40x128xi32, #tpu.memory_space<vmem>>)
      tpu.yield
    }) : () -> ()
    %dma_start3A_40 = arith.constant 0 : i32
    %dma_start3A_41 = arith.constant 0 : i32
    %dma_start3A_42 = tpu.memref_slice %arg6[%dma_start3A_40, %dma_start3A_41] : memref<40x128xi32, #tpu.memory_space<vmem>> -> memref<1x128xi32, #tpu.memory_space<vmem>>
    %dma_start3A_43 = tpu.memref_squeeze %dma_start3A_42 : memref<1x128xi32, #tpu.memory_space<vmem>> -> memref<128xi32, #tpu.memory_space<vmem>>
    %dma_start3A_44 = arith.constant 0 : i32
    %dma_start3A_45 = arith.constant 0 : i32
    %dma_start3A_46 = tpu.memref_slice %arg2[%dma_start3A_44, %dma_start3A_45] : memref<10240x128xf32, #tpu.memory_space<hbm>> -> memref<10240x128xf32, #tpu.memory_space<hbm>>
    tpu.enqueue_indirect_dma source(%dma_start3A_46 : memref<10240x128xf32, #tpu.memory_space<hbm>>) target(%arg8 : memref<128x128xf32, #tpu.memory_space<vmem>>) offsets(%dma_start3A_43 : memref<128xi32, #tpu.memory_space<vmem>>) semaphore(%arg10 : memref<!tpu.dma_semaphore, #tpu.memory_space<semaphore_mem>>)
    %dma_start3A_47 = arith.constant 1 : i32
    %dma_start3A_48 = arith.constant 0 : i32
    %dma_start3A_49 = tpu.memref_slice %arg6[%dma_start3A_47, %dma_start3A_48] : memref<40x128xi32, #tpu.memory_space<vmem>> -> memref<1x128xi32, #tpu.memory_space<vmem>>
    %dma_start3A_50 = tpu.memref_squeeze %dma_start3A_49 : memref<1x128xi32, #tpu.memory_space<vmem>> -> memref<128xi32, #tpu.memory_space<vmem>>
    %dma_start3A_51 = arith.constant 0 : i32
    %dma_start3A_52 = arith.constant 0 : i32
    %dma_start3A_53 = tpu.memref_slice %arg2[%dma_start3A_51, %dma_start3A_52] : memref<10240x128xf32, #tpu.memory_space<hbm>> -> memref<10240x128xf32, #tpu.memory_space<hbm>>
    tpu.enqueue_indirect_dma source(%dma_start3A_53 : memref<10240x128xf32, #tpu.memory_space<hbm>>) target(%arg9 : memref<128x128xf32, #tpu.memory_space<vmem>>) offsets(%dma_start3A_50 : memref<128xi32, #tpu.memory_space<vmem>>) semaphore(%arg11 : memref<!tpu.dma_semaphore, #tpu.memory_space<semaphore_mem>>)
    %scan3A_54 = arith.constant 0 : i32
    %scan3A_55 = arith.constant 0 : i32
    %scan3A_56 = arith.constant 20 : i32
    %scan3A_57 = arith.addi %scan3A_55, %scan3A_56 : i32
    %scan3A_58 = arith.constant 1 : i32
    scf.for %scan3A_61 = %scan3A_55 to %scan3A_57 step %scan3A_58  : i32 {
      %mul3A_62 = arith.constant 2 : i32
      %mul3A_63 = arith.muli %mul3A_62, %scan3A_61 : i32
      %add3A_64 = arith.constant 1 : i32
      %add3A_65 = arith.addi %mul3A_63, %add3A_64 : i32
      %dma_wait3A = arith.constant 0 : i32
      %dma_wait3A_66 = tpu.memref_slice %arg6[%mul3A_63, %dma_wait3A] : memref<40x128xi32, #tpu.memory_space<vmem>> -> memref<1x128xi32, #tpu.memory_space<vmem>>
      %dma_wait3A_67 = tpu.memref_squeeze %dma_wait3A_66 : memref<1x128xi32, #tpu.memory_space<vmem>> -> memref<128xi32, #tpu.memory_space<vmem>>
      %dma_wait3A_68 = arith.constant 0 : i32
      %dma_wait3A_69 = arith.constant 0 : i32
      %dma_wait3A_70 = tpu.memref_slice %arg2[%dma_wait3A_68, %dma_wait3A_69] : memref<10240x128xf32, #tpu.memory_space<hbm>> -> memref<10240x128xf32, #tpu.memory_space<hbm>>
      tpu.wait_indirect_dma semaphore(%arg10 : memref<!tpu.dma_semaphore, #tpu.memory_space<semaphore_mem>>) src(%dma_wait3A_70 : memref<10240x128xf32, #tpu.memory_space<hbm>>) dst(%arg8 : memref<128x128xf32, #tpu.memory_space<vmem>>)
      "tpu.region"() ({
        %run_scoped3A_88 = tpu.sem_alloc : memref<!tpu.dma_semaphore, #tpu.memory_space<semaphore_mem>>
        %dma_start3A_89 = arith.constant 0 : i32
        %dma_start3A_90 = tpu.memref_slice %arg7[%mul3A_63, %dma_start3A_89] : memref<40x128xi32, #tpu.memory_space<vmem>> -> memref<1x128xi32, #tpu.memory_space<vmem>>
        %dma_start3A_91 = tpu.memref_squeeze %dma_start3A_90 : memref<1x128xi32, #tpu.memory_space<vmem>> -> memref<128xi32, #tpu.memory_space<vmem>>
        %dma_start3A_92 = arith.constant 0 : i32
        %dma_start3A_93 = arith.constant 0 : i32
        %dma_start3A_94 = tpu.memref_slice %arg12[%dma_start3A_92, %dma_start3A_93] : memref<10240x128xf32, #tpu.memory_space<vmem_shared>> -> memref<10240x128xf32, #tpu.memory_space<vmem_shared>>
        tpu.enqueue_indirect_dma source(%arg8 : memref<128x128xf32, #tpu.memory_space<vmem>>) target(%dma_start3A_94 : memref<10240x128xf32, #tpu.memory_space<vmem_shared>>) offsets(%dma_start3A_91 : memref<128xi32, #tpu.memory_space<vmem>>) semaphore(%run_scoped3A_88 : memref<!tpu.dma_semaphore, #tpu.memory_space<semaphore_mem>>) {add = true}
        %dma_wait3A_95 = arith.constant 0 : i32
        %dma_wait3A_96 = tpu.memref_slice %arg7[%mul3A_63, %dma_wait3A_95] : memref<40x128xi32, #tpu.memory_space<vmem>> -> memref<1x128xi32, #tpu.memory_space<vmem>>
        %dma_wait3A_97 = tpu.memref_squeeze %dma_wait3A_96 : memref<1x128xi32, #tpu.memory_space<vmem>> -> memref<128xi32, #tpu.memory_space<vmem>>
        %dma_wait3A_98 = arith.constant 0 : i32
        %dma_wait3A_99 = arith.constant 0 : i32
        %dma_wait3A_100 = tpu.memref_slice %arg12[%dma_wait3A_98, %dma_wait3A_99] : memref<10240x128xf32, #tpu.memory_space<vmem_shared>> -> memref<10240x128xf32, #tpu.memory_space<vmem_shared>>
        tpu.wait_indirect_dma semaphore(%run_scoped3A_88 : memref<!tpu.dma_semaphore, #tpu.memory_space<semaphore_mem>>) src(%arg8 : memref<128x128xf32, #tpu.memory_space<vmem>>) dst(%dma_wait3A_100 : memref<10240x128xf32, #tpu.memory_space<vmem_shared>>)
        tpu.yield
      }) : () -> ()
      %add3A_71 = arith.constant 1 : i32
      %add3A_72 = arith.addi %scan3A_61, %add3A_71 : i32
      %lt3A = arith.constant 20 : i32
      %lt3A_73 = arith.cmpi slt, %add3A_72, %lt3A : i32
      %convert_element_type3A = arith.extui %lt3A_73 : i1 to i32
      %cond3A = arith.constant 0 : i32
      %cond3A_74 = arith.cmpi ne, %convert_element_type3A, %cond3A : i32
      scf.if %cond3A_74 {
        %add3A_88 = arith.constant 2 : i32
        %add3A_89 = arith.addi %mul3A_63, %add3A_88 : i32
        %dma_start3A_90 = arith.constant 0 : i32
        %dma_start3A_91 = tpu.memref_slice %arg6[%add3A_89, %dma_start3A_90] : memref<40x128xi32, #tpu.memory_space<vmem>> -> memref<1x128xi32, #tpu.memory_space<vmem>>
        %dma_start3A_92 = tpu.memref_squeeze %dma_start3A_91 : memref<1x128xi32, #tpu.memory_space<vmem>> -> memref<128xi32, #tpu.memory_space<vmem>>
        %dma_start3A_93 = arith.constant 0 : i32
        %dma_start3A_94 = arith.constant 0 : i32
        %dma_start3A_95 = tpu.memref_slice %arg2[%dma_start3A_93, %dma_start3A_94] : memref<10240x128xf32, #tpu.memory_space<hbm>> -> memref<10240x128xf32, #tpu.memory_space<hbm>>
        tpu.enqueue_indirect_dma source(%dma_start3A_95 : memref<10240x128xf32, #tpu.memory_space<hbm>>) target(%arg8 : memref<128x128xf32, #tpu.memory_space<vmem>>) offsets(%dma_start3A_92 : memref<128xi32, #tpu.memory_space<vmem>>) semaphore(%arg10 : memref<!tpu.dma_semaphore, #tpu.memory_space<semaphore_mem>>)
      } else {
      }
      %dma_wait3A_75 = arith.constant 0 : i32
      %dma_wait3A_76 = tpu.memref_slice %arg6[%add3A_65, %dma_wait3A_75] : memref<40x128xi32, #tpu.memory_space<vmem>> -> memref<1x128xi32, #tpu.memory_space<vmem>>
      %dma_wait3A_77 = tpu.memref_squeeze %dma_wait3A_76 : memref<1x128xi32, #tpu.memory_space<vmem>> -> memref<128xi32, #tpu.memory_space<vmem>>
      %dma_wait3A_78 = arith.constant 0 : i32
      %dma_wait3A_79 = arith.constant 0 : i32
      %dma_wait3A_80 = tpu.memref_slice %arg2[%dma_wait3A_78, %dma_wait3A_79] : memref<10240x128xf32, #tpu.memory_space<hbm>> -> memref<10240x128xf32, #tpu.memory_space<hbm>>
      tpu.wait_indirect_dma semaphore(%arg11 : memref<!tpu.dma_semaphore, #tpu.memory_space<semaphore_mem>>) src(%dma_wait3A_80 : memref<10240x128xf32, #tpu.memory_space<hbm>>) dst(%arg9 : memref<128x128xf32, #tpu.memory_space<vmem>>)
      "tpu.region"() ({
        %run_scoped3A_88 = tpu.sem_alloc : memref<!tpu.dma_semaphore, #tpu.memory_space<semaphore_mem>>
        %dma_start3A_89 = arith.constant 0 : i32
        %dma_start3A_90 = tpu.memref_slice %arg7[%add3A_65, %dma_start3A_89] : memref<40x128xi32, #tpu.memory_space<vmem>> -> memref<1x128xi32, #tpu.memory_space<vmem>>
        %dma_start3A_91 = tpu.memref_squeeze %dma_start3A_90 : memref<1x128xi32, #tpu.memory_space<vmem>> -> memref<128xi32, #tpu.memory_space<vmem>>
        %dma_start3A_92 = arith.constant 0 : i32
        %dma_start3A_93 = arith.constant 0 : i32
        %dma_start3A_94 = tpu.memref_slice %arg12[%dma_start3A_92, %dma_start3A_93] : memref<10240x128xf32, #tpu.memory_space<vmem_shared>> -> memref<10240x128xf32, #tpu.memory_space<vmem_shared>>
        tpu.enqueue_indirect_dma source(%arg9 : memref<128x128xf32, #tpu.memory_space<vmem>>) target(%dma_start3A_94 : memref<10240x128xf32, #tpu.memory_space<vmem_shared>>) offsets(%dma_start3A_91 : memref<128xi32, #tpu.memory_space<vmem>>) semaphore(%run_scoped3A_88 : memref<!tpu.dma_semaphore, #tpu.memory_space<semaphore_mem>>) {add = true}
        %dma_wait3A_95 = arith.constant 0 : i32
        %dma_wait3A_96 = tpu.memref_slice %arg7[%add3A_65, %dma_wait3A_95] : memref<40x128xi32, #tpu.memory_space<vmem>> -> memref<1x128xi32, #tpu.memory_space<vmem>>
        %dma_wait3A_97 = tpu.memref_squeeze %dma_wait3A_96 : memref<1x128xi32, #tpu.memory_space<vmem>> -> memref<128xi32, #tpu.memory_space<vmem>>
        %dma_wait3A_98 = arith.constant 0 : i32
        %dma_wait3A_99 = arith.constant 0 : i32
        %dma_wait3A_100 = tpu.memref_slice %arg12[%dma_wait3A_98, %dma_wait3A_99] : memref<10240x128xf32, #tpu.memory_space<vmem_shared>> -> memref<10240x128xf32, #tpu.memory_space<vmem_shared>>
        tpu.wait_indirect_dma semaphore(%run_scoped3A_88 : memref<!tpu.dma_semaphore, #tpu.memory_space<semaphore_mem>>) src(%arg9 : memref<128x128xf32, #tpu.memory_space<vmem>>) dst(%dma_wait3A_100 : memref<10240x128xf32, #tpu.memory_space<vmem_shared>>)
        tpu.yield
      }) : () -> ()
      %add3A_81 = arith.constant 1 : i32
      %add3A_82 = arith.addi %scan3A_61, %add3A_81 : i32
      %lt3A_83 = arith.constant 20 : i32
      %lt3A_84 = arith.cmpi slt, %add3A_82, %lt3A_83 : i32
      %convert_element_type3A_85 = arith.extui %lt3A_84 : i1 to i32
      %cond3A_86 = arith.constant 0 : i32
      %cond3A_87 = arith.cmpi ne, %convert_element_type3A_85, %cond3A_86 : i32
      scf.if %cond3A_87 {
        %add3A_88 = arith.constant 2 : i32
        %add3A_89 = arith.addi %add3A_65, %add3A_88 : i32
        %dma_start3A_90 = arith.constant 0 : i32
        %dma_start3A_91 = tpu.memref_slice %arg6[%add3A_89, %dma_start3A_90] : memref<40x128xi32, #tpu.memory_space<vmem>> -> memref<1x128xi32, #tpu.memory_space<vmem>>
        %dma_start3A_92 = tpu.memref_squeeze %dma_start3A_91 : memref<1x128xi32, #tpu.memory_space<vmem>> -> memref<128xi32, #tpu.memory_space<vmem>>
        %dma_start3A_93 = arith.constant 0 : i32
        %dma_start3A_94 = arith.constant 0 : i32
        %dma_start3A_95 = tpu.memref_slice %arg2[%dma_start3A_93, %dma_start3A_94] : memref<10240x128xf32, #tpu.memory_space<hbm>> -> memref<10240x128xf32, #tpu.memory_space<hbm>>
        tpu.enqueue_indirect_dma source(%dma_start3A_95 : memref<10240x128xf32, #tpu.memory_space<hbm>>) target(%arg9 : memref<128x128xf32, #tpu.memory_space<vmem>>) offsets(%dma_start3A_92 : memref<128xi32, #tpu.memory_space<vmem>>) semaphore(%arg11 : memref<!tpu.dma_semaphore, #tpu.memory_space<semaphore_mem>>)
      } else {
      }
    }
    %scan3A_59 = arith.constant 20 : i32
    %barrier3A_60 = arith.constant 0 : index
    tpu.barrier barrier_id(%barrier3A_60)
    "tpu.region"() ({
      %run_scoped3A_61 = tpu.sem_alloc : memref<!tpu.dma_semaphore, #tpu.memory_space<semaphore_mem>>
      %dma_start3A_62 = arith.constant 0 : i32
      %dma_start3A_63 = tpu.memref_slice %arg5[%arg0, %mul3A_2, %dma_start3A_62] : memref<2x10240x128xf32, #tpu.memory_space<hbm>> -> memref<1x640x128xf32, #tpu.memory_space<hbm>>
      %dma_start3A_64 = tpu.memref_squeeze %dma_start3A_63 : memref<1x640x128xf32, #tpu.memory_space<hbm>> -> memref<640x128xf32, #tpu.memory_space<hbm>>
      %dma_start3A_65 = arith.constant 0 : i32
      %dma_start3A_66 = tpu.memref_slice %arg12[%mul3A_2, %dma_start3A_65] : memref<10240x128xf32, #tpu.memory_space<vmem_shared>> -> memref<640x128xf32, #tpu.memory_space<vmem_shared>>
      tpu.enqueue_dma source(%dma_start3A_66 : memref<640x128xf32, #tpu.memory_space<vmem_shared>>) target(%dma_start3A_64 : memref<640x128xf32, #tpu.memory_space<hbm>>) target_semaphore(%run_scoped3A_61 : memref<!tpu.dma_semaphore, #tpu.memory_space<semaphore_mem>>)
      %dma_wait3A = arith.constant 0 : i32
      %dma_wait3A_67 = tpu.memref_slice %arg5[%arg0, %mul3A_2, %dma_wait3A] : memref<2x10240x128xf32, #tpu.memory_space<hbm>> -> memref<1x640x128xf32, #tpu.memory_space<hbm>>
      %dma_wait3A_68 = tpu.memref_squeeze %dma_wait3A_67 : memref<1x640x128xf32, #tpu.memory_space<hbm>> -> memref<640x128xf32, #tpu.memory_space<hbm>>
      %dma_wait3A_69 = arith.constant 0 : i32
      %dma_wait3A_70 = tpu.memref_slice %arg12[%mul3A_2, %dma_wait3A_69] : memref<10240x128xf32, #tpu.memory_space<vmem_shared>> -> memref<640x128xf32, #tpu.memory_space<vmem_shared>>
      tpu.wait_dma2 semaphore(%run_scoped3A_61 : memref<!tpu.dma_semaphore, #tpu.memory_space<semaphore_mem>>) src(%dma_wait3A_70 : memref<640x128xf32, #tpu.memory_space<vmem_shared>>) dst(%dma_wait3A_68 : memref<640x128xf32, #tpu.memory_space<hbm>>)
      tpu.yield
    }) : () -> ()
    return
  }
}

module attributes {stable_mosaic.version = 14 : i64} {
  func.func @_mm1_body(%arg0: i32, %arg1: memref<1024x128xf32, #tpu.memory_space<vmem>>, %arg2: memref<128x128xf32, #tpu.memory_space<vmem>>, %arg3: memref<1024x128xf32, #tpu.memory_space<vmem>>) attributes {dimension_semantics = [#tpu.dimension_semantics<arbitrary>], iteration_bounds = array<i64: 10>, scalar_prefetch = 0 : i64, scratch_operands = 0 : i64, tpu.core_type = #tpu.core_type<tc>, window_params = [{transform_indices = @transform_0, window_bounds = array<i64: 1024, 128>}, {pipeline_mode = #tpu.pipeline_mode<synchronous>, transform_indices = @transform_1, window_bounds = array<i64: 128, 128>}, {transform_indices = @transform_2, window_bounds = array<i64: 1024, 128>}]} {
    %get3A = arith.constant 0 : index
    %get3A_0 = arith.constant 0 : index
    %get3A_1 = vector.load %arg1[%get3A, %get3A_0] : memref<1024x128xf32, #tpu.memory_space<vmem>>, vector<1024x128xf32>
    %get3A_2 = arith.constant 0 : index
    %get3A_3 = arith.constant 0 : index
    %get3A_4 = vector.load %arg2[%get3A_2, %get3A_3] : memref<128x128xf32, #tpu.memory_space<vmem>>, vector<128x128xf32>
    %dot_general3A = arith.constant dense<0.000000e+00> : vector<1024x128xf32>
    %dot_general3A_5 = tpu.matmul %get3A_1, %get3A_4, %dot_general3A {dimension_numbers = #tpu.dot_dimension_numbers<[1], [0], [0], [1], [0, 0, 1, 1], [], []>, transpose_lhs_hint = false} : vector<1024x128xf32>, vector<128x128xf32>, vector<1024x128xf32> -> vector<1024x128xf32>
    %swap3A = arith.constant 0 : index
    %swap3A_6 = arith.constant 0 : index
    %swap3A_7 = vector.load %arg3[%swap3A, %swap3A_6] : memref<1024x128xf32, #tpu.memory_space<vmem>>, vector<1024x128xf32>
    tpu.vector_store %arg3[%swap3A, %swap3A_6], %dot_general3A_5 {strides = array<i32>} : memref<1024x128xf32, #tpu.memory_space<vmem>>, vector<1024x128xf32>,
    return
  }
  func.func @transform_0(%arg0: i32) -> (i32, i32) {
    %c0_i32 = arith.constant 0 : i32
    %c0_i32_0 = arith.constant 0 : i32
    return %arg0, %c0_i32 : i32, i32
  }
  func.func @transform_1(%arg0: i32) -> (i32, i32) {
    %c0_i32 = arith.constant 0 : i32
    %c0_i32_0 = arith.constant 0 : i32
    %c0_i32_1 = arith.constant 0 : i32
    return %c0_i32, %c0_i32_0 : i32, i32
  }
  func.func @transform_2(%arg0: i32) -> (i32, i32) {
    %c0_i32 = arith.constant 0 : i32
    %c0_i32_0 = arith.constant 0 : i32
    return %arg0, %c0_i32 : i32, i32
  }
}

module attributes {stable_mosaic.version = 14 : i64} {
  func.func @_scale1_body(%arg0: i32, %arg1: memref<2x1024x128xf32, #tpu.memory_space<vmem>>, %arg2: memref<1024x128xf32, #tpu.memory_space<vmem>>, %arg3: memref<1024x128xf32, #tpu.memory_space<vmem>>, %arg4: memref<1024x128xf32, #tpu.memory_space<vmem>>) attributes {dimension_semantics = [#tpu.dimension_semantics<arbitrary>], iteration_bounds = array<i64: 10>, scalar_prefetch = 0 : i64, scratch_operands = 0 : i64, tpu.core_type = #tpu.core_type<tc>, window_params = [{transform_indices = @transform_0, window_bounds = array<i64: 2, 1024, 128>}, {transform_indices = @transform_1, window_bounds = array<i64: 1024, 128>}, {transform_indices = @transform_2, window_bounds = array<i64: 1024, 128>}, {transform_indices = @transform_3, window_bounds = array<i64: 1024, 128>}]} {
    %get3A = arith.constant 0 : index
    %get3A_0 = arith.constant 0 : index
    %get3A_1 = arith.constant 0 : index
    %get3A_2 = vector.load %arg1[%get3A, %get3A_0, %get3A_1] : memref<2x1024x128xf32, #tpu.memory_space<vmem>>, vector<1x1024x128xf32>
    %get3A_3 = vector.shape_cast %get3A_2 : vector<1x1024x128xf32> to vector<1024x128xf32>
    %get3A_4 = arith.constant 1 : index
    %get3A_5 = arith.constant 0 : index
    %get3A_6 = arith.constant 0 : index
    %get3A_7 = vector.load %arg1[%get3A_4, %get3A_5, %get3A_6] : memref<2x1024x128xf32, #tpu.memory_space<vmem>>, vector<1x1024x128xf32>
    %get3A_8 = vector.shape_cast %get3A_7 : vector<1x1024x128xf32> to vector<1024x128xf32>
    %add3A = arith.addf %get3A_3, %get3A_8 : vector<1024x128xf32>
    %add3A_9 = arith.constant 1.000000e+00 : f32
    %add3A_10 = vector.broadcast %add3A_9 : f32 to vector<1024x128xf32>
    %add3A_11 = arith.addf %add3A, %add3A_10 : vector<1024x128xf32>
    %rsqrt3A = math.rsqrt %add3A_11 : vector<1024x128xf32>
    %swap3A = arith.constant 0 : index
    %swap3A_12 = arith.constant 0 : index
    %swap3A_13 = vector.load %arg3[%swap3A, %swap3A_12] : memref<1024x128xf32, #tpu.memory_space<vmem>>, vector<1024x128xf32>
    tpu.vector_store %arg3[%swap3A, %swap3A_12], %rsqrt3A {strides = array<i32>} : memref<1024x128xf32, #tpu.memory_space<vmem>>, vector<1024x128xf32>,
    %get3A_14 = arith.constant 0 : index
    %get3A_15 = arith.constant 0 : index
    %get3A_16 = vector.load %arg2[%get3A_14, %get3A_15] : memref<1024x128xf32, #tpu.memory_space<vmem>>, vector<1024x128xf32>
    %mul3A = arith.mulf %rsqrt3A, %get3A_16 : vector<1024x128xf32>
    %swap3A_17 = arith.constant 0 : index
    %swap3A_18 = arith.constant 0 : index
    %swap3A_19 = vector.load %arg4[%swap3A_17, %swap3A_18] : memref<1024x128xf32, #tpu.memory_space<vmem>>, vector<1024x128xf32>
    tpu.vector_store %arg4[%swap3A_17, %swap3A_18], %mul3A {strides = array<i32>} : memref<1024x128xf32, #tpu.memory_space<vmem>>, vector<1024x128xf32>,
    return
  }
  func.func @transform_0(%arg0: i32) -> (i32, i32, i32) {
    %c0_i32 = arith.constant 0 : i32
    %c0_i32_0 = arith.constant 0 : i32
    %c0_i32_1 = arith.constant 0 : i32
    return %c0_i32, %arg0, %c0_i32_0 : i32, i32, i32
  }
  func.func @transform_1(%arg0: i32) -> (i32, i32) {
    %c0_i32 = arith.constant 0 : i32
    %c0_i32_0 = arith.constant 0 : i32
    return %arg0, %c0_i32 : i32, i32
  }
  func.func @transform_2(%arg0: i32) -> (i32, i32) {
    %c0_i32 = arith.constant 0 : i32
    %c0_i32_0 = arith.constant 0 : i32
    return %arg0, %c0_i32 : i32, i32
  }
  func.func @transform_3(%arg0: i32) -> (i32, i32) {
    %c0_i32 = arith.constant 0 : i32
    %c0_i32_0 = arith.constant 0 : i32
    return %arg0, %c0_i32 : i32, i32
  }
}

module attributes {stable_mosaic.version = 14 : i64} {
  func.func @_mid_body(%arg0: i32, %arg1: memref<2x1024x128xf32, #tpu.memory_space<vmem>>, %arg2: memref<1024x128xf32, #tpu.memory_space<vmem>>, %arg3: memref<1024x128xf32, #tpu.memory_space<vmem>>, %arg4: memref<1x128xf32, #tpu.memory_space<vmem>>, %arg5: memref<128x128xf32, #tpu.memory_space<vmem>>, %arg6: memref<1024x128xf32, #tpu.memory_space<vmem>>) attributes {dimension_semantics = [#tpu.dimension_semantics<arbitrary>], iteration_bounds = array<i64: 10>, scalar_prefetch = 0 : i64, scratch_operands = 0 : i64, tpu.core_type = #tpu.core_type<tc>, window_params = [{transform_indices = @transform_0, window_bounds = array<i64: 2, 1024, 128>}, {transform_indices = @transform_1, window_bounds = array<i64: 1024, 128>}, {transform_indices = @transform_2, window_bounds = array<i64: 1024, 128>}, {pipeline_mode = #tpu.pipeline_mode<synchronous>, transform_indices = @transform_3, window_bounds = array<i64: 1, 128>}, {pipeline_mode = #tpu.pipeline_mode<synchronous>, transform_indices = @transform_4, window_bounds = array<i64: 128, 128>}, {transform_indices = @transform_5, window_bounds = array<i64: 1024, 128>}]} {
    %get3A = arith.constant 0 : index
    %get3A_0 = arith.constant 0 : index
    %get3A_1 = vector.load %arg3[%get3A, %get3A_0] : memref<1024x128xf32, #tpu.memory_space<vmem>>, vector<1024x128xf32>
    %get3A_2 = arith.constant 0 : index
    %get3A_3 = arith.constant 0 : index
    %get3A_4 = arith.constant 0 : index
    %get3A_5 = vector.load %arg1[%get3A_2, %get3A_3, %get3A_4] : memref<2x1024x128xf32, #tpu.memory_space<vmem>>, vector<1x1024x128xf32>
    %get3A_6 = vector.shape_cast %get3A_5 : vector<1x1024x128xf32> to vector<1024x128xf32>
    %get3A_7 = arith.constant 1 : index
    %get3A_8 = arith.constant 0 : index
    %get3A_9 = arith.constant 0 : index
    %get3A_10 = vector.load %arg1[%get3A_7, %get3A_8, %get3A_9] : memref<2x1024x128xf32, #tpu.memory_space<vmem>>, vector<1x1024x128xf32>
    %get3A_11 = vector.shape_cast %get3A_10 : vector<1x1024x128xf32> to vector<1024x128xf32>
    %add3A = arith.addf %get3A_6, %get3A_11 : vector<1024x128xf32>
    %get3A_12 = arith.constant 0 : index
    %get3A_13 = arith.constant 0 : index
    %get3A_14 = vector.load %arg2[%get3A_12, %get3A_13] : memref<1024x128xf32, #tpu.memory_space<vmem>>, vector<1024x128xf32>
    %add3A_15 = arith.addf %add3A, %get3A_14 : vector<1024x128xf32>
    %mul3A = arith.mulf %get3A_1, %add3A_15 : vector<1024x128xf32>
    %get3A_16 = arith.constant 0 : index
    %get3A_17 = arith.constant 0 : index
    %get3A_18 = vector.load %arg4[%get3A_16, %get3A_17] : memref<1x128xf32, #tpu.memory_space<vmem>>, vector<1x128xf32>
    %add3A_19 = vector.broadcast %get3A_18 : vector<1x128xf32> to vector<1024x128xf32>
    %add3A_20 = arith.addf %mul3A, %add3A_19 : vector<1024x128xf32>
    %max3A = arith.constant 0.000000e+00 : f32
    %max3A_21 = vector.broadcast %max3A : f32 to vector<1024x128xf32>
    %max3A_22 = arith.maximumf %add3A_20, %max3A_21 : vector<1024x128xf32>
    %get3A_23 = arith.constant 0 : index
    %get3A_24 = arith.constant 0 : index
    %get3A_25 = vector.load %arg3[%get3A_23, %get3A_24] : memref<1024x128xf32, #tpu.memory_space<vmem>>, vector<1024x128xf32>
    %get3A_26 = arith.constant 0 : index
    %get3A_27 = arith.constant 0 : index
    %get3A_28 = vector.load %arg5[%get3A_26, %get3A_27] : memref<128x128xf32, #tpu.memory_space<vmem>>, vector<128x128xf32>
    %dot_general3A = arith.constant dense<0.000000e+00> : vector<1024x128xf32>
    %dot_general3A_29 = tpu.matmul %max3A_22, %get3A_28, %dot_general3A {dimension_numbers = #tpu.dot_dimension_numbers<[1], [0], [0], [1], [0, 0, 1, 1], [], []>, transpose_lhs_hint = false} : vector<1024x128xf32>, vector<128x128xf32>, vector<1024x128xf32> -> vector<1024x128xf32>
    %mul3A_30 = arith.mulf %get3A_25, %dot_general3A_29 : vector<1024x128xf32>
    %swap3A = arith.constant 0 : index
    %swap3A_31 = arith.constant 0 : index
    %swap3A_32 = vector.load %arg6[%swap3A, %swap3A_31] : memref<1024x128xf32, #tpu.memory_space<vmem>>, vector<1024x128xf32>
    tpu.vector_store %arg6[%swap3A, %swap3A_31], %mul3A_30 {strides = array<i32>} : memref<1024x128xf32, #tpu.memory_space<vmem>>, vector<1024x128xf32>,
    return
  }
  func.func @transform_0(%arg0: i32) -> (i32, i32, i32) {
    %c0_i32 = arith.constant 0 : i32
    %c0_i32_0 = arith.constant 0 : i32
    %c0_i32_1 = arith.constant 0 : i32
    return %c0_i32, %arg0, %c0_i32_0 : i32, i32, i32
  }
  func.func @transform_1(%arg0: i32) -> (i32, i32) {
    %c0_i32 = arith.constant 0 : i32
    %c0_i32_0 = arith.constant 0 : i32
    return %arg0, %c0_i32 : i32, i32
  }
  func.func @transform_2(%arg0: i32) -> (i32, i32) {
    %c0_i32 = arith.constant 0 : i32
    %c0_i32_0 = arith.constant 0 : i32
    return %arg0, %c0_i32 : i32, i32
  }
  func.func @transform_3(%arg0: i32) -> (i32, i32) {
    %c0_i32 = arith.constant 0 : i32
    %c0_i32_0 = arith.constant 0 : i32
    %c0_i32_1 = arith.constant 0 : i32
    return %c0_i32, %c0_i32_0 : i32, i32
  }
  func.func @transform_4(%arg0: i32) -> (i32, i32) {
    %c0_i32 = arith.constant 0 : i32
    %c0_i32_0 = arith.constant 0 : i32
    %c0_i32_1 = arith.constant 0 : i32
    return %c0_i32, %c0_i32_0 : i32, i32
  }
  func.func @transform_5(%arg0: i32) -> (i32, i32) {
    %c0_i32 = arith.constant 0 : i32
    %c0_i32_0 = arith.constant 0 : i32
    return %arg0, %c0_i32 : i32, i32
  }
}

module attributes {stable_mosaic.version = 14 : i64} {
  func.func @_fin_body(%arg0: i32, %arg1: memref<2x1000x128xf32, #tpu.memory_space<vmem>>, %arg2: memref<1000x128xf32, #tpu.memory_space<vmem>>, %arg3: memref<1000x128xf32, #tpu.memory_space<vmem>>, %arg4: memref<1x128xf32, #tpu.memory_space<vmem>>, %arg5: memref<1000x128xf32, #tpu.memory_space<vmem>>) attributes {dimension_semantics = [#tpu.dimension_semantics<arbitrary>], iteration_bounds = array<i64: 10>, scalar_prefetch = 0 : i64, scratch_operands = 0 : i64, tpu.core_type = #tpu.core_type<tc>, window_params = [{transform_indices = @transform_0, window_bounds = array<i64: 2, 1000, 128>}, {transform_indices = @transform_1, window_bounds = array<i64: 1000, 128>}, {transform_indices = @transform_2, window_bounds = array<i64: 1000, 128>}, {pipeline_mode = #tpu.pipeline_mode<synchronous>, transform_indices = @transform_3, window_bounds = array<i64: 1, 128>}, {transform_indices = @transform_4, window_bounds = array<i64: 1000, 128>}]} {
    %get3A = arith.constant 0 : index
    %get3A_0 = arith.constant 0 : index
    %get3A_1 = vector.load %arg3[%get3A, %get3A_0] : memref<1000x128xf32, #tpu.memory_space<vmem>>, vector<1000x128xf32>
    %get3A_2 = arith.constant 0 : index
    %get3A_3 = arith.constant 0 : index
    %get3A_4 = arith.constant 0 : index
    %get3A_5 = vector.load %arg1[%get3A_2, %get3A_3, %get3A_4] : memref<2x1000x128xf32, #tpu.memory_space<vmem>>, vector<1x1000x128xf32>
    %get3A_6 = vector.shape_cast %get3A_5 : vector<1x1000x128xf32> to vector<1000x128xf32>
    %get3A_7 = arith.constant 1 : index
    %get3A_8 = arith.constant 0 : index
    %get3A_9 = arith.constant 0 : index
    %get3A_10 = vector.load %arg1[%get3A_7, %get3A_8, %get3A_9] : memref<2x1000x128xf32, #tpu.memory_space<vmem>>, vector<1x1000x128xf32>
    %get3A_11 = vector.shape_cast %get3A_10 : vector<1x1000x128xf32> to vector<1000x128xf32>
    %add3A = arith.addf %get3A_6, %get3A_11 : vector<1000x128xf32>
    %get3A_12 = arith.constant 0 : index
    %get3A_13 = arith.constant 0 : index
    %get3A_14 = vector.load %arg2[%get3A_12, %get3A_13] : memref<1000x128xf32, #tpu.memory_space<vmem>>, vector<1000x128xf32>
    %add3A_15 = arith.addf %add3A, %get3A_14 : vector<1000x128xf32>
    %mul3A = arith.mulf %get3A_1, %add3A_15 : vector<1000x128xf32>
    %get3A_16 = arith.constant 0 : index
    %get3A_17 = arith.constant 0 : index
    %get3A_18 = vector.load %arg4[%get3A_16, %get3A_17] : memref<1x128xf32, #tpu.memory_space<vmem>>, vector<1x128xf32>
    %add3A_19 = vector.broadcast %get3A_18 : vector<1x128xf32> to vector<1000x128xf32>
    %add3A_20 = arith.addf %mul3A, %add3A_19 : vector<1000x128xf32>
    %swap3A = arith.constant 0 : index
    %swap3A_21 = arith.constant 0 : index
    %swap3A_22 = vector.load %arg5[%swap3A, %swap3A_21] : memref<1000x128xf32, #tpu.memory_space<vmem>>, vector<1000x128xf32>
    tpu.vector_store %arg5[%swap3A, %swap3A_21], %add3A_20 {strides = array<i32>} : memref<1000x128xf32, #tpu.memory_space<vmem>>, vector<1000x128xf32>,
    return
  }
  func.func @transform_0(%arg0: i32) -> (i32, i32, i32) {
    %c0_i32 = arith.constant 0 : i32
    %c0_i32_0 = arith.constant 0 : i32
    %c0_i32_1 = arith.constant 0 : i32
    return %c0_i32, %arg0, %c0_i32_0 : i32, i32, i32
  }
  func.func @transform_1(%arg0: i32) -> (i32, i32) {
    %c0_i32 = arith.constant 0 : i32
    %c0_i32_0 = arith.constant 0 : i32
    return %arg0, %c0_i32 : i32, i32
  }
  func.func @transform_2(%arg0: i32) -> (i32, i32) {
    %c0_i32 = arith.constant 0 : i32
    %c0_i32_0 = arith.constant 0 : i32
    return %arg0, %c0_i32 : i32, i32
  }
  func.func @transform_3(%arg0: i32) -> (i32, i32) {
    %c0_i32 = arith.constant 0 : i32
    %c0_i32_0 = arith.constant 0 : i32
    %c0_i32_1 = arith.constant 0 : i32
    return %c0_i32, %c0_i32_0 : i32, i32
  }
  func.func @transform_4(%arg0: i32) -> (i32, i32) {
    %c0_i32 = arith.constant 0 : i32
    %c0_i32_0 = arith.constant 0 : i32
    return %arg0, %c0_i32 : i32, i32
  }
}

</mosaic_0001>

<sc_bundles>
// kernel: kernel.12.cloned.1.call-start
scs
__scs_entry_jumppad:
0x0: {  	(pc) =	sbr.rel $0x88, $3  }
0x1: {  	(tag) =	ssettag $0x0;
	lr =	simm.s32 $0x1  }
0x2: {  	[smem:$0x3F9B] =	sst lr;
	_ =	strace $0xD0000000  }
0x3: {  	_ = 	snop  }
0x4: {  	_ = 	snop  }
0x5: {  	_ = 	snop  }
0x6: {  	_ = 	snop  }
0x7: {  	_ = 	snop  }
__scs_overlays_trampoline_lowered:
0x8: {  	[smem:$0x3FAA] =	sst s0  }
0x9: {  	[smem:$0x3FAB] =	sst s1  }
0xa: {  	[smem:$0x3FAC] =	sst s2  }
0xb: {  	[smem:$0x3FAD] =	sst s3  }
0xc: {  	[smem:$0x3FAE] =	sst s4  }
0xd: {  	[smem:$0x3FAF] =	sst s5  }
0xe: {  	[smem:$0x3FB0] =	sst s6  }
0xf: {  	[smem:$0x3FB1] =	sst s7  }
0x10: {  	[smem:$0x3FB2] =	sst s8  }
0x11: {  	[smem:$0x3FB3] =	sst s9;
	s0 =	simm.s32 @!p0 $0x0  }
0x12: {  	s1 =	sld [smem:$0x3F99];
	s0 =	simm.s32 @p0 $0x1  }
0x13: {  	[smem:$0x3FB4] =	sst s0;
	s0 =	simm.s32 @!p1 $0x0  }
0x14: {  	s2 =	sld [smem:$0x3F98];
	s0 =	simm.s32 @p1 $0x1  }
0x15: {  	[smem:$0x3FB5] =	sst s0;
	s0 =	simm.s32 @!p2 $0x0  }
0x16: {  	s3 =	sld [smem:$0x3FDB];
	s0 =	simm.s32 @p2 $0x1  }
0x17: {  	s4 =	simm.s32 $0x1BF5;
	[smem:$0x3FB7] =	sst s0  }
0x18: {  	s0 =	sld [smem:$0x3F9A];
	_ =	swait.ge [sflag:s4], $0x0  }
0x19: {  	s7 =	sld [smem:$0x3F9B]  }
0x1a: {  	s8 =	sadd.s32 $0xFFFFE003, lr  }
0x1b: {  	s9 =	sadd.s32 $0xFFFFFEF7, lr;
	s5 =	simm.s32 $0xFFFFFFFF;
	p2 =	slt.u32 s8, $0xFFFFF086  }
0x1c: {  	p1 =	slt.u32 s9, $0xF7A;
	s5 =	simm.s32 @!p2 $0x0  }
0x1d: {  	s5 =	simm.s32 @p1 $0x1;
	p0 =	seq.s32 s7, s2  }
0x1e: {  	s7 =	smul.u32 @!p0 $0xF7A, s2;
	p2 =	seq.s32 @!p0 s5, $0x0  }
0x1f: {  	s9 =	smul.u32 $0xF7A, s1;
	s8 =	simm.s32 @!p0 $0x1BF5;
	p2 =	por !p2, p0  }
0x20: {  	[sflag:s8] =	ssyncset.s32 @!p0 $0xFFFFF086;
	s6 =	sadd.s32 @!p0 s3, s7;
	s7 =	simm.s32 @!p0 $0x108  }
0x21: {  	s3 =	sadd.s32 s3, s9;
	s6 =	sadd.s32 @!p0 $0x88, s6;
	s7 =	simm.s32 @p2 $0x1082  }
0x22: {  	[simem:s7], [sflag:s8] =	dma.local @!p0 [hbm:s6], $0xF7A  }
0x23: {  	s9 =	sor.u32 $0xD0000000, s2;
	s6 =	simm.s32 $0x108;
	_ =	swait.ge @!p0 [sflag:s8], $0x0  }
0x24: {  	s3 =	sadd.s32 $0x88, s3;
	s6 =	simm.s32 @!p1 $0x1082;
	[sflag:s4] =	ssyncset.s32 $0xFFFFF086  }
0x25: {  	[simem:s6], [sflag:s4] =	dma.local [hbm:s3], $0xF7A  }
0x26: {  	[smem:$0x3F9B] =	sst s1;
	(tag) =	ssettag s2;
	_ =	strace s9  }
0x27: {  	s1 =	sld [smem:$0x3FAB]  }
0x28: {  	s2 =	sld [smem:$0x3FAC]  }
0x29: {  	s4 =	sld [smem:$0x3FAE]  }
0x2a: {  	p0 =	seq.s32 s5, $0x0;
	s5 =	sld [smem:$0x3FAF]  }
0x2b: {  	s6 =	sld [smem:$0x3FB0]  }
0x2c: {  	s7 =	sld [smem:$0x3FB1]  }
0x2d: {  	s3 =	simm.s32 $0x108;
	s8 =	sld [smem:$0x3FB2]  }
0x2e: {  	s3 =	simm.s32 @!p0 $0x1082;
	s9 =	sld [smem:$0x3FB3]  }
0x2f: {  	lr =	sadd.s32 s0, s3;
	s0 =	sld [smem:$0x3FAA]  }
0x30: {  	s3 =	sld [smem:$0x3FAD]  }
0x31: {  	[smem:$0x3FB6] =	sst s10  }
0x32: {  	s10 =	sld [smem:$0x3FB4];
	_ =	sdelay $0x3  }
0x33: {  	p0 =	seq.s32 s10, $0x1;
	s10 =	sld [smem:$0x3FB6];
	_ =	sdelay $0x3  }
0x34: {  	[smem:$0x3FB6] =	sst s10  }
0x35: {  	s10 =	sld [smem:$0x3FB5];
	_ =	sdelay $0x3  }
0x36: {  	p1 =	seq.s32 s10, $0x1;
	s10 =	sld [smem:$0x3FB6];
	_ =	sdelay $0x3  }
0x37: {  	[smem:$0x3FB6] =	sst s10  }
0x38: {  	s10 =	sld [smem:$0x3FB7]  }
0x39: {  	_ = 	snop;
	(pc) =	sbr.ind lr, $3  }
0x3a: {  	_ = 	snop  }
0x3b: {  	_ = 	snop  }
0x3c: {  	p2 =	seq.s32 s10, $0x1;
	s10 =	sld [smem:$0x3FB6]  }
0x3d: {  	_ =	shalt  }
0x3e: {  	_ =	shalt  }
0x3f: {  	_ =	shalt  }
0x40: {  	_ =	shalt  }
0x41: {  	_ =	shalt  }
0x42: {  	_ =	shalt  }
0x43: {  	_ =	shalt  }
0x44: {  	_ =	shalt  }
0x45: {  	_ =	shalt  }
0x46: {  	_ =	shalt  }
0x47: {  	_ =	shalt  }
0x48: {  	_ =	shalt  }
0x49: {  	_ =	shalt  }
0x4a: {  	_ =	shalt  }
0x4b: {  	_ =	shalt  }
0x4c: {  	_ =	shalt  }
0x4d: {  	_ =	shalt  }
0x4e: {  	_ =	shalt  }
0x4f: {  	_ =	shalt  }
0x50: {  	_ =	shalt  }
0x51: {  	_ =	shalt  }
0x52: {  	_ =	shalt  }
0x53: {  	_ =	shalt  }
0x54: {  	_ =	shalt  }
0x55: {  	_ =	shalt  }
0x56: {  	_ =	shalt  }
0x57: {  	_ =	shalt  }
0x58: {  	_ =	shalt  }
0x59: {  	_ =	shalt  }
0x5a: {  	_ =	shalt  }
0x5b: {  	_ =	shalt  }
0x5c: {  	_ =	shalt  }
0x5d: {  	_ =	shalt  }
0x5e: {  	_ =	shalt  }
0x5f: {  	_ =	shalt  }
0x60: {  	_ =	shalt  }
0x61: {  	_ =	shalt  }
0x62: {  	_ =	shalt  }
0x63: {  	_ =	shalt  }
0x64: {  	_ =	shalt  }
0x65: {  	_ =	shalt  }
0x66: {  	_ =	shalt  }
0x67: {  	_ =	shalt  }
0x68: {  	_ =	shalt  }
0x69: {  	_ =	shalt  }
0x6a: {  	_ =	shalt  }
0x6b: {  	_ =	shalt  }
0x6c: {  	_ =	shalt  }
0x6d: {  	_ =	shalt  }
0x6e: {  	_ =	shalt  }
0x6f: {  	_ =	shalt  }
0x70: {  	_ =	shalt  }
0x71: {  	_ =	shalt  }
0x72: {  	_ =	shalt  }
0x73: {  	_ =	shalt  }
0x74: {  	_ =	shalt  }
0x75: {  	_ =	shalt  }
0x76: {  	_ =	shalt  }
0x77: {  	_ =	shalt  }
0x78: {  	_ =	shalt  }
0x79: {  	_ =	shalt  }
0x7a: {  	_ =	shalt  }
0x7b: {  	_ =	shalt  }
0x7c: {  	_ =	shalt  }
0x7d: {  	_ =	shalt  }
0x7e: {  	_ =	shalt  }
0x7f: {  	_ =	shalt  }
0x80: {  	_ =	shalt  }
0x81: {  	_ =	shalt  }
0x82: {  	_ =	shalt  }
0x83: {  	_ =	shalt  }
0x84: {  	_ =	shalt  }
0x85: {  	_ =	shalt  }
0x86: {  	_ =	shalt  }
0x87: {  	_ =	shalt  }
.Lfunc_end0:
.L_simem_size_0:
called_computation.1_lowered:
.L_overlay_start_0:
0x88: {  	s2 =	sld [smem:$0x3FD9]  }
0x89: {  	s3 =	sld [smem:$0x3FFE];
	_ =	sdelay $0x1  }
0x8a: {  	s1 =	srdreg.scid  }
0x8b: {  	s0 =	sand.u32 $0x1, s1  }
0x8c: {  	s17 =	sshll.u32 s0, $0xA;
	s2 =	sadd.s32 s3, s2  }
0x8d: {  	s2 =	sadd.s32 s2, s17  }
0x8e: {  	[smem:$0x3FC2] =	sst s2  }
0x8f: {  	_ = 	snop  }
0x90: {  	s2 =	sld [smem:$0x3FD0];
	(tm) =	ssettm $0x1  }
0x91: {  	s18 =	sld [smem:$0x3FFB];
	_ =	sdelay $0x3  }
0x92: {  	_ =	strace s18  }
0x93: {  	s3 =	sld [smem:$0x3FFC];
	_ =	sdelay $0x3  }
0x94: {  	_ =	strace s3  }
0x95: {  	s3 =	sld [smem:$0x3FFD];
	_ =	sdelay $0x3  }
0x96: {  	_ =	strace s3  }
0x97: {  	_ =	strace $0x8FFFFFFF  }
0x98: {  	s19 =	sld [smem:$0x3FDB];
	_ =	sdelay $0x1  }
0x99: {  	s4 =	simm.s32 $_scs_section_size  }
0x9a: {  	s5 =	simm.s32 $_size__tile_overlayer_lowered;
	s6 =	simm.s32 $_tile_overlayer_lowered  }
0x9b: {  	s22 =	simm.s32 $0x1BFF;
	s21 =	sshll.u32 s6, $0x1;
	s3 =	sadd.s32 s4, s19  }
0x9c: {  	s7 =	simm.s32 $0x0;
	s20 =	sshll.u32 s5, $0x1;
	s5 =	sadd.s32 s21, s3  }
0x9d: {  	[timem:s7], [sflag:s22] =	dma.local [hbm:s5], s20  }
0x9e: {  	_ =	swait.ge [sflag:s22], s20  }
0x9f: {  	s4 =	ssub.s32 $0x0, s20;
	[sflag:s22] =	ssyncset.done $0x0  }
0xa0: {  	[sflag:s22] =	ssyncadd.s32 s4;
	_ =	sdelay $0x1  }
0xa1: {  	s23 =	simm.s32 $0x1B8B  }
0xa2: {  	_ =	swait.ge [sflag:s23], $0x1  }
0xa3: {  	[sflag:s23] =	ssyncset.done $0x0  }
0xa4: {  	s25 =	simm.s32 $0x1B8E;
	s24 =	sld [smem:$0x3FFE];
	[sflag:s23] =	ssyncadd.s32 $0xFFFFFFFF  }
0xa5: {  	s26 =	simm.s32 $execute0_lowered;
	[smem:$0x3FD2] =	sst s25  }
0xa6: {  	s5 =	sshll.u32 s26, $0x1;
	_ =	strace $0x80000049;
	[dreg:$0x1] =	wrdreg $0xFFFFFFFF  }
0xa7: {  	s28 =	simm.s32 $_size_execute0_lowered;
	s3 =	sadd.s32 s3, s5;
	[dreg:$0x0] =	wrdreg $0x0  }
0xa8: {  	s5 =	sshll.u32 s28, $0x1;
	[dreg:$0x2] =	wrdreg s3  }
0xa9: {  	[dreg:$0x3] =	wrdreg s5  }
0xaa: {  	[dreg:$0x4] =	wrdreg $0xC0  }
0xab: {  	_ =	task [dreg:s7], $0x5FFFF  }
0xac: {  	[dreg:$0x1] =	wrdreg $0xFFFFFFFF  }
0xad: {  	[dreg:$0x0] =	wrdreg $0x60  }
0xae: {  	[dreg:$0x2] =	wrdreg s24  }
0xaf: {  	[dreg:$0x3] =	wrdreg s2  }
0xb0: {  	[dreg:$0x4] =	wrdreg $0xA8000  }
0xb1: {  	[dreg:$0x5] =	wrdreg $0x9  }
0xb2: {  	_ =	task.clear_ibuf [dreg:s7], $0x6FFFF;
	_ =	strace $0x90000049  }
0xb3: {  	s29 =	simm.s32 $0x9;
	_ =	strace $0x8000004B  }
0xb4: {  	_ =	swait.ge [sflag:s29], $0x1  }
0xb5: {  	[sflag:s29] =	ssyncadd.s32 $0xFFFFFFFF  }
0xb6: {  	_ =	strace $0x9000004B  }
0xb7: {  	_ =	sfence  }
0xb8: {  	s30 =	sld [smem:$0x0];
	_ =	sdelay $0x2  }
0xb9: {  	s31 =	sshll.u32 s1, $0xD;
	s1 =	sshrl.u32 s1, $0x2  }
0xba: {  	s3 =	sand.u32 $0x4000, s31;
	s1 =	sadd.s32 s1, s30  }
0xbb: {  	s0 =	sor.u32 s3, s0;
	s1 =	sshll.u32 s1, $0x11  }
0xbc: {  	s0 =	sor.u32 s1, s0  }
0xbd: {  	s0 =	sadd.s32 $0x8F2B, s0  }
0xbe: {  	[sflag:s0] =	ssyncadd.remote.s32 $0x1  }
0xbf: {  	_ =	sfence.sel $0xFFFF  }
0xc0: {  	[dreg:$0x0] =	wrdreg $0xFFFFFFFF;
	(pc) =	sbr.abs _section_cstart, $3  }
0xc1: {  	[dreg:$0x1] =	wrdreg $0xFFFFFFFF  }
0xc2: {  	_ =	task.clear_ibuf [dreg:s7], $0x2FFFF;
	_ =	strace $0x9FFFFFFF  }
0xc3: {  	(tm) =	ssettm $0x7FFFFFFF  }
tec
execute0_lowered:
.L_overlay_start_1:
0x0: {  	(tag) =	ssettag $0x1  }
0x1: {  	s5 =	rddreg [dreg:$0x0]  }
0x2: {  	s13 =	rddreg [dreg:$0x1]  }
0x3: {  	s1 =	rddreg [dreg:$0x2]  }
0x4: {  	s2 =	srdreg.scid;
	s0 =	rddreg [dreg:$0x3]  }
0x5: {  	s3 =	simm.s32 $0x0;
	s17 =	simm.s32 $0x3;
	s18 =	simm.s32 $0x1400  }
0x6: {  	s19 =	simm.s32 $0x80;
	s20 =	simm.s32 $0x6800;
	s21 =	simm.s32 $0x1  }
0x7: {  	s22 =	simm.s32 $0x2;
	s23 =	simm.s32 $0x2700;
	s6 =	sand.u32 $0x1, s2  }
0x8: {  	s24 =	simm.s32 $0x2780;
	s2 =	stileid.u32;
	s7 =	smul.u32 $0x140000, s6  }
0x9: {  	[smem:$0x7FF] =	sst s3;
	s4 =	sadd.s32 $0xCA00, s5;
	s8 =	smul.u32 $0x14000, s2  }
0xa: {  	s31 =	sshll.u32 s6, $0x4;
	s9 =	smul.u32 $0x50000, s2;
	s6 =	ssub.s32 $0x2, s6  }
0xb: {  	s12 =	sadd.s32 $0x2A00, s5;
	_ =	strace $0x8000004A;
	s10 =	sshrl.u32 s6, $0x1  }
0xc: {  	s7 =	sadd.s32 s8, s7;
	s8 =	sor.u32 s2, s31;
	s9 =	sshrl.u32 s9, $0x2  }
0xd: {  	s15 =	ssub.s32 s6, s10;
	s7 =	sshrl.u32 s7, $0x3;
	s8 =	smul.u32 $0x2800, s8  }
0xe: {  	s15 =	smax.u32 s15, $0x1;
	s14 =	sadd.s32 s7, s5;
	s5 =	sadd.s32 s9, s1  }
0xf: {  	s6 =	sadd.s32 $0x4000, s5;
	s7 =	sadd.s32 $0x8000, s5;
	s11 =	sshrl.u32 s8, $0x3  }
0x10: {  	s8 =	sadd.s32 $0xC000, s5;
	s9 =	sadd.s32 $0x10000, s5;
	s14 =	sadd.s32 $0x34A00, s14  }
0x11: {  	s16 =	sadd.s32 $0x280, s11;
	s10 =	sadd.s32 s12, s11;
	s11 =	sadd.s32 s13, s11  }
0x12: {  	v0 =	vimm.f32 $0.0e+00;
	s12 =	sadd.s32 s12, s16;
	s13 =	sadd.s32 s13, s16;
	s16 =	simm.s32 $0x2800  }
.LBB2_1:
0x13: {  	s25 =	simm.s32 $0x0;
	s26 =	simm.s32 $0x200  }
.LBB2_2:
0x14: {  	p0 =	sne.s32 s26, $0xFE00;
	[tilespmem:s25+$0x2870] =	vst v0  }
0x15: {  	[tilespmem:s25+$0x2800] =	vst v0  }
0x16: {  	[tilespmem:s25+$0x2810] =	vst v0  }
.Ltmp0:
0x17: {  	[tilespmem:s25+$0x2820] =	vst v0;
	(pc) =	sbr.rel @p0 .LBB2_2-.Ltmp0, $4  }
0x18: {  	[tilespmem:s25+$0x2830] =	vst v0  }
0x19: {  	[tilespmem:s25+$0x2840] =	vst v0  }
0x1a: {  	[tilespmem:s25+$0x2850] =	vst v0  }
0x1b: {  	[tilespmem:s25+$0x2860] =	vst v0;
	s25 =	sshra.s32 s26, $0x2;
	s26 =	sadd.s32 $0x200, s26  }
0x1c: {  	[tilespmem:s25+$0x2870] =	vst v0  }
0x1d: {  	[tilespmem:s25+$0x2800] =	vst v0  }
0x1e: {  	[tilespmem:s25+$0x2810] =	vst v0  }
0x1f: {  	[tilespmem:s25+$0x2820] =	vst v0  }
0x20: {  	[tilespmem:s25+$0x2830] =	vst v0  }
0x21: {  	[tilespmem:s25+$0x2840] =	vst v0  }
0x22: {  	[tilespmem:s25+$0x2850] =	vst v0  }
0x23: {  	[tilespmem:s25+$0x2860] =	vst v0  }
0x24: {  	[spmem:s5] =	stream.linear.scatter [tilespmem:s16], [sflag:$0x3], $0x4000, $0x38;
	[tilespmem:$0x1E800] =	vst v63  }
0x25: {  	_ =	swait.ge [sflag:s17], $0x4000  }
0x26: {  	[sflag:s17] =	ssyncset.done $0x0  }
0x27: {  	[sflag:s17] =	ssyncadd.s32 $0xFFFFC000  }
0x28: {  	[spmem:s6] =	stream.linear.scatter [tilespmem:s16], [sflag:$0x3], $0x4000, $0x38;
	[tilespmem:$0x1E800] =	vst v63  }
0x29: {  	_ =	swait.ge [sflag:s17], $0x4000  }
0x2a: {  	[sflag:s17] =	ssyncset.done $0x0  }
0x2b: {  	[sflag:s17] =	ssyncadd.s32 $0xFFFFC000  }
0x2c: {  	[spmem:s7] =	stream.linear.scatter [tilespmem:s16], [sflag:$0x3], $0x4000, $0x38;
	[tilespmem:$0x1E800] =	vst v63  }
0x2d: {  	_ =	swait.ge [sflag:s17], $0x4000  }
0x2e: {  	[sflag:s17] =	ssyncset.done $0x0  }
0x2f: {  	[sflag:s17] =	ssyncadd.s32 $0xFFFFC000  }
0x30: {  	[spmem:s8] =	stream.linear.scatter [tilespmem:s16], [sflag:$0x3], $0x4000, $0x38;
	[tilespmem:$0x1E800] =	vst v63  }
0x31: {  	_ =	swait.ge [sflag:s17], $0x4000  }
0x32: {  	[sflag:s17] =	ssyncset.done $0x0  }
0x33: {  	[sflag:s17] =	ssyncadd.s32 $0xFFFFC000  }
0x34: {  	[spmem:s9] =	stream.linear.scatter [tilespmem:s16], [sflag:$0x3], $0x4000, $0x38;
	[tilespmem:$0x1E800] =	vst v63  }
0x35: {  	_ =	swait.ge [sflag:s17], $0x4000  }
0x36: {  	[sflag:s17] =	ssyncset.done $0x0  }
0x37: {  	[sflag:s17] =	ssyncadd.s32 $0xFFFFC000  }
0x38: {  	s28 =	simm.s32 $0x0;
	[bflag:$0x0] =	sbarrier.arrive $0xFFFF  }
0x39: {  	[tilespmem:s28], [sflag:$0x3] =	stream.linear.gather [hbm4b:s10+s28], $0x1400, $0x38;
	[tilespmem:$0x1E800] =	vst v63  }
0x3a: {  	_ =	swait.ge [sflag:s17], $0x1400  }
0x3b: {  	[sflag:s17] =	ssyncset.done $0x0  }
0x3c: {  	[sflag:s17] =	ssyncadd.s32 $0xFFFFEC00  }
0x3d: {  	[tilespmem:s18], [sflag:$0x3] =	stream.linear.gather [hbm4b:s11+s28], $0x1400, $0x38;
	[tilespmem:$0x1E800] =	vst v63  }
0x3e: {  	_ =	swait.ge [sflag:s17], $0x1400  }
0x3f: {  	[sflag:s17] =	ssyncset.done $0x0  }
0x40: {  	[sflag:s17] =	ssyncadd.s32 $0xFFFFEC00  }
0x41: {  	[tilespmem:s16], [sflag:$0x1] =	stream.indirect.gather [hbm4b:s4+s19], $0x80, s28, s19, $0xb8;
	[tilespmem:$0x1E800] =	vst v63  }
0x42: {  	_ = 	snop  }
0x43: {  	[tilespmem:s20], [sflag:$0x2] =	stream.indirect.gather [hbm4b:s4+s19], $0x80, s19, s19, $0xb8;
	[tilespmem:$0x1E800] =	vst v63  }
0x44: {  	_ =	swait.ge [sflag:s21], $0x4000  }
0x45: {  	[sflag:s21] =	ssyncset.done $0x0  }
0x46: {  	s29 =	simm.s32 $0x1400;
	[sflag:s21] =	ssyncadd.s32 $0xFFFFC000  }
0x47: {  	[spmem:s1] =	stream.indirect.scatter.add.f32 [tilespmem:s16], [sflag:$0x3], $0x80, s29, s19, $0xb8;
	[tilespmem:$0x1E800] =	vst v63  }
0x48: {  	_ =	swait.ge [sflag:s17], $0x4000  }
0x49: {  	[sflag:s17] =	ssyncset.done $0x0  }
0x4a: {  	s30 =	simm.s32 $0x100;
	[sflag:s17] =	ssyncadd.s32 $0xFFFFC000  }
0x4b: {  	[tilespmem:s16], [sflag:$0x1] =	stream.indirect.gather [hbm4b:s4+s19], $0x80, s30, s19, $0xb8;
	[tilespmem:$0x1E800] =	vst v63  }
0x4c: {  	_ =	swait.ge [sflag:s22], $0x4000  }
0x4d: {  	[sflag:s22] =	ssyncset.done $0x0  }
0x4e: {  	s31 =	simm.s32 $0x1480;
	[sflag:s22] =	ssyncadd.s32 $0xFFFFC000  }
0x4f: {  	[spmem:s1] =	stream.indirect.scatter.add.f32 [tilespmem:s20], [sflag:$0x3], $0x80, s31, s19, $0xb8;
	[tilespmem:$0x1E800] =	vst v63  }
0x50: {  	_ =	swait.ge [sflag:s17], $0x4000  }
0x51: {  	[sflag:s17] =	ssyncset.done $0x0  }
0x52: {  	s25 =	simm.s32 $0x400;
	s26 =	simm.s32 $0x180;
	[sflag:s17] =	ssyncadd.s32 $0xFFFFC000  }
.LBB2_4:
0x53: {  	[tilespmem:s20], [sflag:$0x2] =	stream.indirect.gather [hbm4b:s4+s19], $0x80, s26, s19, $0xb8;
	[tilespmem:$0x1E800] =	vst v63  }
0x54: {  	s26 =	smov.u32 s25  }
0x55: {  	p0 =	sne.s32 s25, $0x4800;
	s25 =	sadd.s32 $0x400, s25;
	_ =	swait.ge [sflag:s21], $0x4000  }
0x56: {  	s26 =	sshra.s32 s26, $0x2;
	[sflag:s21] =	ssyncset.done $0x0  }
0x57: {  	s28 =	sadd.s32 $0x1400, s26;
	[sflag:s21] =	ssyncadd.s32 $0xFFFFC000  }
0x58: {  	[spmem:s1] =	stream.indirect.scatter.add.f32 [tilespmem:s16], [sflag:$0x3], $0x80, s28, s19, $0xb8;
	[tilespmem:$0x1E800] =	vst v63  }
0x59: {  	_ =	swait.ge [sflag:s17], $0x4000  }
0x5a: {  	[sflag:s17] =	ssyncset.done $0x0  }
0x5b: {  	s28 =	sadd.s32 $0x100, s26;
	[sflag:s17] =	ssyncadd.s32 $0xFFFFC000  }
0x5c: {  	[tilespmem:s16], [sflag:$0x1] =	stream.indirect.gather [hbm4b:s4+s19], $0x80, s28, s19, $0xb8;
	[tilespmem:$0x1E800] =	vst v63  }
0x5d: {  	_ =	swait.ge [sflag:s22], $0x4000  }
0x5e: {  	[sflag:s22] =	ssyncset.done $0x0  }
.Ltmp1:
0x5f: {  	s28 =	sadd.s32 $0x1480, s26;
	[sflag:s22] =	ssyncadd.s32 $0xFFFFC000;
	(pc) =	sbr.rel @p0 .LBB2_4-.Ltmp1, $4  }
0x60: {  	[spmem:s1] =	stream.indirect.scatter.add.f32 [tilespmem:s20], [sflag:$0x3], $0x80, s28, s19, $0xb8;
	[tilespmem:$0x1E800] =	vst v63  }
0x61: {  	_ =	swait.ge [sflag:s17], $0x4000  }
0x62: {  	[sflag:s17] =	ssyncset.done $0x0  }
0x63: {  	s26 =	sadd.s32 $0x180, s26;
	[sflag:s17] =	ssyncadd.s32 $0xFFFFC000  }
0x64: {  	[tilespmem:s20], [sflag:$0x2] =	stream.indirect.gather [hbm4b:s4+s19], $0x80, s26, s19, $0xb8;
	[tilespmem:$0x1E800] =	vst v63  }
0x65: {  	_ =	swait.ge [sflag:s21], $0x4000  }
0x66: {  	[sflag:s21] =	ssyncset.done $0x0  }
0x67: {  	[sflag:s21] =	ssyncadd.s32 $0xFFFFC000  }
0x68: {  	[spmem:s1] =	stream.indirect.scatter.add.f32 [tilespmem:s16], [sflag:$0x3], $0x80, s23, s19, $0xb8;
	[tilespmem:$0x1E800] =	vst v63  }
0x69: {  	_ =	swait.ge [sflag:s17], $0x4000  }
0x6a: {  	[sflag:s17] =	ssyncset.done $0x0  }
0x6b: {  	[sflag:s17] =	ssyncadd.s32 $0xFFFFC000  }
0x6c: {  	_ =	swait.ge [sflag:s22], $0x4000  }
0x6d: {  	[sflag:s22] =	ssyncset.done $0x0  }
0x6e: {  	[sflag:s22] =	ssyncadd.s32 $0xFFFFC000  }
0x6f: {  	[spmem:s1] =	stream.indirect.scatter.add.f32 [tilespmem:s20], [sflag:$0x3], $0x80, s24, s19, $0xb8;
	[tilespmem:$0x1E800] =	vst v63  }
0x70: {  	_ =	swait.ge [sflag:s17], $0x4000  }
0x71: {  	[sflag:s17] =	ssyncset.done $0x0  }
0x72: {  	s25 =	simm.s32 $0x0;
	[sflag:s17] =	ssyncadd.s32 $0xFFFFC000  }
0x73: {  	[tilespmem:s25], [sflag:$0x3] =	stream.linear.gather [hbm4b:s12+s25], $0x1400, $0x38;
	[tilespmem:$0x1E800] =	vst v63  }
0x74: {  	_ =	swait.ge [sflag:s17], $0x1400  }
0x75: {  	[sflag:s17] =	ssyncset.done $0x0  }
0x76: {  	[sflag:s17] =	ssyncadd.s32 $0xFFFFEC00  }
0x77: {  	[tilespmem:s18], [sflag:$0x3] =	stream.linear.gather [hbm4b:s13+s25], $0x1400, $0x38;
	[tilespmem:$0x1E800] =	vst v63  }
0x78: {  	_ =	swait.ge [sflag:s17], $0x1400  }
0x79: {  	[sflag:s17] =	ssyncset.done $0x0  }
0x7a: {  	[sflag:s17] =	ssyncadd.s32 $0xFFFFEC00  }
0x7b: {  	[tilespmem:s16], [sflag:$0x1] =	stream.indirect.gather [hbm4b:s4+s19], $0x80, s25, s19, $0xb8;
	[tilespmem:$0x1E800] =	vst v63  }
0x7c: {  	_ = 	snop  }
0x7d: {  	[tilespmem:s20], [sflag:$0x2] =	stream.indirect.gather [hbm4b:s4+s19], $0x80, s19, s19, $0xb8;
	[tilespmem:$0x1E800] =	vst v63  }
0x7e: {  	_ =	swait.ge [sflag:s21], $0x4000  }
0x7f: {  	[sflag:s21] =	ssyncset.done $0x0  }
0x80: {  	s29 =	simm.s32 $0x1400;
	[sflag:s21] =	ssyncadd.s32 $0xFFFFC000  }
0x81: {  	[spmem:s1] =	stream.indirect.scatter.add.f32 [tilespmem:s16], [sflag:$0x3], $0x80, s29, s19, $0xb8;
	[tilespmem:$0x1E800] =	vst v63  }
0x82: {  	_ =	swait.ge [sflag:s17], $0x4000  }
0x83: {  	[sflag:s17] =	ssyncset.done $0x0  }
0x84: {  	s30 =	simm.s32 $0x100;
	[sflag:s17] =	ssyncadd.s32 $0xFFFFC000  }
0x85: {  	[tilespmem:s16], [sflag:$0x1] =	stream.indirect.gather [hbm4b:s4+s19], $0x80, s30, s19, $0xb8;
	[tilespmem:$0x1E800] =	vst v63  }
0x86: {  	_ =	swait.ge [sflag:s22], $0x4000  }
0x87: {  	[sflag:s22] =	ssyncset.done $0x0  }
0x88: {  	s31 =	simm.s32 $0x1480;
	[sflag:s22] =	ssyncadd.s32 $0xFFFFC000  }
0x89: {  	[spmem:s1] =	stream.indirect.scatter.add.f32 [tilespmem:s20], [sflag:$0x3], $0x80, s31, s19, $0xb8;
	[tilespmem:$0x1E800] =	vst v63  }
0x8a: {  	_ =	swait.ge [sflag:s17], $0x4000  }
0x8b: {  	[sflag:s17] =	ssyncset.done $0x0  }
0x8c: {  	s26 =	simm.s32 $0x180;
	s25 =	simm.s32 $0x400;
	[sflag:s17] =	ssyncadd.s32 $0xFFFFC000  }
.LBB2_6:
0x8d: {  	[tilespmem:s20], [sflag:$0x2] =	stream.indirect.gather [hbm4b:s4+s19], $0x80, s26, s19, $0xb8;
	[tilespmem:$0x1E800] =	vst v63  }
0x8e: {  	s26 =	smov.u32 s25  }
0x8f: {  	p0 =	sne.s32 s25, $0x4800;
	s25 =	sadd.s32 $0x400, s25;
	_ =	swait.ge [sflag:s21], $0x4000  }
0x90: {  	s26 =	sshra.s32 s26, $0x2;
	[sflag:s21] =	ssyncset.done $0x0  }
0x91: {  	s28 =	sadd.s32 $0x1400, s26;
	[sflag:s21] =	ssyncadd.s32 $0xFFFFC000  }
0x92: {  	[spmem:s1] =	stream.indirect.scatter.add.f32 [tilespmem:s16], [sflag:$0x3], $0x80, s28, s19, $0xb8;
	[tilespmem:$0x1E800] =	vst v63  }
0x93: {  	_ =	swait.ge [sflag:s17], $0x4000  }
0x94: {  	[sflag:s17] =	ssyncset.done $0x0  }
0x95: {  	s28 =	sadd.s32 $0x100, s26;
	[sflag:s17] =	ssyncadd.s32 $0xFFFFC000  }
0x96: {  	[tilespmem:s16], [sflag:$0x1] =	stream.indirect.gather [hbm4b:s4+s19], $0x80, s28, s19, $0xb8;
	[tilespmem:$0x1E800] =	vst v63  }
0x97: {  	_ =	swait.ge [sflag:s22], $0x4000  }
0x98: {  	[sflag:s22] =	ssyncset.done $0x0  }
.Ltmp2:
0x99: {  	s28 =	sadd.s32 $0x1480, s26;
	[sflag:s22] =	ssyncadd.s32 $0xFFFFC000;
	(pc) =	sbr.rel @p0 .LBB2_6-.Ltmp2, $4  }
0x9a: {  	[spmem:s1] =	stream.indirect.scatter.add.f32 [tilespmem:s20], [sflag:$0x3], $0x80, s28, s19, $0xb8;
	[tilespmem:$0x1E800] =	vst v63  }
0x9b: {  	_ =	swait.ge [sflag:s17], $0x4000  }
0x9c: {  	[sflag:s17] =	ssyncset.done $0x0  }
0x9d: {  	s26 =	sadd.s32 $0x180, s26;
	[sflag:s17] =	ssyncadd.s32 $0xFFFFC000  }
0x9e: {  	[tilespmem:s20], [sflag:$0x2] =	stream.indirect.gather [hbm4b:s4+s19], $0x80, s26, s19, $0xb8;
	[tilespmem:$0x1E800] =	vst v63  }
0x9f: {  	_ =	swait.ge [sflag:s21], $0x4000  }
0xa0: {  	[sflag:s21] =	ssyncset.done $0x0  }
0xa1: {  	[sflag:s21] =	ssyncadd.s32 $0xFFFFC000  }
0xa2: {  	[spmem:s1] =	stream.indirect.scatter.add.f32 [tilespmem:s16], [sflag:$0x3], $0x80, s23, s19, $0xb8;
	[tilespmem:$0x1E800] =	vst v63  }
0xa3: {  	_ =	swait.ge [sflag:s17], $0x4000  }
0xa4: {  	[sflag:s17] =	ssyncset.done $0x0  }
0xa5: {  	[sflag:s17] =	ssyncadd.s32 $0xFFFFC000  }
0xa6: {  	_ =	swait.ge [sflag:s22], $0x4000  }
0xa7: {  	[sflag:s22] =	ssyncset.done $0x0  }
0xa8: {  	[sflag:s22] =	ssyncadd.s32 $0xFFFFC000  }
0xa9: {  	[spmem:s1] =	stream.indirect.scatter.add.f32 [tilespmem:s20], [sflag:$0x3], $0x80, s24, s19, $0xb8;
	[tilespmem:$0x1E800] =	vst v63  }
0xaa: {  	_ =	swait.ge [sflag:s17], $0x4000  }
0xab: {  	s25 =	sshll.u32 s2, $0x6;
	s3 =	sadd.s32 $0x1, s3;
	[sflag:s17] =	ssyncset.done $0x0  }
0xac: {  	s31 =	sshrl.u32 s5, $0x3;
	p0 =	sne.s32 s3, s15;
	[sflag:s17] =	ssyncadd.s32 $0xFFFFC000  }
.Ltmp3:
0xad: {  	s25 =	sor.u32 $0x1C03, s25;
	[bflag:$0x0] =	sbarrier.arrive $0xFFFF;
	(pc) =	sbr.rel @p0 .LBB2_1-.Ltmp3, $4  }
0xae: {  	[hbm:s14], [sflag:s25] =	dma.local [spmem:s31], $0x2800  }
0xaf: {  	_ =	swait.ge [sflag:s17], $0x2800  }
0xb0: {  	[sflag:s17] =	ssyncset.done $0x0  }
0xb1: {  	[sflag:s17] =	ssyncadd.s32 $0xFFFFD800  }
0xb2: {  	_ =	sfence.sel $0x180000  }
0xb3: {  	[bflag:$0x0] =	sbarrier.arrive $0xFFFF  }
0xb4: {  	p0 =	sne.s32 s2, $0x0;
	_ =	strace $0x9000004A  }
0xb5: {  	s0 =	sadd.s32 @!p0 $0x100000, s0;
	[bflag:$0x2] =	sbarrier.arrive $0xFFFF  }
0xb6: {  	[sflag:s0] =	ssyncadd.tile.s32 @!p0 $0x1;
	_ =	shalt  }
.Lfunc_end2:
_tile_overlayer_lowered:
.L_overlay_start_2:
0xb7: {  	(tag) =	ssettag $0x2  }
0xb8: {  	s0 =	rddreg [dreg:$0x0];
	s2 =	stileid.u32  }
0xb9: {  	s1 =	rddreg [dreg:$0x1];
	p0 =	sne.s32 s2, $0x0  }
0xba: {  	s3 =	rddreg [dreg:$0x2];
	[bflag:$0x3] =	sbarrier.arrive $0xFFFF;
	s2 =	simm.s32 @!p0 $0x1C03  }
0xbb: {  	[timem:s3], [sflag:s2] =	dma.local @!p0 [hbm:s0], s1  }
0xbc: {  	s0 =	simm.s32 @!p0 $0x3  }
0xbd: {  	_ =	swait.ge @!p0 [sflag:s0], s1  }
0xbe: {  	s1 =	ssub.s32 @!p0 $0x0, s1;
	[sflag:s0] =	ssyncset.done @!p0 $0x0  }
0xbf: {  	[sflag:s0] =	ssyncadd.s32 @!p0 s1  }
0xc0: {  	[bflag:$0x3] =	sbarrier.arrive $0xFFFF  }
0xc1: {  	_ =	shalt  }

// kernel: kernel.15.cloned.1.call-start
scs
__scs_entry_jumppad:
0x0: {  	(pc) =	sbr.rel $0x88, $3  }
0x1: {  	(tag) =	ssettag $0x0;
	lr =	simm.s32 $0x1  }
0x2: {  	[smem:$0x3F9B] =	sst lr;
	_ =	strace $0xD0000000  }
0x3: {  	_ = 	snop  }
0x4: {  	_ = 	snop  }
0x5: {  	_ = 	snop  }
0x6: {  	_ = 	snop  }
0x7: {  	_ = 	snop  }
__scs_overlays_trampoline_lowered:
0x8: {  	[smem:$0x3FAA] =	sst s0  }
0x9: {  	[smem:$0x3FAB] =	sst s1  }
0xa: {  	[smem:$0x3FAC] =	sst s2  }
0xb: {  	[smem:$0x3FAD] =	sst s3  }
0xc: {  	[smem:$0x3FAE] =	sst s4  }
0xd: {  	[smem:$0x3FAF] =	sst s5  }
0xe: {  	[smem:$0x3FB0] =	sst s6  }
0xf: {  	[smem:$0x3FB1] =	sst s7  }
0x10: {  	[smem:$0x3FB2] =	sst s8  }
0x11: {  	[smem:$0x3FB3] =	sst s9;
	s0 =	simm.s32 @!p0 $0x0  }
0x12: {  	s1 =	sld [smem:$0x3F99];
	s0 =	simm.s32 @p0 $0x1  }
0x13: {  	[smem:$0x3FB4] =	sst s0;
	s0 =	simm.s32 @!p1 $0x0  }
0x14: {  	s2 =	sld [smem:$0x3F98];
	s0 =	simm.s32 @p1 $0x1  }
0x15: {  	[smem:$0x3FB5] =	sst s0;
	s0 =	simm.s32 @!p2 $0x0  }
0x16: {  	s3 =	sld [smem:$0x3FDB];
	s0 =	simm.s32 @p2 $0x1  }
0x17: {  	s4 =	simm.s32 $0x1BF5;
	[smem:$0x3FB7] =	sst s0  }
0x18: {  	s0 =	sld [smem:$0x3F9A];
	_ =	swait.ge [sflag:s4], $0x0  }
0x19: {  	s7 =	sld [smem:$0x3F9B]  }
0x1a: {  	s8 =	sadd.s32 $0xFFFFE003, lr  }
0x1b: {  	s9 =	sadd.s32 $0xFFFFFEF7, lr;
	s5 =	simm.s32 $0xFFFFFFFF;
	p2 =	slt.u32 s8, $0xFFFFF086  }
0x1c: {  	p1 =	slt.u32 s9, $0xF7A;
	s5 =	simm.s32 @!p2 $0x0  }
0x1d: {  	s5 =	simm.s32 @p1 $0x1;
	p0 =	seq.s32 s7, s2  }
0x1e: {  	s7 =	smul.u32 @!p0 $0xF7A, s2;
	p2 =	seq.s32 @!p0 s5, $0x0  }
0x1f: {  	s9 =	smul.u32 $0xF7A, s1;
	s8 =	simm.s32 @!p0 $0x1BF5;
	p2 =	por !p2, p0  }
0x20: {  	[sflag:s8] =	ssyncset.s32 @!p0 $0xFFFFF086;
	s6 =	sadd.s32 @!p0 s3, s7;
	s7 =	simm.s32 @!p0 $0x108  }
0x21: {  	s3 =	sadd.s32 s3, s9;
	s6 =	sadd.s32 @!p0 $0x88, s6;
	s7 =	simm.s32 @p2 $0x1082  }
0x22: {  	[simem:s7], [sflag:s8] =	dma.local @!p0 [hbm:s6], $0xF7A  }
0x23: {  	s9 =	sor.u32 $0xD0000000, s2;
	s6 =	simm.s32 $0x108;
	_ =	swait.ge @!p0 [sflag:s8], $0x0  }
0x24: {  	s3 =	sadd.s32 $0x88, s3;
	s6 =	simm.s32 @!p1 $0x1082;
	[sflag:s4] =	ssyncset.s32 $0xFFFFF086  }
0x25: {  	[simem:s6], [sflag:s4] =	dma.local [hbm:s3], $0xF7A  }
0x26: {  	[smem:$0x3F9B] =	sst s1;
	(tag) =	ssettag s2;
	_ =	strace s9  }
0x27: {  	s1 =	sld [smem:$0x3FAB]  }
0x28: {  	s2 =	sld [smem:$0x3FAC]  }
0x29: {  	s4 =	sld [smem:$0x3FAE]  }
0x2a: {  	p0 =	seq.s32 s5, $0x0;
	s5 =	sld [smem:$0x3FAF]  }
0x2b: {  	s6 =	sld [smem:$0x3FB0]  }
0x2c: {  	s7 =	sld [smem:$0x3FB1]  }
0x2d: {  	s3 =	simm.s32 $0x108;
	s8 =	sld [smem:$0x3FB2]  }
0x2e: {  	s3 =	simm.s32 @!p0 $0x1082;
	s9 =	sld [smem:$0x3FB3]  }
0x2f: {  	lr =	sadd.s32 s0, s3;
	s0 =	sld [smem:$0x3FAA]  }
0x30: {  	s3 =	sld [smem:$0x3FAD]  }
0x31: {  	[smem:$0x3FB6] =	sst s10  }
0x32: {  	s10 =	sld [smem:$0x3FB4];
	_ =	sdelay $0x3  }
0x33: {  	p0 =	seq.s32 s10, $0x1;
	s10 =	sld [smem:$0x3FB6];
	_ =	sdelay $0x3  }
0x34: {  	[smem:$0x3FB6] =	sst s10  }
0x35: {  	s10 =	sld [smem:$0x3FB5];
	_ =	sdelay $0x3  }
0x36: {  	p1 =	seq.s32 s10, $0x1;
	s10 =	sld [smem:$0x3FB6];
	_ =	sdelay $0x3  }
0x37: {  	[smem:$0x3FB6] =	sst s10  }
0x38: {  	s10 =	sld [smem:$0x3FB7]  }
0x39: {  	_ = 	snop;
	(pc) =	sbr.ind lr, $3  }
0x3a: {  	_ = 	snop  }
0x3b: {  	_ = 	snop  }
0x3c: {  	p2 =	seq.s32 s10, $0x1;
	s10 =	sld [smem:$0x3FB6]  }
0x3d: {  	_ =	shalt  }
0x3e: {  	_ =	shalt  }
0x3f: {  	_ =	shalt  }
0x40: {  	_ =	shalt  }
0x41: {  	_ =	shalt  }
0x42: {  	_ =	shalt  }
0x43: {  	_ =	shalt  }
0x44: {  	_ =	shalt  }
0x45: {  	_ =	shalt  }
0x46: {  	_ =	shalt  }
0x47: {  	_ =	shalt  }
0x48: {  	_ =	shalt  }
0x49: {  	_ =	shalt  }
0x4a: {  	_ =	shalt  }
0x4b: {  	_ =	shalt  }
0x4c: {  	_ =	shalt  }
0x4d: {  	_ =	shalt  }
0x4e: {  	_ =	shalt  }
0x4f: {  	_ =	shalt  }
0x50: {  	_ =	shalt  }
0x51: {  	_ =	shalt  }
0x52: {  	_ =	shalt  }
0x53: {  	_ =	shalt  }
0x54: {  	_ =	shalt  }
0x55: {  	_ =	shalt  }
0x56: {  	_ =	shalt  }
0x57: {  	_ =	shalt  }
0x58: {  	_ =	shalt  }
0x59: {  	_ =	shalt  }
0x5a: {  	_ =	shalt  }
0x5b: {  	_ =	shalt  }
0x5c: {  	_ =	shalt  }
0x5d: {  	_ =	shalt  }
0x5e: {  	_ =	shalt  }
0x5f: {  	_ =	shalt  }
0x60: {  	_ =	shalt  }
0x61: {  	_ =	shalt  }
0x62: {  	_ =	shalt  }
0x63: {  	_ =	shalt  }
0x64: {  	_ =	shalt  }
0x65: {  	_ =	shalt  }
0x66: {  	_ =	shalt  }
0x67: {  	_ =	shalt  }
0x68: {  	_ =	shalt  }
0x69: {  	_ =	shalt  }
0x6a: {  	_ =	shalt  }
0x6b: {  	_ =	shalt  }
0x6c: {  	_ =	shalt  }
0x6d: {  	_ =	shalt  }
0x6e: {  	_ =	shalt  }
0x6f: {  	_ =	shalt  }
0x70: {  	_ =	shalt  }
0x71: {  	_ =	shalt  }
0x72: {  	_ =	shalt  }
0x73: {  	_ =	shalt  }
0x74: {  	_ =	shalt  }
0x75: {  	_ =	shalt  }
0x76: {  	_ =	shalt  }
0x77: {  	_ =	shalt  }
0x78: {  	_ =	shalt  }
0x79: {  	_ =	shalt  }
0x7a: {  	_ =	shalt  }
0x7b: {  	_ =	shalt  }
0x7c: {  	_ =	shalt  }
0x7d: {  	_ =	shalt  }
0x7e: {  	_ =	shalt  }
0x7f: {  	_ =	shalt  }
0x80: {  	_ =	shalt  }
0x81: {  	_ =	shalt  }
0x82: {  	_ =	shalt  }
0x83: {  	_ =	shalt  }
0x84: {  	_ =	shalt  }
0x85: {  	_ =	shalt  }
0x86: {  	_ =	shalt  }
0x87: {  	_ =	shalt  }
.Lfunc_end0:
.L_simem_size_0:
called_computation.2_lowered:
.L_overlay_start_0:
0x88: {  	s2 =	sld [smem:$0x3FD9]  }
0x89: {  	s3 =	sld [smem:$0x3FFE];
	_ =	sdelay $0x1  }
0x8a: {  	s1 =	srdreg.scid  }
0x8b: {  	s0 =	sand.u32 $0x1, s1  }
0x8c: {  	s17 =	sshll.u32 s0, $0xA;
	s2 =	sadd.s32 s3, s2  }
0x8d: {  	s2 =	sadd.s32 s2, s17  }
0x8e: {  	[smem:$0x3FC2] =	sst s2  }
0x8f: {  	_ = 	snop  }
0x90: {  	s2 =	sld [smem:$0x3FD0];
	(tm) =	ssettm $0x1  }
0x91: {  	s18 =	sld [smem:$0x3FFB];
	_ =	sdelay $0x3  }
0x92: {  	_ =	strace s18  }
0x93: {  	s3 =	sld [smem:$0x3FFC];
	_ =	sdelay $0x3  }
0x94: {  	_ =	strace s3  }
0x95: {  	s3 =	sld [smem:$0x3FFD];
	_ =	sdelay $0x3  }
0x96: {  	_ =	strace s3  }
0x97: {  	_ =	strace $0x8FFFFFFF  }
0x98: {  	s19 =	sld [smem:$0x3FDB];
	_ =	sdelay $0x1  }
0x99: {  	s4 =	simm.s32 $_scs_section_size  }
0x9a: {  	s5 =	simm.s32 $_size__tile_overlayer_lowered;
	s6 =	simm.s32 $_tile_overlayer_lowered  }
0x9b: {  	s22 =	simm.s32 $0x1BFF;
	s21 =	sshll.u32 s6, $0x1;
	s3 =	sadd.s32 s4, s19  }
0x9c: {  	s7 =	simm.s32 $0x0;
	s20 =	sshll.u32 s5, $0x1;
	s5 =	sadd.s32 s21, s3  }
0x9d: {  	[timem:s7], [sflag:s22] =	dma.local [hbm:s5], s20  }
0x9e: {  	_ =	swait.ge [sflag:s22], s20  }
0x9f: {  	s4 =	ssub.s32 $0x0, s20;
	[sflag:s22] =	ssyncset.done $0x0  }
0xa0: {  	[sflag:s22] =	ssyncadd.s32 s4;
	_ =	sdelay $0x1  }
0xa1: {  	s23 =	simm.s32 $0x1B8B  }
0xa2: {  	_ =	swait.ge [sflag:s23], $0x1  }
0xa3: {  	[sflag:s23] =	ssyncset.done $0x0  }
0xa4: {  	s25 =	simm.s32 $0x1B8E;
	s24 =	sld [smem:$0x3FFE];
	[sflag:s23] =	ssyncadd.s32 $0xFFFFFFFF  }
0xa5: {  	s26 =	simm.s32 $execute0_lowered;
	[smem:$0x3FD2] =	sst s25  }
0xa6: {  	s5 =	sshll.u32 s26, $0x1;
	_ =	strace $0x8000004C;
	[dreg:$0x1] =	wrdreg $0xFFFFFFFF  }
0xa7: {  	s28 =	simm.s32 $_size_execute0_lowered;
	s3 =	sadd.s32 s3, s5;
	[dreg:$0x0] =	wrdreg $0x0  }
0xa8: {  	s5 =	sshll.u32 s28, $0x1;
	[dreg:$0x2] =	wrdreg s3  }
0xa9: {  	[dreg:$0x3] =	wrdreg s5  }
0xaa: {  	[dreg:$0x4] =	wrdreg $0xC0  }
0xab: {  	_ =	task [dreg:s7], $0x5FFFF  }
0xac: {  	[dreg:$0x1] =	wrdreg $0xFFFFFFFF  }
0xad: {  	[dreg:$0x0] =	wrdreg $0x60  }
0xae: {  	[dreg:$0x2] =	wrdreg s24  }
0xaf: {  	[dreg:$0x3] =	wrdreg s2  }
0xb0: {  	[dreg:$0x4] =	wrdreg $0xA8000  }
0xb1: {  	[dreg:$0x5] =	wrdreg $0x9  }
0xb2: {  	_ =	task.clear_ibuf [dreg:s7], $0x6FFFF;
	_ =	strace $0x9000004C  }
0xb3: {  	s29 =	simm.s32 $0x9;
	_ =	strace $0x8000004E  }
0xb4: {  	_ =	swait.ge [sflag:s29], $0x1  }
0xb5: {  	[sflag:s29] =	ssyncadd.s32 $0xFFFFFFFF  }
0xb6: {  	_ =	strace $0x9000004E  }
0xb7: {  	_ =	sfence  }
0xb8: {  	s30 =	sld [smem:$0x0];
	_ =	sdelay $0x2  }
0xb9: {  	s31 =	sshll.u32 s1, $0xD;
	s1 =	sshrl.u32 s1, $0x2  }
0xba: {  	s3 =	sand.u32 $0x4000, s31;
	s1 =	sadd.s32 s1, s30  }
0xbb: {  	s0 =	sor.u32 s3, s0;
	s1 =	sshll.u32 s1, $0x11  }
0xbc: {  	s0 =	sor.u32 s1, s0  }
0xbd: {  	s0 =	sadd.s32 $0x8F2B, s0  }
0xbe: {  	[sflag:s0] =	ssyncadd.remote.s32 $0x1  }
0xbf: {  	_ =	sfence.sel $0xFFFF  }
0xc0: {  	[dreg:$0x0] =	wrdreg $0xFFFFFFFF;
	(pc) =	sbr.abs _section_cstart, $3  }
0xc1: {  	[dreg:$0x1] =	wrdreg $0xFFFFFFFF  }
0xc2: {  	_ =	task.clear_ibuf [dreg:s7], $0x2FFFF;
	_ =	strace $0x9FFFFFFF  }
0xc3: {  	(tm) =	ssettm $0x7FFFFFFF  }
tec
execute0_lowered:
.L_overlay_start_1:
0x0: {  	(tag) =	ssettag $0x1  }
0x1: {  	s5 =	rddreg [dreg:$0x0]  }
0x2: {  	s13 =	rddreg [dreg:$0x1]  }
0x3: {  	s1 =	rddreg [dreg:$0x2]  }
0x4: {  	s2 =	srdreg.scid;
	s0 =	rddreg [dreg:$0x3]  }
0x5: {  	s3 =	simm.s32 $0x0;
	s17 =	simm.s32 $0x3;
	s18 =	simm.s32 $0x1400  }
0x6: {  	s19 =	simm.s32 $0x80;
	s20 =	simm.s32 $0x6800;
	s21 =	simm.s32 $0x1  }
0x7: {  	s22 =	simm.s32 $0x2;
	s23 =	simm.s32 $0x2700;
	s6 =	sand.u32 $0x1, s2  }
0x8: {  	s24 =	simm.s32 $0x2780;
	s2 =	stileid.u32;
	s7 =	smul.u32 $0x140000, s6  }
0x9: {  	[smem:$0x7FF] =	sst s3;
	s4 =	sadd.s32 $0xCA00, s5;
	s8 =	smul.u32 $0x14000, s2  }
0xa: {  	s31 =	sshll.u32 s6, $0x4;
	s9 =	smul.u32 $0x50000, s2;
	s6 =	ssub.s32 $0x2, s6  }
0xb: {  	s12 =	sadd.s32 $0x2A00, s5;
	_ =	strace $0x8000004D;
	s10 =	sshrl.u32 s6, $0x1  }
0xc: {  	s7 =	sadd.s32 s8, s7;
	s8 =	sor.u32 s2, s31;
	s9 =	sshrl.u32 s9, $0x2  }
0xd: {  	s15 =	ssub.s32 s6, s10;
	s7 =	sshrl.u32 s7, $0x3;
	s8 =	smul.u32 $0x2800, s8  }
0xe: {  	s15 =	smax.u32 s15, $0x1;
	s14 =	sadd.s32 s7, s5;
	s5 =	sadd.s32 s9, s1  }
0xf: {  	s6 =	sadd.s32 $0x4000, s5;
	s7 =	sadd.s32 $0x8000, s5;
	s11 =	sshrl.u32 s8, $0x3  }
0x10: {  	s8 =	sadd.s32 $0xC000, s5;
	s9 =	sadd.s32 $0x10000, s5;
	s14 =	sadd.s32 $0x34A00, s14  }
0x11: {  	s16 =	sadd.s32 $0x280, s11;
	s10 =	sadd.s32 s12, s11;
	s11 =	sadd.s32 s13, s11  }
0x12: {  	v0 =	vimm.f32 $0.0e+00;
	s12 =	sadd.s32 s12, s16;
	s13 =	sadd.s32 s13, s16;
	s16 =	simm.s32 $0x2800  }
.LBB2_1:
0x13: {  	s25 =	simm.s32 $0x0;
	s26 =	simm.s32 $0x200  }
.LBB2_2:
0x14: {  	p0 =	sne.s32 s26, $0xFE00;
	[tilespmem:s25+$0x2870] =	vst v0  }
0x15: {  	[tilespmem:s25+$0x2800] =	vst v0  }
0x16: {  	[tilespmem:s25+$0x2810] =	vst v0  }
.Ltmp0:
0x17: {  	[tilespmem:s25+$0x2820] =	vst v0;
	(pc) =	sbr.rel @p0 .LBB2_2-.Ltmp0, $4  }
0x18: {  	[tilespmem:s25+$0x2830] =	vst v0  }
0x19: {  	[tilespmem:s25+$0x2840] =	vst v0  }
0x1a: {  	[tilespmem:s25+$0x2850] =	vst v0  }
0x1b: {  	[tilespmem:s25+$0x2860] =	vst v0;
	s25 =	sshra.s32 s26, $0x2;
	s26 =	sadd.s32 $0x200, s26  }
0x1c: {  	[tilespmem:s25+$0x2870] =	vst v0  }
0x1d: {  	[tilespmem:s25+$0x2800] =	vst v0  }
0x1e: {  	[tilespmem:s25+$0x2810] =	vst v0  }
0x1f: {  	[tilespmem:s25+$0x2820] =	vst v0  }
0x20: {  	[tilespmem:s25+$0x2830] =	vst v0  }
0x21: {  	[tilespmem:s25+$0x2840] =	vst v0  }
0x22: {  	[tilespmem:s25+$0x2850] =	vst v0  }
0x23: {  	[tilespmem:s25+$0x2860] =	vst v0  }
0x24: {  	[spmem:s5] =	stream.linear.scatter [tilespmem:s16], [sflag:$0x3], $0x4000, $0x38;
	[tilespmem:$0x1E800] =	vst v63  }
0x25: {  	_ =	swait.ge [sflag:s17], $0x4000  }
0x26: {  	[sflag:s17] =	ssyncset.done $0x0  }
0x27: {  	[sflag:s17] =	ssyncadd.s32 $0xFFFFC000  }
0x28: {  	[spmem:s6] =	stream.linear.scatter [tilespmem:s16], [sflag:$0x3], $0x4000, $0x38;
	[tilespmem:$0x1E800] =	vst v63  }
0x29: {  	_ =	swait.ge [sflag:s17], $0x4000  }
0x2a: {  	[sflag:s17] =	ssyncset.done $0x0  }
0x2b: {  	[sflag:s17] =	ssyncadd.s32 $0xFFFFC000  }
0x2c: {  	[spmem:s7] =	stream.linear.scatter [tilespmem:s16], [sflag:$0x3], $0x4000, $0x38;
	[tilespmem:$0x1E800] =	vst v63  }
0x2d: {  	_ =	swait.ge [sflag:s17], $0x4000  }
0x2e: {  	[sflag:s17] =	ssyncset.done $0x0  }
0x2f: {  	[sflag:s17] =	ssyncadd.s32 $0xFFFFC000  }
0x30: {  	[spmem:s8] =	stream.linear.scatter [tilespmem:s16], [sflag:$0x3], $0x4000, $0x38;
	[tilespmem:$0x1E800] =	vst v63  }
0x31: {  	_ =	swait.ge [sflag:s17], $0x4000  }
0x32: {  	[sflag:s17] =	ssyncset.done $0x0  }
0x33: {  	[sflag:s17] =	ssyncadd.s32 $0xFFFFC000  }
0x34: {  	[spmem:s9] =	stream.linear.scatter [tilespmem:s16], [sflag:$0x3], $0x4000, $0x38;
	[tilespmem:$0x1E800] =	vst v63  }
0x35: {  	_ =	swait.ge [sflag:s17], $0x4000  }
0x36: {  	[sflag:s17] =	ssyncset.done $0x0  }
0x37: {  	[sflag:s17] =	ssyncadd.s32 $0xFFFFC000  }
0x38: {  	s28 =	simm.s32 $0x0;
	[bflag:$0x0] =	sbarrier.arrive $0xFFFF  }
0x39: {  	[tilespmem:s28], [sflag:$0x3] =	stream.linear.gather [hbm4b:s10+s28], $0x1400, $0x38;
	[tilespmem:$0x1E800] =	vst v63  }
0x3a: {  	_ =	swait.ge [sflag:s17], $0x1400  }
0x3b: {  	[sflag:s17] =	ssyncset.done $0x0  }
0x3c: {  	[sflag:s17] =	ssyncadd.s32 $0xFFFFEC00  }
0x3d: {  	[tilespmem:s18], [sflag:$0x3] =	stream.linear.gather [hbm4b:s11+s28], $0x1400, $0x38;
	[tilespmem:$0x1E800] =	vst v63  }
0x3e: {  	_ =	swait.ge [sflag:s17], $0x1400  }
0x3f: {  	[sflag:s17] =	ssyncset.done $0x0  }
0x40: {  	[sflag:s17] =	ssyncadd.s32 $0xFFFFEC00  }
0x41: {  	[tilespmem:s16], [sflag:$0x1] =	stream.indirect.gather [hbm4b:s4+s19], $0x80, s28, s19, $0xb8;
	[tilespmem:$0x1E800] =	vst v63  }
0x42: {  	_ = 	snop  }
0x43: {  	[tilespmem:s20], [sflag:$0x2] =	stream.indirect.gather [hbm4b:s4+s19], $0x80, s19, s19, $0xb8;
	[tilespmem:$0x1E800] =	vst v63  }
0x44: {  	_ =	swait.ge [sflag:s21], $0x4000  }
0x45: {  	[sflag:s21] =	ssyncset.done $0x0  }
0x46: {  	s29 =	simm.s32 $0x1400;
	[sflag:s21] =	ssyncadd.s32 $0xFFFFC000  }
0x47: {  	[spmem:s1] =	stream.indirect.scatter.add.f32 [tilespmem:s16], [sflag:$0x3], $0x80, s29, s19, $0xb8;
	[tilespmem:$0x1E800] =	vst v63  }
0x48: {  	_ =	swait.ge [sflag:s17], $0x4000  }
0x49: {  	[sflag:s17] =	ssyncset.done $0x0  }
0x4a: {  	s30 =	simm.s32 $0x100;
	[sflag:s17] =	ssyncadd.s32 $0xFFFFC000  }
0x4b: {  	[tilespmem:s16], [sflag:$0x1] =	stream.indirect.gather [hbm4b:s4+s19], $0x80, s30, s19, $0xb8;
	[tilespmem:$0x1E800] =	vst v63  }
0x4c: {  	_ =	swait.ge [sflag:s22], $0x4000  }
0x4d: {  	[sflag:s22] =	ssyncset.done $0x0  }
0x4e: {  	s31 =	simm.s32 $0x1480;
	[sflag:s22] =	ssyncadd.s32 $0xFFFFC000  }
0x4f: {  	[spmem:s1] =	stream.indirect.scatter.add.f32 [tilespmem:s20], [sflag:$0x3], $0x80, s31, s19, $0xb8;
	[tilespmem:$0x1E800] =	vst v63  }
0x50: {  	_ =	swait.ge [sflag:s17], $0x4000  }
0x51: {  	[sflag:s17] =	ssyncset.done $0x0  }
0x52: {  	s25 =	simm.s32 $0x400;
	s26 =	simm.s32 $0x180;
	[sflag:s17] =	ssyncadd.s32 $0xFFFFC000  }
.LBB2_4:
0x53: {  	[tilespmem:s20], [sflag:$0x2] =	stream.indirect.gather [hbm4b:s4+s19], $0x80, s26, s19, $0xb8;
	[tilespmem:$0x1E800] =	vst v63  }
0x54: {  	s26 =	smov.u32 s25  }
0x55: {  	p0 =	sne.s32 s25, $0x4800;
	s25 =	sadd.s32 $0x400, s25;
	_ =	swait.ge [sflag:s21], $0x4000  }
0x56: {  	s26 =	sshra.s32 s26, $0x2;
	[sflag:s21] =	ssyncset.done $0x0  }
0x57: {  	s28 =	sadd.s32 $0x1400, s26;
	[sflag:s21] =	ssyncadd.s32 $0xFFFFC000  }
0x58: {  	[spmem:s1] =	stream.indirect.scatter.add.f32 [tilespmem:s16], [sflag:$0x3], $0x80, s28, s19, $0xb8;
	[tilespmem:$0x1E800] =	vst v63  }
0x59: {  	_ =	swait.ge [sflag:s17], $0x4000  }
0x5a: {  	[sflag:s17] =	ssyncset.done $0x0  }
0x5b: {  	s28 =	sadd.s32 $0x100, s26;
	[sflag:s17] =	ssyncadd.s32 $0xFFFFC000  }
0x5c: {  	[tilespmem:s16], [sflag:$0x1] =	stream.indirect.gather [hbm4b:s4+s19], $0x80, s28, s19, $0xb8;
	[tilespmem:$0x1E800] =	vst v63  }
0x5d: {  	_ =	swait.ge [sflag:s22], $0x4000  }
0x5e: {  	[sflag:s22] =	ssyncset.done $0x0  }
.Ltmp1:
0x5f: {  	s28 =	sadd.s32 $0x1480, s26;
	[sflag:s22] =	ssyncadd.s32 $0xFFFFC000;
	(pc) =	sbr.rel @p0 .LBB2_4-.Ltmp1, $4  }
0x60: {  	[spmem:s1] =	stream.indirect.scatter.add.f32 [tilespmem:s20], [sflag:$0x3], $0x80, s28, s19, $0xb8;
	[tilespmem:$0x1E800] =	vst v63  }
0x61: {  	_ =	swait.ge [sflag:s17], $0x4000  }
0x62: {  	[sflag:s17] =	ssyncset.done $0x0  }
0x63: {  	s26 =	sadd.s32 $0x180, s26;
	[sflag:s17] =	ssyncadd.s32 $0xFFFFC000  }
0x64: {  	[tilespmem:s20], [sflag:$0x2] =	stream.indirect.gather [hbm4b:s4+s19], $0x80, s26, s19, $0xb8;
	[tilespmem:$0x1E800] =	vst v63  }
0x65: {  	_ =	swait.ge [sflag:s21], $0x4000  }
0x66: {  	[sflag:s21] =	ssyncset.done $0x0  }
0x67: {  	[sflag:s21] =	ssyncadd.s32 $0xFFFFC000  }
0x68: {  	[spmem:s1] =	stream.indirect.scatter.add.f32 [tilespmem:s16], [sflag:$0x3], $0x80, s23, s19, $0xb8;
	[tilespmem:$0x1E800] =	vst v63  }
0x69: {  	_ =	swait.ge [sflag:s17], $0x4000  }
0x6a: {  	[sflag:s17] =	ssyncset.done $0x0  }
0x6b: {  	[sflag:s17] =	ssyncadd.s32 $0xFFFFC000  }
0x6c: {  	_ =	swait.ge [sflag:s22], $0x4000  }
0x6d: {  	[sflag:s22] =	ssyncset.done $0x0  }
0x6e: {  	[sflag:s22] =	ssyncadd.s32 $0xFFFFC000  }
0x6f: {  	[spmem:s1] =	stream.indirect.scatter.add.f32 [tilespmem:s20], [sflag:$0x3], $0x80, s24, s19, $0xb8;
	[tilespmem:$0x1E800] =	vst v63  }
0x70: {  	_ =	swait.ge [sflag:s17], $0x4000  }
0x71: {  	[sflag:s17] =	ssyncset.done $0x0  }
0x72: {  	s25 =	simm.s32 $0x0;
	[sflag:s17] =	ssyncadd.s32 $0xFFFFC000  }
0x73: {  	[tilespmem:s25], [sflag:$0x3] =	stream.linear.gather [hbm4b:s12+s25], $0x1400, $0x38;
	[tilespmem:$0x1E800] =	vst v63  }
0x74: {  	_ =	swait.ge [sflag:s17], $0x1400  }
0x75: {  	[sflag:s17] =	ssyncset.done $0x0  }
0x76: {  	[sflag:s17] =	ssyncadd.s32 $0xFFFFEC00  }
0x77: {  	[tilespmem:s18], [sflag:$0x3] =	stream.linear.gather [hbm4b:s13+s25], $0x1400, $0x38;
	[tilespmem:$0x1E800] =	vst v63  }
0x78: {  	_ =	swait.ge [sflag:s17], $0x1400  }
0x79: {  	[sflag:s17] =	ssyncset.done $0x0  }
0x7a: {  	[sflag:s17] =	ssyncadd.s32 $0xFFFFEC00  }
0x7b: {  	[tilespmem:s16], [sflag:$0x1] =	stream.indirect.gather [hbm4b:s4+s19], $0x80, s25, s19, $0xb8;
	[tilespmem:$0x1E800] =	vst v63  }
0x7c: {  	_ = 	snop  }
0x7d: {  	[tilespmem:s20], [sflag:$0x2] =	stream.indirect.gather [hbm4b:s4+s19], $0x80, s19, s19, $0xb8;
	[tilespmem:$0x1E800] =	vst v63  }
0x7e: {  	_ =	swait.ge [sflag:s21], $0x4000  }
0x7f: {  	[sflag:s21] =	ssyncset.done $0x0  }
0x80: {  	s29 =	simm.s32 $0x1400;
	[sflag:s21] =	ssyncadd.s32 $0xFFFFC000  }
0x81: {  	[spmem:s1] =	stream.indirect.scatter.add.f32 [tilespmem:s16], [sflag:$0x3], $0x80, s29, s19, $0xb8;
	[tilespmem:$0x1E800] =	vst v63  }
0x82: {  	_ =	swait.ge [sflag:s17], $0x4000  }
0x83: {  	[sflag:s17] =	ssyncset.done $0x0  }
0x84: {  	s30 =	simm.s32 $0x100;
	[sflag:s17] =	ssyncadd.s32 $0xFFFFC000  }
0x85: {  	[tilespmem:s16], [sflag:$0x1] =	stream.indirect.gather [hbm4b:s4+s19], $0x80, s30, s19, $0xb8;
	[tilespmem:$0x1E800] =	vst v63  }
0x86: {  	_ =	swait.ge [sflag:s22], $0x4000  }
0x87: {  	[sflag:s22] =	ssyncset.done $0x0  }
0x88: {  	s31 =	simm.s32 $0x1480;
	[sflag:s22] =	ssyncadd.s32 $0xFFFFC000  }
0x89: {  	[spmem:s1] =	stream.indirect.scatter.add.f32 [tilespmem:s20], [sflag:$0x3], $0x80, s31, s19, $0xb8;
	[tilespmem:$0x1E800] =	vst v63  }
0x8a: {  	_ =	swait.ge [sflag:s17], $0x4000  }
0x8b: {  	[sflag:s17] =	ssyncset.done $0x0  }
0x8c: {  	s26 =	simm.s32 $0x180;
	s25 =	simm.s32 $0x400;
	[sflag:s17] =	ssyncadd.s32 $0xFFFFC000  }
.LBB2_6:
0x8d: {  	[tilespmem:s20], [sflag:$0x2] =	stream.indirect.gather [hbm4b:s4+s19], $0x80, s26, s19, $0xb8;
	[tilespmem:$0x1E800] =	vst v63  }
0x8e: {  	s26 =	smov.u32 s25  }
0x8f: {  	p0 =	sne.s32 s25, $0x4800;
	s25 =	sadd.s32 $0x400, s25;
	_ =	swait.ge [sflag:s21], $0x4000  }
0x90: {  	s26 =	sshra.s32 s26, $0x2;
	[sflag:s21] =	ssyncset.done $0x0  }
0x91: {  	s28 =	sadd.s32 $0x1400, s26;
	[sflag:s21] =	ssyncadd.s32 $0xFFFFC000  }
0x92: {  	[spmem:s1] =	stream.indirect.scatter.add.f32 [tilespmem:s16], [sflag:$0x3], $0x80, s28, s19, $0xb8;
	[tilespmem:$0x1E800] =	vst v63  }
0x93: {  	_ =	swait.ge [sflag:s17], $0x4000  }
0x94: {  	[sflag:s17] =	ssyncset.done $0x0  }
0x95: {  	s28 =	sadd.s32 $0x100, s26;
	[sflag:s17] =	ssyncadd.s32 $0xFFFFC000  }
0x96: {  	[tilespmem:s16], [sflag:$0x1] =	stream.indirect.gather [hbm4b:s4+s19], $0x80, s28, s19, $0xb8;
	[tilespmem:$0x1E800] =	vst v63  }
0x97: {  	_ =	swait.ge [sflag:s22], $0x4000  }
0x98: {  	[sflag:s22] =	ssyncset.done $0x0  }
.Ltmp2:
0x99: {  	s28 =	sadd.s32 $0x1480, s26;
	[sflag:s22] =	ssyncadd.s32 $0xFFFFC000;
	(pc) =	sbr.rel @p0 .LBB2_6-.Ltmp2, $4  }
0x9a: {  	[spmem:s1] =	stream.indirect.scatter.add.f32 [tilespmem:s20], [sflag:$0x3], $0x80, s28, s19, $0xb8;
	[tilespmem:$0x1E800] =	vst v63  }
0x9b: {  	_ =	swait.ge [sflag:s17], $0x4000  }
0x9c: {  	[sflag:s17] =	ssyncset.done $0x0  }
0x9d: {  	s26 =	sadd.s32 $0x180, s26;
	[sflag:s17] =	ssyncadd.s32 $0xFFFFC000  }
0x9e: {  	[tilespmem:s20], [sflag:$0x2] =	stream.indirect.gather [hbm4b:s4+s19], $0x80, s26, s19, $0xb8;
	[tilespmem:$0x1E800] =	vst v63  }
0x9f: {  	_ =	swait.ge [sflag:s21], $0x4000  }
0xa0: {  	[sflag:s21] =	ssyncset.done $0x0  }
0xa1: {  	[sflag:s21] =	ssyncadd.s32 $0xFFFFC000  }
0xa2: {  	[spmem:s1] =	stream.indirect.scatter.add.f32 [tilespmem:s16], [sflag:$0x3], $0x80, s23, s19, $0xb8;
	[tilespmem:$0x1E800] =	vst v63  }
0xa3: {  	_ =	swait.ge [sflag:s17], $0x4000  }
0xa4: {  	[sflag:s17] =	ssyncset.done $0x0  }
0xa5: {  	[sflag:s17] =	ssyncadd.s32 $0xFFFFC000  }
0xa6: {  	_ =	swait.ge [sflag:s22], $0x4000  }
0xa7: {  	[sflag:s22] =	ssyncset.done $0x0  }
0xa8: {  	[sflag:s22] =	ssyncadd.s32 $0xFFFFC000  }
0xa9: {  	[spmem:s1] =	stream.indirect.scatter.add.f32 [tilespmem:s20], [sflag:$0x3], $0x80, s24, s19, $0xb8;
	[tilespmem:$0x1E800] =	vst v63  }
0xaa: {  	_ =	swait.ge [sflag:s17], $0x4000  }
0xab: {  	s25 =	sshll.u32 s2, $0x6;
	s3 =	sadd.s32 $0x1, s3;
	[sflag:s17] =	ssyncset.done $0x0  }
0xac: {  	s31 =	sshrl.u32 s5, $0x3;
	p0 =	sne.s32 s3, s15;
	[sflag:s17] =	ssyncadd.s32 $0xFFFFC000  }
.Ltmp3:
0xad: {  	s25 =	sor.u32 $0x1C03, s25;
	[bflag:$0x0] =	sbarrier.arrive $0xFFFF;
	(pc) =	sbr.rel @p0 .LBB2_1-.Ltmp3, $4  }
0xae: {  	[hbm:s14], [sflag:s25] =	dma.local [spmem:s31], $0x2800  }
0xaf: {  	_ =	swait.ge [sflag:s17], $0x2800  }
0xb0: {  	[sflag:s17] =	ssyncset.done $0x0  }
0xb1: {  	[sflag:s17] =	ssyncadd.s32 $0xFFFFD800  }
0xb2: {  	_ =	sfence.sel $0x180000  }
0xb3: {  	[bflag:$0x0] =	sbarrier.arrive $0xFFFF  }
0xb4: {  	p0 =	sne.s32 s2, $0x0;
	_ =	strace $0x9000004D  }
0xb5: {  	s0 =	sadd.s32 @!p0 $0x100000, s0;
	[bflag:$0x2] =	sbarrier.arrive $0xFFFF  }
0xb6: {  	[sflag:s0] =	ssyncadd.tile.s32 @!p0 $0x1;
	_ =	shalt  }
.Lfunc_end2:
_tile_overlayer_lowered:
.L_overlay_start_2:
0xb7: {  	(tag) =	ssettag $0x2  }
0xb8: {  	s0 =	rddreg [dreg:$0x0];
	s2 =	stileid.u32  }
0xb9: {  	s1 =	rddreg [dreg:$0x1];
	p0 =	sne.s32 s2, $0x0  }
0xba: {  	s3 =	rddreg [dreg:$0x2];
	[bflag:$0x3] =	sbarrier.arrive $0xFFFF;
	s2 =	simm.s32 @!p0 $0x1C03  }
0xbb: {  	[timem:s3], [sflag:s2] =	dma.local @!p0 [hbm:s0], s1  }
0xbc: {  	s0 =	simm.s32 @!p0 $0x3  }
0xbd: {  	_ =	swait.ge @!p0 [sflag:s0], s1  }
0xbe: {  	s1 =	ssub.s32 @!p0 $0x0, s1;
	[sflag:s0] =	ssyncset.done @!p0 $0x0  }
0xbf: {  	[sflag:s0] =	ssyncadd.s32 @!p0 s1  }
0xc0: {  	[bflag:$0x3] =	sbarrier.arrive $0xFFFF  }
0xc1: {  	_ =	shalt  }

// kernel: kernel.9.cloned.1.call-start
scs
__scs_entry_jumppad:
0x0: {  	(pc) =	sbr.rel $0x88, $3  }
0x1: {  	(tag) =	ssettag $0x0;
	lr =	simm.s32 $0x1  }
0x2: {  	[smem:$0x3F9B] =	sst lr;
	_ =	strace $0xD0000000  }
0x3: {  	_ = 	snop  }
0x4: {  	_ = 	snop  }
0x5: {  	_ = 	snop  }
0x6: {  	_ = 	snop  }
0x7: {  	_ = 	snop  }
__scs_overlays_trampoline_lowered:
0x8: {  	[smem:$0x3FAA] =	sst s0  }
0x9: {  	[smem:$0x3FAB] =	sst s1  }
0xa: {  	[smem:$0x3FAC] =	sst s2  }
0xb: {  	[smem:$0x3FAD] =	sst s3  }
0xc: {  	[smem:$0x3FAE] =	sst s4  }
0xd: {  	[smem:$0x3FAF] =	sst s5  }
0xe: {  	[smem:$0x3FB0] =	sst s6  }
0xf: {  	[smem:$0x3FB1] =	sst s7  }
0x10: {  	[smem:$0x3FB2] =	sst s8  }
0x11: {  	[smem:$0x3FB3] =	sst s9;
	s0 =	simm.s32 @!p0 $0x0  }
0x12: {  	s1 =	sld [smem:$0x3F99];
	s0 =	simm.s32 @p0 $0x1  }
0x13: {  	[smem:$0x3FB4] =	sst s0;
	s0 =	simm.s32 @!p1 $0x0  }
0x14: {  	s2 =	sld [smem:$0x3F98];
	s0 =	simm.s32 @p1 $0x1  }
0x15: {  	[smem:$0x3FB5] =	sst s0;
	s0 =	simm.s32 @!p2 $0x0  }
0x16: {  	s3 =	sld [smem:$0x3FDB];
	s0 =	simm.s32 @p2 $0x1  }
0x17: {  	s4 =	simm.s32 $0x1BF5;
	[smem:$0x3FB7] =	sst s0  }
0x18: {  	s0 =	sld [smem:$0x3F9A];
	_ =	swait.ge [sflag:s4], $0x0  }
0x19: {  	s7 =	sld [smem:$0x3F9B]  }
0x1a: {  	s8 =	sadd.s32 $0xFFFFE003, lr  }
0x1b: {  	s9 =	sadd.s32 $0xFFFFFEF7, lr;
	s5 =	simm.s32 $0xFFFFFFFF;
	p2 =	slt.u32 s8, $0xFFFFF086  }
0x1c: {  	p1 =	slt.u32 s9, $0xF7A;
	s5 =	simm.s32 @!p2 $0x0  }
0x1d: {  	s5 =	simm.s32 @p1 $0x1;
	p0 =	seq.s32 s7, s2  }
0x1e: {  	s7 =	smul.u32 @!p0 $0xF7A, s2;
	p2 =	seq.s32 @!p0 s5, $0x0  }
0x1f: {  	s9 =	smul.u32 $0xF7A, s1;
	s8 =	simm.s32 @!p0 $0x1BF5;
	p2 =	por !p2, p0  }
0x20: {  	[sflag:s8] =	ssyncset.s32 @!p0 $0xFFFFF086;
	s6 =	sadd.s32 @!p0 s3, s7;
	s7 =	simm.s32 @!p0 $0x108  }
0x21: {  	s3 =	sadd.s32 s3, s9;
	s6 =	sadd.s32 @!p0 $0x88, s6;
	s7 =	simm.s32 @p2 $0x1082  }
0x22: {  	[simem:s7], [sflag:s8] =	dma.local @!p0 [hbm:s6], $0xF7A  }
0x23: {  	s9 =	sor.u32 $0xD0000000, s2;
	s6 =	simm.s32 $0x108;
	_ =	swait.ge @!p0 [sflag:s8], $0x0  }
0x24: {  	s3 =	sadd.s32 $0x88, s3;
	s6 =	simm.s32 @!p1 $0x1082;
	[sflag:s4] =	ssyncset.s32 $0xFFFFF086  }
0x25: {  	[simem:s6], [sflag:s4] =	dma.local [hbm:s3], $0xF7A  }
0x26: {  	[smem:$0x3F9B] =	sst s1;
	(tag) =	ssettag s2;
	_ =	strace s9  }
0x27: {  	s1 =	sld [smem:$0x3FAB]  }
0x28: {  	s2 =	sld [smem:$0x3FAC]  }
0x29: {  	s4 =	sld [smem:$0x3FAE]  }
0x2a: {  	p0 =	seq.s32 s5, $0x0;
	s5 =	sld [smem:$0x3FAF]  }
0x2b: {  	s6 =	sld [smem:$0x3FB0]  }
0x2c: {  	s7 =	sld [smem:$0x3FB1]  }
0x2d: {  	s3 =	simm.s32 $0x108;
	s8 =	sld [smem:$0x3FB2]  }
0x2e: {  	s3 =	simm.s32 @!p0 $0x1082;
	s9 =	sld [smem:$0x3FB3]  }
0x2f: {  	lr =	sadd.s32 s0, s3;
	s0 =	sld [smem:$0x3FAA]  }
0x30: {  	s3 =	sld [smem:$0x3FAD]  }
0x31: {  	[smem:$0x3FB6] =	sst s10  }
0x32: {  	s10 =	sld [smem:$0x3FB4];
	_ =	sdelay $0x3  }
0x33: {  	p0 =	seq.s32 s10, $0x1;
	s10 =	sld [smem:$0x3FB6];
	_ =	sdelay $0x3  }
0x34: {  	[smem:$0x3FB6] =	sst s10  }
0x35: {  	s10 =	sld [smem:$0x3FB5];
	_ =	sdelay $0x3  }
0x36: {  	p1 =	seq.s32 s10, $0x1;
	s10 =	sld [smem:$0x3FB6];
	_ =	sdelay $0x3  }
0x37: {  	[smem:$0x3FB6] =	sst s10  }
0x38: {  	s10 =	sld [smem:$0x3FB7]  }
0x39: {  	_ = 	snop;
	(pc) =	sbr.ind lr, $3  }
0x3a: {  	_ = 	snop  }
0x3b: {  	_ = 	snop  }
0x3c: {  	p2 =	seq.s32 s10, $0x1;
	s10 =	sld [smem:$0x3FB6]  }
0x3d: {  	_ =	shalt  }
0x3e: {  	_ =	shalt  }
0x3f: {  	_ =	shalt  }
0x40: {  	_ =	shalt  }
0x41: {  	_ =	shalt  }
0x42: {  	_ =	shalt  }
0x43: {  	_ =	shalt  }
0x44: {  	_ =	shalt  }
0x45: {  	_ =	shalt  }
0x46: {  	_ =	shalt  }
0x47: {  	_ =	shalt  }
0x48: {  	_ =	shalt  }
0x49: {  	_ =	shalt  }
0x4a: {  	_ =	shalt  }
0x4b: {  	_ =	shalt  }
0x4c: {  	_ =	shalt  }
0x4d: {  	_ =	shalt  }
0x4e: {  	_ =	shalt  }
0x4f: {  	_ =	shalt  }
0x50: {  	_ =	shalt  }
0x51: {  	_ =	shalt  }
0x52: {  	_ =	shalt  }
0x53: {  	_ =	shalt  }
0x54: {  	_ =	shalt  }
0x55: {  	_ =	shalt  }
0x56: {  	_ =	shalt  }
0x57: {  	_ =	shalt  }
0x58: {  	_ =	shalt  }
0x59: {  	_ =	shalt  }
0x5a: {  	_ =	shalt  }
0x5b: {  	_ =	shalt  }
0x5c: {  	_ =	shalt  }
0x5d: {  	_ =	shalt  }
0x5e: {  	_ =	shalt  }
0x5f: {  	_ =	shalt  }
0x60: {  	_ =	shalt  }
0x61: {  	_ =	shalt  }
0x62: {  	_ =	shalt  }
0x63: {  	_ =	shalt  }
0x64: {  	_ =	shalt  }
0x65: {  	_ =	shalt  }
0x66: {  	_ =	shalt  }
0x67: {  	_ =	shalt  }
0x68: {  	_ =	shalt  }
0x69: {  	_ =	shalt  }
0x6a: {  	_ =	shalt  }
0x6b: {  	_ =	shalt  }
0x6c: {  	_ =	shalt  }
0x6d: {  	_ =	shalt  }
0x6e: {  	_ =	shalt  }
0x6f: {  	_ =	shalt  }
0x70: {  	_ =	shalt  }
0x71: {  	_ =	shalt  }
0x72: {  	_ =	shalt  }
0x73: {  	_ =	shalt  }
0x74: {  	_ =	shalt  }
0x75: {  	_ =	shalt  }
0x76: {  	_ =	shalt  }
0x77: {  	_ =	shalt  }
0x78: {  	_ =	shalt  }
0x79: {  	_ =	shalt  }
0x7a: {  	_ =	shalt  }
0x7b: {  	_ =	shalt  }
0x7c: {  	_ =	shalt  }
0x7d: {  	_ =	shalt  }
0x7e: {  	_ =	shalt  }
0x7f: {  	_ =	shalt  }
0x80: {  	_ =	shalt  }
0x81: {  	_ =	shalt  }
0x82: {  	_ =	shalt  }
0x83: {  	_ =	shalt  }
0x84: {  	_ =	shalt  }
0x85: {  	_ =	shalt  }
0x86: {  	_ =	shalt  }
0x87: {  	_ =	shalt  }
.Lfunc_end0:
.L_simem_size_0:
called_computation_lowered:
.L_overlay_start_0:
0x88: {  	s2 =	sld [smem:$0x3FD9]  }
0x89: {  	s3 =	sld [smem:$0x3FFE];
	_ =	sdelay $0x1  }
0x8a: {  	s1 =	srdreg.scid  }
0x8b: {  	s0 =	sand.u32 $0x1, s1  }
0x8c: {  	s17 =	sshll.u32 s0, $0xA;
	s2 =	sadd.s32 s3, s2  }
0x8d: {  	s2 =	sadd.s32 s2, s17  }
0x8e: {  	[smem:$0x3FC2] =	sst s2  }
0x8f: {  	_ = 	snop  }
0x90: {  	s2 =	sld [smem:$0x3FD0];
	(tm) =	ssettm $0x1  }
0x91: {  	s18 =	sld [smem:$0x3FFB];
	_ =	sdelay $0x3  }
0x92: {  	_ =	strace s18  }
0x93: {  	s3 =	sld [smem:$0x3FFC];
	_ =	sdelay $0x3  }
0x94: {  	_ =	strace s3  }
0x95: {  	s3 =	sld [smem:$0x3FFD];
	_ =	sdelay $0x3  }
0x96: {  	_ =	strace s3  }
0x97: {  	_ =	strace $0x8FFFFFFF  }
0x98: {  	s19 =	sld [smem:$0x3FDB];
	_ =	sdelay $0x1  }
0x99: {  	s4 =	simm.s32 $_scs_section_size  }
0x9a: {  	s5 =	simm.s32 $_size__tile_overlayer_lowered;
	s6 =	simm.s32 $_tile_overlayer_lowered  }
0x9b: {  	s22 =	simm.s32 $0x1BFF;
	s21 =	sshll.u32 s6, $0x1;
	s3 =	sadd.s32 s4, s19  }
0x9c: {  	s7 =	simm.s32 $0x0;
	s20 =	sshll.u32 s5, $0x1;
	s5 =	sadd.s32 s21, s3  }
0x9d: {  	[timem:s7], [sflag:s22] =	dma.local [hbm:s5], s20  }
0x9e: {  	_ =	swait.ge [sflag:s22], s20  }
0x9f: {  	s4 =	ssub.s32 $0x0, s20;
	[sflag:s22] =	ssyncset.done $0x0  }
0xa0: {  	[sflag:s22] =	ssyncadd.s32 s4;
	_ =	sdelay $0x1  }
0xa1: {  	s23 =	simm.s32 $0x1B8B  }
0xa2: {  	_ =	swait.ge [sflag:s23], $0x1  }
0xa3: {  	[sflag:s23] =	ssyncset.done $0x0  }
0xa4: {  	s25 =	simm.s32 $0x1B8E;
	s24 =	sld [smem:$0x3FFE];
	[sflag:s23] =	ssyncadd.s32 $0xFFFFFFFF  }
0xa5: {  	s26 =	simm.s32 $execute0_lowered;
	[smem:$0x3FD2] =	sst s25  }
0xa6: {  	s5 =	sshll.u32 s26, $0x1;
	_ =	strace $0x80000046;
	[dreg:$0x1] =	wrdreg $0xFFFFFFFF  }
0xa7: {  	s28 =	simm.s32 $_size_execute0_lowered;
	s3 =	sadd.s32 s3, s5;
	[dreg:$0x0] =	wrdreg $0x0  }
0xa8: {  	s5 =	sshll.u32 s28, $0x1;
	[dreg:$0x2] =	wrdreg s3  }
0xa9: {  	[dreg:$0x3] =	wrdreg s5  }
0xaa: {  	[dreg:$0x4] =	wrdreg $0xC0  }
0xab: {  	_ =	task [dreg:s7], $0x5FFFF  }
0xac: {  	[dreg:$0x1] =	wrdreg $0xFFFFFFFF  }
0xad: {  	[dreg:$0x0] =	wrdreg $0x60  }
0xae: {  	[dreg:$0x2] =	wrdreg s2  }
0xaf: {  	[dreg:$0x3] =	wrdreg s24  }
0xb0: {  	[dreg:$0x4] =	wrdreg $0x54000  }
0xb1: {  	[dreg:$0x5] =	wrdreg $0x9  }
0xb2: {  	_ =	task.clear_ibuf [dreg:s7], $0x6FFFF;
	_ =	strace $0x90000046  }
0xb3: {  	s29 =	simm.s32 $0x9;
	_ =	strace $0x80000048  }
0xb4: {  	_ =	swait.ge [sflag:s29], $0x1  }
0xb5: {  	[sflag:s29] =	ssyncadd.s32 $0xFFFFFFFF  }
0xb6: {  	_ =	strace $0x90000048  }
0xb7: {  	_ =	sfence  }
0xb8: {  	s30 =	sld [smem:$0x0];
	_ =	sdelay $0x2  }
0xb9: {  	s31 =	sshll.u32 s1, $0xD;
	s1 =	sshrl.u32 s1, $0x2  }
0xba: {  	s3 =	sand.u32 $0x4000, s31;
	s1 =	sadd.s32 s1, s30  }
0xbb: {  	s0 =	sor.u32 s3, s0;
	s1 =	sshll.u32 s1, $0x11  }
0xbc: {  	s0 =	sor.u32 s1, s0  }
0xbd: {  	s0 =	sadd.s32 $0x8F2B, s0  }
0xbe: {  	[sflag:s0] =	ssyncadd.remote.s32 $0x1  }
0xbf: {  	_ =	sfence.sel $0xFFFF  }
0xc0: {  	[dreg:$0x0] =	wrdreg $0xFFFFFFFF;
	(pc) =	sbr.abs _section_cstart, $3  }
0xc1: {  	[dreg:$0x1] =	wrdreg $0xFFFFFFFF  }
0xc2: {  	_ =	task.clear_ibuf [dreg:s7], $0x2FFFF;
	_ =	strace $0x9FFFFFFF  }
0xc3: {  	(tm) =	ssettm $0x7FFFFFFF  }
tec
execute0_lowered:
.L_overlay_start_1:
0x0: {  	(tag) =	ssettag $0x1  }
0x1: {  	s0 =	rddreg [dreg:$0x0]  }
0x2: {  	s2 =	rddreg [dreg:$0x1]  }
0x3: {  	s1 =	rddreg [dreg:$0x2]  }
0x4: {  	s3 =	srdreg.scid;
	s8 =	stileid.u32;
	s13 =	simm.s32 $0x1400  }
0x5: {  	s14 =	simm.s32 $0x2;
	s15 =	simm.s32 $0x80;
	s9 =	simm.s32 $0xB00  }
0x6: {  	s10 =	simm.s32 $0xB80;
	s11 =	simm.s32 $0xC00;
	s16 =	simm.s32 $0xC80  }
0x7: {  	s12 =	simm.s32 $0xD00;
	s17 =	simm.s32 $0xD80;
	s18 =	simm.s32 $0xE00  }
0x8: {  	s28 =	simm.s32 $0x1300;
	s29 =	simm.s32 $0x1380;
	s6 =	smul.u32 $0x14000, s8  }
0x9: {  	s30 =	simm.s32 $0x1;
	s4 =	sand.u32 $0x1, s3;
	s20 =	smul.u32 $0x50000, s8  }
0xa: {  	s31 =	simm.s32 $0x0;
	s3 =	simm.s32 $0x0;
	s5 =	smul.u32 $0x140000, s4  }
0xb: {  	[smem:$0x7FF] =	sst s3;
	s7 =	sshll.u32 s4, $0x4;
	s4 =	ssub.s32 $0x2, s4  }
0xc: {  	_ =	strace $0x80000047;
	s19 =	sor.u32 s8, s7;
	s5 =	sadd.s32 s6, s5  }
0xd: {  	s21 =	sshrl.u32 s4, $0x1;
	s7 =	sshrl.u32 s20, $0x2;
	s5 =	sshrl.u32 s5, $0x3  }
0xe: {  	s2 =	sadd.s32 s5, s2;
	s5 =	ssub.s32 s4, s21;
	s4 =	sadd.s32 s7, s1  }
0xf: {  	s8 =	simm.s32 $0xA80;
	s20 =	simm.s32 $0xF00;
	s7 =	sadd.s32 $0x4000, s4  }
0x10: {  	s6 =	smul.u32 $0x2800, s19;
	s22 =	sadd.s32 $0x8000, s4;
	[dreg:$0x4] =	wrdreg s7  }
0x11: {  	s19 =	simm.s32 $0xE80;
	s23 =	sadd.s32 $0xC000, s4;
	[dreg:$0x5] =	wrdreg s22  }
0x12: {  	s6 =	sshrl.u32 s6, $0x3;
	s24 =	sadd.s32 $0x10000, s4;
	[dreg:$0x7] =	wrdreg s23  }
0x13: {  	s21 =	simm.s32 $0x1000;
	s0 =	sadd.s32 s0, s6;
	[dreg:$0x8] =	wrdreg s24  }
0x14: {  	s25 =	sadd.s32 $0xCA00, s2;
	s26 =	smax.u32 s5, $0x1;
	[dreg:$0x6] =	wrdreg s0  }
0x15: {  	s5 =	simm.s32 $0x100;
	s6 =	simm.s32 $0xA00;
	[dreg:$0xa] =	wrdreg s25  }
0x16: {  	s0 =	sadd.s32 $0x280, s0;
	[dreg:$0xb] =	wrdreg s26;
	s7 =	simm.s32 $0xF80  }
0x17: {  	s22 =	simm.s32 $0x1080;
	s23 =	simm.s32 $0x1100;
	s24 =	simm.s32 $0x1180  }
0x18: {  	v0 =	vimm.f32 $0.0e+00;
	v1 =	vimm.f32 $1.000000000e+00;
	s25 =	simm.s32 $0x1200;
	s26 =	simm.s32 $0x1280;
	[dreg:$0x9] =	wrdreg s0  }
.LBB2_1:
0x19: {  	s0 =	simm.s32 $0x0;
	s2 =	simm.s32 $0x200  }
.LBB2_2:
0x1a: {  	p0 =	sne.s32 s2, $0xFE00;
	[tilespmem:s0+$0x1470] =	vst v0  }
0x1b: {  	[tilespmem:s0+$0x1400] =	vst v0  }
0x1c: {  	[tilespmem:s0+$0x1410] =	vst v0  }
.Ltmp0:
0x1d: {  	[tilespmem:s0+$0x1420] =	vst v0;
	(pc) =	sbr.rel @p0 .LBB2_2-.Ltmp0, $4  }
0x1e: {  	[tilespmem:s0+$0x1430] =	vst v0  }
0x1f: {  	[tilespmem:s0+$0x1440] =	vst v0  }
0x20: {  	[tilespmem:s0+$0x1450] =	vst v0  }
0x21: {  	[tilespmem:s0+$0x1460] =	vst v0;
	s0 =	sshra.s32 s2, $0x2;
	s2 =	sadd.s32 $0x200, s2  }
0x22: {  	[tilespmem:s0+$0x1470] =	vst v0  }
0x23: {  	[tilespmem:s0+$0x1400] =	vst v0  }
0x24: {  	[tilespmem:s0+$0x1410] =	vst v0  }
0x25: {  	[tilespmem:s0+$0x1420] =	vst v0  }
0x26: {  	[tilespmem:s0+$0x1430] =	vst v0  }
0x27: {  	[tilespmem:s0+$0x1440] =	vst v0  }
0x28: {  	[tilespmem:s0+$0x1450] =	vst v0  }
0x29: {  	[tilespmem:s0+$0x1460] =	vst v0  }
0x2a: {  	[spmem:s4] =	stream.linear.scatter [tilespmem:s13], [sflag:$0x2], $0x4000, $0x38;
	[tilespmem:$0x19400] =	vst v63  }
0x2b: {  	_ =	swait.ge [sflag:s14], $0x4000  }
0x2c: {  	[sflag:s14] =	ssyncset.done $0x0  }
0x2d: {  	s2 =	rddreg [dreg:$0x4];
	[sflag:s14] =	ssyncadd.s32 $0xFFFFC000  }
0x2e: {  	[spmem:s2] =	stream.linear.scatter [tilespmem:s13], [sflag:$0x2], $0x4000, $0x38;
	[tilespmem:$0x19400] =	vst v63  }
0x2f: {  	_ =	swait.ge [sflag:s14], $0x4000  }
0x30: {  	[sflag:s14] =	ssyncset.done $0x0  }
0x31: {  	s2 =	rddreg [dreg:$0x5];
	[sflag:s14] =	ssyncadd.s32 $0xFFFFC000  }
0x32: {  	[spmem:s2] =	stream.linear.scatter [tilespmem:s13], [sflag:$0x2], $0x4000, $0x38;
	[tilespmem:$0x19400] =	vst v63  }
0x33: {  	_ =	swait.ge [sflag:s14], $0x4000  }
0x34: {  	[sflag:s14] =	ssyncset.done $0x0  }
0x35: {  	s2 =	rddreg [dreg:$0x7];
	[sflag:s14] =	ssyncadd.s32 $0xFFFFC000  }
0x36: {  	[spmem:s2] =	stream.linear.scatter [tilespmem:s13], [sflag:$0x2], $0x4000, $0x38;
	[tilespmem:$0x19400] =	vst v63  }
0x37: {  	_ =	swait.ge [sflag:s14], $0x4000  }
0x38: {  	[sflag:s14] =	ssyncset.done $0x0  }
0x39: {  	s2 =	rddreg [dreg:$0x8];
	[sflag:s14] =	ssyncadd.s32 $0xFFFFC000  }
0x3a: {  	[spmem:s2] =	stream.linear.scatter [tilespmem:s13], [sflag:$0x2], $0x4000, $0x38;
	[tilespmem:$0x19400] =	vst v63  }
0x3b: {  	_ =	swait.ge [sflag:s14], $0x4000  }
0x3c: {  	[sflag:s14] =	ssyncset.done $0x0  }
0x3d: {  	s0 =	simm.s32 $0x0;
	s2 =	simm.s32 $0x200;
	[sflag:s14] =	ssyncadd.s32 $0xFFFFC000  }
.LBB2_4:
0x3e: {  	p0 =	sne.s32 s2, $0xFE00;
	[tilespmem:s0+$0x1470] =	vst v1  }
0x3f: {  	[tilespmem:s0+$0x1400] =	vst v1  }
0x40: {  	[tilespmem:s0+$0x1410] =	vst v1  }
.Ltmp1:
0x41: {  	[tilespmem:s0+$0x1420] =	vst v1;
	(pc) =	sbr.rel @p0 .LBB2_4-.Ltmp1, $4  }
0x42: {  	[tilespmem:s0+$0x1430] =	vst v1  }
0x43: {  	[tilespmem:s0+$0x1440] =	vst v1  }
0x44: {  	[tilespmem:s0+$0x1450] =	vst v1  }
0x45: {  	[tilespmem:s0+$0x1460] =	vst v1;
	s0 =	sshra.s32 s2, $0x2;
	s2 =	sadd.s32 $0x200, s2  }
0x46: {  	[tilespmem:s0+$0x1470] =	vst v1  }
0x47: {  	[tilespmem:s0+$0x1400] =	vst v1  }
0x48: {  	[tilespmem:s0+$0x1410] =	vst v1  }
0x49: {  	[tilespmem:s0+$0x1420] =	vst v1  }
0x4a: {  	[tilespmem:s0+$0x1430] =	vst v1  }
0x4b: {  	[tilespmem:s0+$0x1440] =	vst v1  }
0x4c: {  	[tilespmem:s0+$0x1450] =	vst v1  }
0x4d: {  	[tilespmem:s0+$0x1460] =	vst v1  }
0x4e: {  	[bflag:$0x0] =	sbarrier.arrive $0xFFFF  }
0x4f: {  	s2 =	rddreg [dreg:$0x6]  }
0x50: {  	[tilespmem:s3], [sflag:$0x2] =	stream.linear.gather [hbm4b:s2+s3], $0x1400, $0x38;
	[tilespmem:$0x19400] =	vst v63  }
0x51: {  	_ =	swait.ge [sflag:s14], $0x1400  }
0x52: {  	[sflag:s14] =	ssyncset.done $0x0  }
0x53: {  	[sflag:s14] =	ssyncadd.s32 $0xFFFFEC00  }
0x54: {  	[spmem:s1] =	stream.indirect.scatter.add.f32 [tilespmem:s13], [sflag:$0x1], $0x80, s3, s15, $0xb8;
	[tilespmem:$0x19400] =	vst v63  }
0x55: {  	_ = 	snop  }
0x56: {  	[spmem:s1] =	stream.indirect.scatter.add.f32 [tilespmem:s13], [sflag:$0x1], $0x80, s15, s15, $0xb8;
	[tilespmem:$0x19400] =	vst v63  }
0x57: {  	_ = 	snop  }
0x58: {  	[spmem:s1] =	stream.indirect.scatter.add.f32 [tilespmem:s13], [sflag:$0x1], $0x80, s5, s15, $0xb8;
	[tilespmem:$0x19400] =	vst v63  }
0x59: {  	s2 =	simm.s32 $0x180  }
0x5a: {  	[spmem:s1] =	stream.indirect.scatter.add.f32 [tilespmem:s13], [sflag:$0x1], $0x80, s2, s15, $0xb8;
	[tilespmem:$0x19400] =	vst v63  }
0x5b: {  	s2 =	simm.s32 $0x200  }
0x5c: {  	[spmem:s1] =	stream.indirect.scatter.add.f32 [tilespmem:s13], [sflag:$0x1], $0x80, s2, s15, $0xb8;
	[tilespmem:$0x19400] =	vst v63  }
0x5d: {  	s2 =	simm.s32 $0x280  }
0x5e: {  	[spmem:s1] =	stream.indirect.scatter.add.f32 [tilespmem:s13], [sflag:$0x1], $0x80, s2, s15, $0xb8;
	[tilespmem:$0x19400] =	vst v63  }
0x5f: {  	s2 =	simm.s32 $0x300  }
0x60: {  	[spmem:s1] =	stream.indirect.scatter.add.f32 [tilespmem:s13], [sflag:$0x1], $0x80, s2, s15, $0xb8;
	[tilespmem:$0x19400] =	vst v63  }
0x61: {  	s2 =	simm.s32 $0x380  }
0x62: {  	[spmem:s1] =	stream.indirect.scatter.add.f32 [tilespmem:s13], [sflag:$0x1], $0x80, s2, s15, $0xb8;
	[tilespmem:$0x19400] =	vst v63  }
0x63: {  	s2 =	simm.s32 $0x400  }
0x64: {  	[spmem:s1] =	stream.indirect.scatter.add.f32 [tilespmem:s13], [sflag:$0x1], $0x80, s2, s15, $0xb8;
	[tilespmem:$0x19400] =	vst v63  }
0x65: {  	s2 =	simm.s32 $0x480  }
0x66: {  	[spmem:s1] =	stream.indirect.scatter.add.f32 [tilespmem:s13], [sflag:$0x1], $0x80, s2, s15, $0xb8;
	[tilespmem:$0x19400] =	vst v63  }
0x67: {  	s2 =	simm.s32 $0x500  }
0x68: {  	[spmem:s1] =	stream.indirect.scatter.add.f32 [tilespmem:s13], [sflag:$0x1], $0x80, s2, s15, $0xb8;
	[tilespmem:$0x19400] =	vst v63  }
0x69: {  	s2 =	simm.s32 $0x580  }
0x6a: {  	[spmem:s1] =	stream.indirect.scatter.add.f32 [tilespmem:s13], [sflag:$0x1], $0x80, s2, s15, $0xb8;
	[tilespmem:$0x19400] =	vst v63  }
0x6b: {  	s2 =	simm.s32 $0x600  }
0x6c: {  	[spmem:s1] =	stream.indirect.scatter.add.f32 [tilespmem:s13], [sflag:$0x1], $0x80, s2, s15, $0xb8;
	[tilespmem:$0x19400] =	vst v63  }
0x6d: {  	s2 =	simm.s32 $0x680  }
0x6e: {  	[spmem:s1] =	stream.indirect.scatter.add.f32 [tilespmem:s13], [sflag:$0x1], $0x80, s2, s15, $0xb8;
	[tilespmem:$0x19400] =	vst v63  }
0x6f: {  	s2 =	simm.s32 $0x700  }
0x70: {  	[spmem:s1] =	stream.indirect.scatter.add.f32 [tilespmem:s13], [sflag:$0x1], $0x80, s2, s15, $0xb8;
	[tilespmem:$0x19400] =	vst v63  }
0x71: {  	s2 =	simm.s32 $0x780  }
0x72: {  	[spmem:s1] =	stream.indirect.scatter.add.f32 [tilespmem:s13], [sflag:$0x1], $0x80, s2, s15, $0xb8;
	[tilespmem:$0x19400] =	vst v63  }
0x73: {  	s2 =	simm.s32 $0x800  }
0x74: {  	[spmem:s1] =	stream.indirect.scatter.add.f32 [tilespmem:s13], [sflag:$0x1], $0x80, s2, s15, $0xb8;
	[tilespmem:$0x19400] =	vst v63  }
0x75: {  	s2 =	simm.s32 $0x880  }
0x76: {  	[spmem:s1] =	stream.indirect.scatter.add.f32 [tilespmem:s13], [sflag:$0x1], $0x80, s2, s15, $0xb8;
	[tilespmem:$0x19400] =	vst v63  }
0x77: {  	s2 =	simm.s32 $0x900  }
0x78: {  	[spmem:s1] =	stream.indirect.scatter.add.f32 [tilespmem:s13], [sflag:$0x1], $0x80, s2, s15, $0xb8;
	[tilespmem:$0x19400] =	vst v63  }
0x79: {  	s2 =	simm.s32 $0x980  }
0x7a: {  	[spmem:s1] =	stream.indirect.scatter.add.f32 [tilespmem:s13], [sflag:$0x1], $0x80, s2, s15, $0xb8;
	[tilespmem:$0x19400] =	vst v63  }
0x7b: {  	_ = 	snop  }
0x7c: {  	[spmem:s1] =	stream.indirect.scatter.add.f32 [tilespmem:s13], [sflag:$0x1], $0x80, s6, s15, $0xb8;
	[tilespmem:$0x19400] =	vst v63  }
0x7d: {  	_ = 	snop  }
0x7e: {  	[spmem:s1] =	stream.indirect.scatter.add.f32 [tilespmem:s13], [sflag:$0x1], $0x80, s8, s15, $0xb8;
	[tilespmem:$0x19400] =	vst v63  }
0x7f: {  	_ = 	snop  }
0x80: {  	[spmem:s1] =	stream.indirect.scatter.add.f32 [tilespmem:s13], [sflag:$0x1], $0x80, s9, s15, $0xb8;
	[tilespmem:$0x19400] =	vst v63  }
0x81: {  	_ = 	snop  }
0x82: {  	[spmem:s1] =	stream.indirect.scatter.add.f32 [tilespmem:s13], [sflag:$0x1], $0x80, s10, s15, $0xb8;
	[tilespmem:$0x19400] =	vst v63  }
0x83: {  	_ = 	snop  }
0x84: {  	[spmem:s1] =	stream.indirect.scatter.add.f32 [tilespmem:s13], [sflag:$0x1], $0x80, s11, s15, $0xb8;
	[tilespmem:$0x19400] =	vst v63  }
0x85: {  	_ = 	snop  }
0x86: {  	[spmem:s1] =	stream.indirect.scatter.add.f32 [tilespmem:s13], [sflag:$0x1], $0x80, s16, s15, $0xb8;
	[tilespmem:$0x19400] =	vst v63  }
0x87: {  	_ = 	snop  }
0x88: {  	[spmem:s1] =	stream.indirect.scatter.add.f32 [tilespmem:s13], [sflag:$0x1], $0x80, s12, s15, $0xb8;
	[tilespmem:$0x19400] =	vst v63  }
0x89: {  	_ = 	snop  }
0x8a: {  	[spmem:s1] =	stream.indirect.scatter.add.f32 [tilespmem:s13], [sflag:$0x1], $0x80, s17, s15, $0xb8;
	[tilespmem:$0x19400] =	vst v63  }
0x8b: {  	_ = 	snop  }
0x8c: {  	[spmem:s1] =	stream.indirect.scatter.add.f32 [tilespmem:s13], [sflag:$0x1], $0x80, s18, s15, $0xb8;
	[tilespmem:$0x19400] =	vst v63  }
0x8d: {  	_ = 	snop  }
0x8e: {  	[spmem:s1] =	stream.indirect.scatter.add.f32 [tilespmem:s13], [sflag:$0x1], $0x80, s19, s15, $0xb8;
	[tilespmem:$0x19400] =	vst v63  }
0x8f: {  	_ = 	snop  }
0x90: {  	[spmem:s1] =	stream.indirect.scatter.add.f32 [tilespmem:s13], [sflag:$0x1], $0x80, s20, s15, $0xb8;
	[tilespmem:$0x19400] =	vst v63  }
0x91: {  	_ = 	snop  }
0x92: {  	[spmem:s1] =	stream.indirect.scatter.add.f32 [tilespmem:s13], [sflag:$0x1], $0x80, s7, s15, $0xb8;
	[tilespmem:$0x19400] =	vst v63  }
0x93: {  	_ = 	snop  }
0x94: {  	[spmem:s1] =	stream.indirect.scatter.add.f32 [tilespmem:s13], [sflag:$0x1], $0x80, s21, s15, $0xb8;
	[tilespmem:$0x19400] =	vst v63  }
0x95: {  	_ = 	snop  }
0x96: {  	[spmem:s1] =	stream.indirect.scatter.add.f32 [tilespmem:s13], [sflag:$0x1], $0x80, s22, s15, $0xb8;
	[tilespmem:$0x19400] =	vst v63  }
0x97: {  	_ = 	snop  }
0x98: {  	[spmem:s1] =	stream.indirect.scatter.add.f32 [tilespmem:s13], [sflag:$0x1], $0x80, s23, s15, $0xb8;
	[tilespmem:$0x19400] =	vst v63  }
0x99: {  	_ = 	snop  }
0x9a: {  	[spmem:s1] =	stream.indirect.scatter.add.f32 [tilespmem:s13], [sflag:$0x1], $0x80, s24, s15, $0xb8;
	[tilespmem:$0x19400] =	vst v63  }
0x9b: {  	_ = 	snop  }
0x9c: {  	[spmem:s1] =	stream.indirect.scatter.add.f32 [tilespmem:s13], [sflag:$0x1], $0x80, s25, s15, $0xb8;
	[tilespmem:$0x19400] =	vst v63  }
0x9d: {  	_ = 	snop  }
0x9e: {  	[spmem:s1] =	stream.indirect.scatter.add.f32 [tilespmem:s13], [sflag:$0x1], $0x80, s26, s15, $0xb8;
	[tilespmem:$0x19400] =	vst v63  }
0x9f: {  	_ = 	snop  }
0xa0: {  	[spmem:s1] =	stream.indirect.scatter.add.f32 [tilespmem:s13], [sflag:$0x1], $0x80, s28, s15, $0xb8;
	[tilespmem:$0x19400] =	vst v63  }
0xa1: {  	_ = 	snop  }
0xa2: {  	[spmem:s1] =	stream.indirect.scatter.add.f32 [tilespmem:s13], [sflag:$0x1], $0x80, s29, s15, $0xb8;
	[tilespmem:$0x19400] =	vst v63  }
0xa3: {  	_ =	swait.ge [sflag:s30], $0x4000  }
0xa4: {  	s0 =	simm.s32 $0x27;
	[sflag:s30] =	ssyncset.done $0x0  }
.LBB2_6:
0xa5: {  	p0 =	sne.s32 s0, $0x1;
	s0 =	sadd.s32 $0xFFFFFFFF, s0;
	[sflag:s30] =	ssyncadd.s32 $0xFFFFC000  }
.Ltmp2:
0xa6: {  	(pc) =	sbr.rel @p0 .LBB2_6-.Ltmp2, $3  }
0xa7: {  	_ =	sdelay $0x1  }
0xa8: {  	_ =	swait.ge [sflag:s30], $0x4000  }
0xa9: {  	[sflag:s30] =	ssyncset.done $0x0  }
0xaa: {  	[sflag:s30] =	ssyncadd.s32 $0xFFFFC000;
	s0 =	rddreg [dreg:$0x9]  }
0xab: {  	[tilespmem:s3], [sflag:$0x2] =	stream.linear.gather [hbm4b:s0+s3], $0x1400, $0x38;
	[tilespmem:$0x19400] =	vst v63  }
0xac: {  	_ =	swait.ge [sflag:s14], $0x1400  }
0xad: {  	[sflag:s14] =	ssyncset.done $0x0  }
0xae: {  	[sflag:s14] =	ssyncadd.s32 $0xFFFFEC00  }
0xaf: {  	[spmem:s1] =	stream.indirect.scatter.add.f32 [tilespmem:s13], [sflag:$0x1], $0x80, s3, s15, $0xb8;
	[tilespmem:$0x19400] =	vst v63  }
0xb0: {  	_ = 	snop  }
0xb1: {  	[spmem:s1] =	stream.indirect.scatter.add.f32 [tilespmem:s13], [sflag:$0x1], $0x80, s15, s15, $0xb8;
	[tilespmem:$0x19400] =	vst v63  }
0xb2: {  	_ = 	snop  }
0xb3: {  	[spmem:s1] =	stream.indirect.scatter.add.f32 [tilespmem:s13], [sflag:$0x1], $0x80, s5, s15, $0xb8;
	[tilespmem:$0x19400] =	vst v63  }
0xb4: {  	s5 =	simm.s32 $0x180  }
0xb5: {  	[spmem:s1] =	stream.indirect.scatter.add.f32 [tilespmem:s13], [sflag:$0x1], $0x80, s5, s15, $0xb8;
	[tilespmem:$0x19400] =	vst v63  }
0xb6: {  	s2 =	simm.s32 $0x200  }
0xb7: {  	[spmem:s1] =	stream.indirect.scatter.add.f32 [tilespmem:s13], [sflag:$0x1], $0x80, s2, s15, $0xb8;
	[tilespmem:$0x19400] =	vst v63  }
0xb8: {  	s5 =	simm.s32 $0x280  }
0xb9: {  	[spmem:s1] =	stream.indirect.scatter.add.f32 [tilespmem:s13], [sflag:$0x1], $0x80, s5, s15, $0xb8;
	[tilespmem:$0x19400] =	vst v63  }
0xba: {  	s2 =	simm.s32 $0x300  }
0xbb: {  	[spmem:s1] =	stream.indirect.scatter.add.f32 [tilespmem:s13], [sflag:$0x1], $0x80, s2, s15, $0xb8;
	[tilespmem:$0x19400] =	vst v63  }
0xbc: {  	s5 =	simm.s32 $0x380  }
0xbd: {  	[spmem:s1] =	stream.indirect.scatter.add.f32 [tilespmem:s13], [sflag:$0x1], $0x80, s5, s15, $0xb8;
	[tilespmem:$0x19400] =	vst v63  }
0xbe: {  	s2 =	simm.s32 $0x400  }
0xbf: {  	[spmem:s1] =	stream.indirect.scatter.add.f32 [tilespmem:s13], [sflag:$0x1], $0x80, s2, s15, $0xb8;
	[tilespmem:$0x19400] =	vst v63  }
0xc0: {  	s5 =	simm.s32 $0x480  }
0xc1: {  	[spmem:s1] =	stream.indirect.scatter.add.f32 [tilespmem:s13], [sflag:$0x1], $0x80, s5, s15, $0xb8;
	[tilespmem:$0x19400] =	vst v63  }
0xc2: {  	s2 =	simm.s32 $0x500  }
0xc3: {  	[spmem:s1] =	stream.indirect.scatter.add.f32 [tilespmem:s13], [sflag:$0x1], $0x80, s2, s15, $0xb8;
	[tilespmem:$0x19400] =	vst v63  }
0xc4: {  	s5 =	simm.s32 $0x580  }
0xc5: {  	[spmem:s1] =	stream.indirect.scatter.add.f32 [tilespmem:s13], [sflag:$0x1], $0x80, s5, s15, $0xb8;
	[tilespmem:$0x19400] =	vst v63  }
0xc6: {  	s2 =	simm.s32 $0x600  }
0xc7: {  	[spmem:s1] =	stream.indirect.scatter.add.f32 [tilespmem:s13], [sflag:$0x1], $0x80, s2, s15, $0xb8;
	[tilespmem:$0x19400] =	vst v63  }
0xc8: {  	s5 =	simm.s32 $0x680  }
0xc9: {  	[spmem:s1] =	stream.indirect.scatter.add.f32 [tilespmem:s13], [sflag:$0x1], $0x80, s5, s15, $0xb8;
	[tilespmem:$0x19400] =	vst v63  }
0xca: {  	s2 =	simm.s32 $0x700  }
0xcb: {  	[spmem:s1] =	stream.indirect.scatter.add.f32 [tilespmem:s13], [sflag:$0x1], $0x80, s2, s15, $0xb8;
	[tilespmem:$0x19400] =	vst v63  }
0xcc: {  	s5 =	simm.s32 $0x780  }
0xcd: {  	[spmem:s1] =	stream.indirect.scatter.add.f32 [tilespmem:s13], [sflag:$0x1], $0x80, s5, s15, $0xb8;
	[tilespmem:$0x19400] =	vst v63  }
0xce: {  	s2 =	simm.s32 $0x800  }
0xcf: {  	[spmem:s1] =	stream.indirect.scatter.add.f32 [tilespmem:s13], [sflag:$0x1], $0x80, s2, s15, $0xb8;
	[tilespmem:$0x19400] =	vst v63  }
0xd0: {  	s5 =	simm.s32 $0x880  }
0xd1: {  	[spmem:s1] =	stream.indirect.scatter.add.f32 [tilespmem:s13], [sflag:$0x1], $0x80, s5, s15, $0xb8;
	[tilespmem:$0x19400] =	vst v63  }
0xd2: {  	s2 =	simm.s32 $0x900  }
0xd3: {  	[spmem:s1] =	stream.indirect.scatter.add.f32 [tilespmem:s13], [sflag:$0x1], $0x80, s2, s15, $0xb8;
	[tilespmem:$0x19400] =	vst v63  }
0xd4: {  	s5 =	simm.s32 $0x980  }
0xd5: {  	[spmem:s1] =	stream.indirect.scatter.add.f32 [tilespmem:s13], [sflag:$0x1], $0x80, s5, s15, $0xb8;
	[tilespmem:$0x19400] =	vst v63  }
0xd6: {  	_ = 	snop  }
0xd7: {  	[spmem:s1] =	stream.indirect.scatter.add.f32 [tilespmem:s13], [sflag:$0x1], $0x80, s6, s15, $0xb8;
	[tilespmem:$0x19400] =	vst v63  }
0xd8: {  	_ = 	snop  }
0xd9: {  	[spmem:s1] =	stream.indirect.scatter.add.f32 [tilespmem:s13], [sflag:$0x1], $0x80, s8, s15, $0xb8;
	[tilespmem:$0x19400] =	vst v63  }
0xda: {  	_ = 	snop  }
0xdb: {  	[spmem:s1] =	stream.indirect.scatter.add.f32 [tilespmem:s13], [sflag:$0x1], $0x80, s9, s15, $0xb8;
	[tilespmem:$0x19400] =	vst v63  }
0xdc: {  	_ = 	snop  }
0xdd: {  	[spmem:s1] =	stream.indirect.scatter.add.f32 [tilespmem:s13], [sflag:$0x1], $0x80, s10, s15, $0xb8;
	[tilespmem:$0x19400] =	vst v63  }
0xde: {  	_ = 	snop  }
0xdf: {  	[spmem:s1] =	stream.indirect.scatter.add.f32 [tilespmem:s13], [sflag:$0x1], $0x80, s11, s15, $0xb8;
	[tilespmem:$0x19400] =	vst v63  }
0xe0: {  	_ = 	snop  }
0xe1: {  	[spmem:s1] =	stream.indirect.scatter.add.f32 [tilespmem:s13], [sflag:$0x1], $0x80, s16, s15, $0xb8;
	[tilespmem:$0x19400] =	vst v63  }
0xe2: {  	_ = 	snop  }
0xe3: {  	[spmem:s1] =	stream.indirect.scatter.add.f32 [tilespmem:s13], [sflag:$0x1], $0x80, s12, s15, $0xb8;
	[tilespmem:$0x19400] =	vst v63  }
0xe4: {  	_ = 	snop  }
0xe5: {  	[spmem:s1] =	stream.indirect.scatter.add.f32 [tilespmem:s13], [sflag:$0x1], $0x80, s17, s15, $0xb8;
	[tilespmem:$0x19400] =	vst v63  }
0xe6: {  	_ = 	snop  }
0xe7: {  	[spmem:s1] =	stream.indirect.scatter.add.f32 [tilespmem:s13], [sflag:$0x1], $0x80, s18, s15, $0xb8;
	[tilespmem:$0x19400] =	vst v63  }
0xe8: {  	_ = 	snop  }
0xe9: {  	[spmem:s1] =	stream.indirect.scatter.add.f32 [tilespmem:s13], [sflag:$0x1], $0x80, s19, s15, $0xb8;
	[tilespmem:$0x19400] =	vst v63  }
0xea: {  	_ = 	snop  }
0xeb: {  	[spmem:s1] =	stream.indirect.scatter.add.f32 [tilespmem:s13], [sflag:$0x1], $0x80, s20, s15, $0xb8;
	[tilespmem:$0x19400] =	vst v63  }
0xec: {  	_ = 	snop  }
0xed: {  	[spmem:s1] =	stream.indirect.scatter.add.f32 [tilespmem:s13], [sflag:$0x1], $0x80, s7, s15, $0xb8;
	[tilespmem:$0x19400] =	vst v63  }
0xee: {  	_ = 	snop  }
0xef: {  	[spmem:s1] =	stream.indirect.scatter.add.f32 [tilespmem:s13], [sflag:$0x1], $0x80, s21, s15, $0xb8;
	[tilespmem:$0x19400] =	vst v63  }
0xf0: {  	_ = 	snop  }
0xf1: {  	[spmem:s1] =	stream.indirect.scatter.add.f32 [tilespmem:s13], [sflag:$0x1], $0x80, s22, s15, $0xb8;
	[tilespmem:$0x19400] =	vst v63  }
0xf2: {  	_ = 	snop  }
0xf3: {  	[spmem:s1] =	stream.indirect.scatter.add.f32 [tilespmem:s13], [sflag:$0x1], $0x80, s23, s15, $0xb8;
	[tilespmem:$0x19400] =	vst v63  }
0xf4: {  	_ = 	snop  }
0xf5: {  	[spmem:s1] =	stream.indirect.scatter.add.f32 [tilespmem:s13], [sflag:$0x1], $0x80, s24, s15, $0xb8;
	[tilespmem:$0x19400] =	vst v63  }
0xf6: {  	_ = 	snop  }
0xf7: {  	[spmem:s1] =	stream.indirect.scatter.add.f32 [tilespmem:s13], [sflag:$0x1], $0x80, s25, s15, $0xb8;
	[tilespmem:$0x19400] =	vst v63  }
0xf8: {  	_ = 	snop  }
0xf9: {  	[spmem:s1] =	stream.indirect.scatter.add.f32 [tilespmem:s13], [sflag:$0x1], $0x80, s26, s15, $0xb8;
	[tilespmem:$0x19400] =	vst v63  }
0xfa: {  	_ = 	snop  }
0xfb: {  	[spmem:s1] =	stream.indirect.scatter.add.f32 [tilespmem:s13], [sflag:$0x1], $0x80, s28, s15, $0xb8;
	[tilespmem:$0x19400] =	vst v63  }
0xfc: {  	_ = 	snop  }
0xfd: {  	[spmem:s1] =	stream.indirect.scatter.add.f32 [tilespmem:s13], [sflag:$0x1], $0x80, s29, s15, $0xb8;
	[tilespmem:$0x19400] =	vst v63  }
0xfe: {  	_ =	swait.ge [sflag:s30], $0x4000  }
0xff: {  	s0 =	simm.s32 $0x27;
	[sflag:s30] =	ssyncset.done $0x0  }
.LBB2_8:
0x100: {  	p0 =	sne.s32 s0, $0x1;
	s0 =	sadd.s32 $0xFFFFFFFF, s0;
	[sflag:s30] =	ssyncadd.s32 $0xFFFFC000  }
.Ltmp3:
0x101: {  	(pc) =	sbr.rel @p0 .LBB2_8-.Ltmp3, $3  }
0x102: {  	_ =	sdelay $0x1  }
0x103: {  	_ =	swait.ge [sflag:s30], $0x4000  }
0x104: {  	[sflag:s30] =	ssyncset.done $0x0  }
0x105: {  	[sflag:s30] =	ssyncadd.s32 $0xFFFFC000;
	s0 =	stileid.u32  }
0x106: {  	s0 =	sshll.u32 s0, $0x6;
	[bflag:$0x0] =	sbarrier.arrive $0xFFFF  }
0x107: {  	s2 =	sshrl.u32 s4, $0x3;
	s0 =	sor.u32 $0x1C02, s0;
	s5 =	rddreg [dreg:$0xa]  }
0x108: {  	[hbm:s5], [sflag:s0] =	dma.local [spmem:s2], $0x2800  }
0x109: {  	_ =	swait.ge [sflag:s14], $0x2800  }
0x10a: {  	s31 =	sadd.s32 $0x1, s31;
	s5 =	rddreg [dreg:$0xb]  }
0x10b: {  	p0 =	sne.s32 s31, s5  }
.Ltmp4:
0x10c: {  	_ = 	snop;
	(pc) =	sbr.rel @p0 .LBB2_1-.Ltmp4, $3  }
0x10d: {  	_ =	sdelay $0x1  }
0x10e: {  	[sflag:s14] =	ssyncset.done $0x0  }
0x10f: {  	[sflag:s14] =	ssyncadd.s32 $0xFFFFD800;
	s5 =	simm.s32 $0x100  }
0x110: {  	_ =	sfence.sel $0x180000  }
0x111: {  	[bflag:$0x0] =	sbarrier.arrive $0xFFFF  }
0x112: {  	_ =	strace $0x90000047  }
0x113: {  	s0 =	stileid.u32;
	[bflag:$0x2] =	sbarrier.arrive $0xFFFF  }
0x114: {  	p0 =	sne.s32 s0, $0x0;
	s0 =	rddreg [dreg:$0x3]  }
0x115: {  	s0 =	sadd.s32 @!p0 $0x100000, s0  }
0x116: {  	[sflag:s0] =	ssyncadd.tile.s32 @!p0 $0x1;
	_ =	shalt  }
.Lfunc_end2:
_tile_overlayer_lowered:
.L_overlay_start_2:
0x117: {  	(tag) =	ssettag $0x2  }
0x118: {  	s0 =	rddreg [dreg:$0x0];
	s2 =	stileid.u32  }
0x119: {  	s1 =	rddreg [dreg:$0x1];
	p0 =	sne.s32 s2, $0x0  }
0x11a: {  	s3 =	rddreg [dreg:$0x2];
	[bflag:$0x3] =	sbarrier.arrive $0xFFFF;
	s2 =	simm.s32 @!p0 $0x1C02  }
0x11b: {  	[timem:s3], [sflag:s2] =	dma.local @!p0 [hbm:s0], s1  }
0x11c: {  	s0 =	simm.s32 @!p0 $0x2  }
0x11d: {  	_ =	swait.ge @!p0 [sflag:s0], s1  }
0x11e: {  	s1 =	ssub.s32 @!p0 $0x0, s1;
	[sflag:s0] =	ssyncset.done @!p0 $0x0  }
0x11f: {  	[sflag:s0] =	ssyncadd.s32 @!p0 s1  }
0x120: {  	[bflag:$0x3] =	sbarrier.arrive $0xFFFF  }
0x121: {  	_ =	shalt  }

</sc_bundles>
